<compile_context>
chip_gen: v7x
topology: tpu7x:2x2x1
jax: 0.10.2.dev20260603
libtpu: 0.0.44.dev20260713+nightly
codegen_flags: <defaults>
</compile_context>

<pallas_src>
import functools

import jax
import jax.numpy as jnp
from jax.experimental import pallas as pl
from jax.experimental.pallas import tpu as pltpu

NEG = 0.01
NEG2 = 0.2
EPS = 1e-5
_BN = (1.0 + EPS) ** -0.5
HI = jax.lax.Precision.HIGHEST


def _leaky(v, s):
    return jnp.where(v >= 0, v, s * v)


def _dbf(a, b):
    return jnp.dot(a.astype(jnp.bfloat16), b.astype(jnp.bfloat16),
                   preferred_element_type=jnp.float32)


def _dbft(a, b):
    return jax.lax.dot_general(
        a.astype(jnp.bfloat16), b.astype(jnp.bfloat16),
        (((1,), (1,)), ((), ())), preferred_element_type=jnp.float32)


def _head_kernel(x_ref, z_ref, h1a_ref, h1b_ref, h1bb_ref, h2t_ref, h2b_ref,
                 p1t_ref, p1b_ref, p2t_ref, p2b_ref, style_ref, pc_ref):
    x = x_ref[0]
    z = z_ref[0]
    zn = z / (jnp.sqrt(jnp.sum(z * z, axis=1, keepdims=True)) + 1e-8)
    s1 = _leaky(_dbf(x, h1a_ref[...]) + _dbf(zn, h1b_ref[...]) + h1bb_ref[...],
                NEG)
    style_ref[0] = _leaky(_dbf(s1, h2t_ref[...]) + h2b_ref[...], NEG)
    p1 = _leaky(_dbf(x, p1t_ref[...]) + p1b_ref[...], NEG)
    pc_ref[0] = _leaky(_dbf(p1, p2t_ref[...]) + p2b_ref[...], NEG)


def _extract_kernel(xin_ref, idx_ref, db_ref, *, blk, k):
    xin = xin_ref[0]
    n = xin.shape[0]
    off = pl.program_id(0) * n
    sqt = jnp.sum(xin * xin, axis=1, keepdims=True).T
    iota = jax.lax.broadcasted_iota(jnp.int32, (blk, n), 1)
    lane = jax.lax.broadcasted_iota(jnp.int32, (blk, k), 1)

    def body(i, carry):
        r0 = i * blk
        c = xin_ref[0, pl.ds(r0, blk), :]
        sqb = jnp.sum(c * c, axis=1, keepdims=True)
        db_ref[...] = sqb + sqt - 2.0 * _dbft(c, xin)

        def extract(j, ib):
            db = db_ref[...]
            idx = jnp.argmin(db, axis=1)[:, None]
            onehot = iota == idx
            db_ref[...] = jnp.where(onehot, 1e30, db)
            return jnp.where(lane == j - 1,
                             jnp.broadcast_to(idx + off, (blk, k)), ib)

        ib = jax.lax.fori_loop(0, k + 1, extract,
                               jnp.zeros((blk, k), jnp.int32), unroll=2)
        idx_ref[0, pl.ds(r0, blk), :] = ib
        return carry

    jax.lax.fori_loop(0, n // blk, body, 0)


def _conv_kernel(nb_ref, xin_ref, w1t_ref, w1b_ref, w2t_ref, w2b_ref,
                 xct_ref, xnt_ref, xb_ref, otf_ref, ob_ref,
                 out_ref, *, blk, k):
    c = xin_ref[0]
    cd = c.shape[1]
    nb = nb_ref[0].reshape(k * blk, cd)
    cb = jnp.broadcast_to(c[None], (k, blk, cd)).reshape(k * blk, cd)
    df = nb - cb
    w = _leaky((_dbf(df, w1t_ref[...]) + w1b_ref[...]) * _BN, NEG)
    w = _leaky((_dbf(w, w2t_ref[...]) + w2b_ref[...]) * _BN, NEG)
    xc = jnp.broadcast_to(_dbf(c, xct_ref[...])[None],
                          (k, blk, cd)).reshape(k * blk, cd)
    xx = _leaky((xc + _dbf(df, xnt_ref[...]) + xb_ref[...]) * _BN, NEG)
    w3 = w.reshape(k, blk, cd)
    e = jnp.exp(w3 - jnp.max(w3, axis=0, keepdims=True))
    sm = e / jnp.sum(e, axis=0, keepdims=True)
    xxw = xx.reshape(k, blk, cd) * sm
    flat = jnp.swapaxes(xxw, 0, 1).reshape(blk, k * cd)
    out_ref[0] = _dbf(flat, otf_ref[...]) + ob_ref[...]


def _adain_kernel(raw_ref, style_ref, at_ref, ab_ref, out_ref):
    x1 = _leaky(raw_ref[0], NEG2)
    m = jnp.mean(x1, axis=0, keepdims=True)
    v = jnp.mean((x1 - m) ** 2, axis=0, keepdims=True)
    xh = (x1 - m) / jnp.sqrt(v + EPS)
    s = _dbf(style_ref[0], at_ref[...]) + ab_ref[...]
    cdim = x1.shape[1]
    out_ref[0] = s[:, :cdim] * xh + s[:, cdim:]


def _sc_gather(table, idx):
    from jax.experimental.pallas import tpu_sc as plsc
    bt = idx.shape[0]
    d = table.shape[1]
    nc, ns = 2, 16
    nw = nc * ns
    b_per_w = bt // nw
    ch = min(512, b_per_w)
    nch = b_per_w // ch
    mesh = plsc.VectorSubcoreMesh(core_axis_name="c", subcore_axis_name="s")

    @functools.partial(
        pl.kernel, mesh=mesh,
        out_type=jax.ShapeDtypeStruct((bt, d), jnp.float32),
        scratch_types=[
            pltpu.VMEM((ch,), jnp.int32),
            pltpu.VMEM((ch, d), jnp.float32),
            pltpu.SemaphoreType.DMA,
        ],
    )
    def gk(table_hbm, idx_hbm, out_hbm, idx_v, rows_v, sem):
        wid = jax.lax.axis_index("s") * nc + jax.lax.axis_index("c")
        base = wid * b_per_w
        for ci in range(nch):
            o = base + ci * ch
            pltpu.sync_copy(idx_hbm.at[pl.ds(o, ch)], idx_v)
            pltpu.async_copy(table_hbm.at[idx_v], rows_v, sem).wait()
            pltpu.sync_copy(rows_v, out_hbm.at[pl.ds(o, ch)])

    return gk(table, idx)


def _tail_kernel(x2_ref, g1t_ref, g1b_ref, g2t_ref, g2b_ref, ata_ref, atb_ref,
                 apa_ref, apb_ref, aga_ref, agb_ref, aota_ref, aotb_ref,
                 m1a_ref, m1fg_ref, m1b_ref, gam_ref, m2t_ref, m2b_ref,
                 m3t_ref, m3b_ref, wh_ref, bh_ref, out_ref):
    x2 = x2_ref[0]
    n = x2.shape[0]
    gam = gam_ref[...]
    fgm = jnp.max(x2, axis=0, keepdims=True)
    fg1 = _leaky((_dbf(fgm, g1t_ref[...]) + g1b_ref[...]) * _BN, NEG)
    fg2 = _leaky((_dbf(fg1, g2t_ref[...]) + g2b_ref[...]) * _BN, NEG)
    theta = _dbf(x2, ata_ref[...]) + _dbf(fg2, atb_ref[...])
    phi = _dbf(x2, apa_ref[...]) + _dbf(fg2, apb_ref[...])
    gv = _dbf(x2, aga_ref[...]) + _dbf(fg2, agb_ref[...])
    logits = _dbft(theta, phi)
    e = jnp.exp(logits - jnp.max(logits, axis=1, keepdims=True))
    beta = e / jnp.sum(e, axis=1, keepdims=True)
    o_pre = _dbf(beta, gv)
    feat_a = gam * _dbf(o_pre, aota_ref[...]) + x2
    feat_b = (gam * _dbf(o_pre, aotb_ref[...])
              + jnp.broadcast_to(fg2, (n, fg2.shape[1])))
    m1in = _dbf(feat_a, m1a_ref[...]) + _dbf(feat_b, m1fg_ref[...]) + m1b_ref[...]
    h = jax.nn.silu(m1in)
    h = jax.nn.silu(_dbf(h, m2t_ref[...]) + m2b_ref[...])
    h = jax.nn.silu(_dbf(h, m3t_ref[...]) + m3b_ref[...])
    raw = _dbf(h, wh_ref[...]) + bh_ref[...]
    col = jax.lax.broadcasted_iota(jnp.int32, raw.shape, 1)
    sc = jnp.clip(jnp.exp(raw), 0.0, 0.02)
    nrm = jnp.sqrt(jnp.sum(raw * raw, axis=0, keepdims=True))
    rot = raw / jnp.maximum(nrm, 1e-12)
    sg = jax.nn.sigmoid(raw)
    xyz = jnp.tanh(raw * 0.1) * 0.6
    out_ref[0] = jnp.where(col < 3, sc,
                 jnp.where(col < 7, rot,
                 jnp.where(col < 11, sg, xyz)))


def _bb(shape):
    nz = len(shape)
    return pl.BlockSpec((1,) + shape, lambda b, _n=nz: (b,) + (0,) * _n)


def _bf(arr):
    nd = arr.ndim
    return pl.BlockSpec(arr.shape, lambda b, _n=nd: (0,) * _n)


_CP = pltpu.CompilerParams(vmem_limit_bytes=63 * 1024 * 1024)


def kernel(x, z, params):
    p = params
    B, N, _ = x.shape
    f32 = jnp.float32
    k = 16
    blk = 512 if N % 512 == 0 else N
    eblk = 1024 if N % 1024 == 0 else N

    def t(w):
        return jnp.asarray(w, f32).T

    def rb(b):
        return jnp.asarray(b, f32).reshape(1, -1)

    h1a = t(p['h1_W'][:, :3]); h1b = t(p['h1_W'][:, 3:]); h1bb = rb(p['h1_b'])
    h2t = t(p['h2_W']); h2b = rb(p['h2_b'])
    p1t = t(p['p1_W']); p1b = rb(p['p1_b'])
    p2t = t(p['p2_W']); p2b = rb(p['p2_b'])

    def edge_w(pref, apref):
        return (t(p[pref + 'w1_W']), rb(p[pref + 'w1_b']),
                t(p[pref + 'w2_W']), rb(p[pref + 'w2_b']),
                t(p[pref + 'x_W'][:, :128]), t(p[pref + 'x_W'][:, 128:]),
                rb(p[pref + 'x_b']),
                jnp.transpose(p[pref + 'o_W'], (2, 1, 0)).reshape(-1, 128),
                rb(p[pref + 'o_b']),
                t(p[apref + '_W']), rb(p[apref + '_b']))

    g1t = t(p['g1_W']); g1b = rb(p['g1_b'])
    g2t = t(p['g2_W']); g2b = rb(p['g2_b'])
    ata = t(p['at_W'][:, :128]); atb = t(p['at_W'][:, 128:])
    apa = t(p['ap_W'][:, :128]); apb = t(p['ap_W'][:, 128:])
    aga = t(p['ag_W'][:, :128]); agb = t(p['ag_W'][:, 128:])
    aota = t(p['ao_W'][:128, :]); aotb = t(p['ao_W'][128:, :])
    m1a = t(p['m1_W'][:, :128]); m1fg = t(p['m1_W'][:, 128:]); m1b = rb(p['m1_b'])
    gam = jnp.asarray(p['a_gamma'], f32).reshape(1, 1)
    m2t = t(p['m2_W']); m2b = rb(p['m2_b'])
    m3t = t(p['m3_W']); m3b = rb(p['m3_b'])
    wh = t(jnp.concatenate([p['ds_W'], p['dr_W'], p['do_W'], p['dh_W'],
                            p['dx_W']], axis=0))
    bh = rb(jnp.concatenate([p['ds_b'], p['dr_b'], p['do_b'], p['dh_b'],
                             p['dx_b']], axis=0))

    head_in = (x, z, h1a, h1b, h1bb, h2t, h2b, p1t, p1b, p2t, p2b)
    style, pc = pl.pallas_call(
        _head_kernel,
        grid=(B,),
        in_specs=[_bb((N, 3)), _bb((N, 128))] + [_bf(a) for a in head_in[2:]],
        out_specs=[_bb((N, 128)), _bb((N, 128))],
        out_shape=[jax.ShapeDtypeStruct((B, N, 128), f32)] * 2,
        compiler_params=_CP,
    )(*head_in)

    def extract_half(xin):
        bh_ = xin.shape[0]
        return pl.pallas_call(
            functools.partial(_extract_kernel, blk=eblk, k=k),
            grid=(bh_,),
            in_specs=[_bb((N, 128))],
            out_specs=_bb((N, k)),
            out_shape=jax.ShapeDtypeStruct((bh_, N, k), jnp.int32),
            scratch_shapes=[pltpu.VMEM((eblk, N), f32)],
            compiler_params=_CP,
        )(xin)

    def conv_half(xin, nb4, wts):
        bh_ = xin.shape[0]
        nblk = N // blk
        return pl.pallas_call(
            functools.partial(_conv_kernel, blk=blk, k=k),
            grid=(bh_, nblk),
            in_specs=[pl.BlockSpec((1, k, blk, 128),
                                   lambda b, i: (b, 0, i, 0)),
                      pl.BlockSpec((1, blk, 128), lambda b, i: (b, i, 0))]
                     + [pl.BlockSpec(a.shape,
                                     lambda b, i, _n=a.ndim: (0,) * _n)
                        for a in wts[:9]],
            out_specs=pl.BlockSpec((1, blk, 128), lambda b, i: (b, i, 0)),
            out_shape=jax.ShapeDtypeStruct((bh_, N, 128), f32),
            compiler_params=_CP,
        )(nb4, xin, *wts[:9])

    def edge(xin, wts):
        bfull = xin.shape[0]
        halves = [xin[i:i + 1] for i in range(bfull)] if bfull >= 2 else [xin]
        idxs = [extract_half(h) for h in halves]
        raws = []
        for h, idx in zip(halves, idxs):
            bh_ = h.shape[0]
            idx_flat = jnp.transpose(idx, (0, 2, 1)).reshape(-1)
            nb = _sc_gather(h.reshape(bh_ * N, 128), idx_flat)
            raws.append(conv_half(h, nb.reshape(bh_, k, N, 128), wts))
        raw = jnp.concatenate(raws, axis=0)
        return pl.pallas_call(
            _adain_kernel,
            grid=(bfull,),
            in_specs=[_bb((N, 128)), _bb((N, 128)), _bf(wts[9]), _bf(wts[10])],
            out_specs=_bb((N, 128)),
            out_shape=jax.ShapeDtypeStruct((bfull, N, 128), f32),
            compiler_params=_CP,
        )(raw, style, wts[9], wts[10])

    x1 = edge(pc, edge_w('e1_', 'a1'))
    x2 = edge(x1, edge_w('e2_', 'a2'))

    tail_w = (g1t, g1b, g2t, g2b, ata, atb, apa, apb, aga, agb, aota, aotb,
              m1a, m1fg, m1b, gam, m2t, m2b, m3t, m3b, wh, bh)
    out = pl.pallas_call(
        _tail_kernel,
        grid=(B,),
        in_specs=[_bb((N, 128))] + [_bf(a) for a in tail_w],
        out_specs=_bb((N, 14)),
        out_shape=jax.ShapeDtypeStruct((B, N, 14), f32),
        compiler_params=_CP,
    )(x2, *tail_w)
    return out

# --- scband reference (transcript-rebuilt; emitter-appended) ---
"""Pipeline reference for scband-gaussians-generator-79809082295196 (READ-ONLY COPY).

The authoritative reference and input builder live on the scoring server;
editing this copy changes nothing except your own understanding.
"""

import jax, jax.numpy as jnp
import numpy as np

NEG = 0.01
NEG2 = 0.2
EPS = 1e-5

def _leaky(x, s):
    return jnp.where(x >= 0, x, s * x)

def _bn_eval(x):
    # eval-mode BatchNorm with running_mean=0, running_var=1, weight=1, bias=0
    return x / jnp.sqrt(1.0 + EPS)

def _conv1(x, W, b=None):
    # 1x1 Conv1d: x [B,C,N], W [O,C]
    y = jnp.einsum('bcn,oc->bon', x, W)
    if b is not None:
        y = y + b[None, :, None]
    return y

def _conv2(x, W, b):
    # 1x1 Conv2d: x [B,C,N,K], W [O,C]
    return jnp.einsum('bcnk,oc->bonk', x, W) + b[None, :, None, None]

def _inst_norm(x):
    m = jnp.mean(x, axis=2, keepdims=True)
    v = jnp.var(x, axis=2, keepdims=True)
    return (x - m) / jnp.sqrt(v + EPS)

def _knn_idx(x, k):
    # x [B,C,N] -> idx [B,N,k] of nearest neighbors in feature space
    xt = jnp.swapaxes(x, 1, 2)
    sq = jnp.sum(xt * xt, axis=-1)
    d = sq[:, :, None] + sq[:, None, :] - 2.0 * jnp.einsum('bnc,bmc->bnm', xt, xt)
    _, idx = jax.lax.top_k(-d, k)
    return idx

def _edge_block(x, p, pref, k):
    B, C, N = x.shape
    idx = _knn_idx(x, k + 1)[:, :, 1:]  # drop self
    nb = jax.vmap(lambda xb, ib: xb[:, ib])(x, idx)  # [B,C,N,k]
    central = jnp.broadcast_to(x[:, :, :, None], nb.shape)
    ef = jnp.concatenate([central, nb - central], axis=1)  # [B,2C,N,k]
    w = ef[:, C:, :, :]
    w = _leaky(_bn_eval(_conv2(w, p[pref + 'w1_W'], p[pref + 'w1_b'])), NEG)
    w = _leaky(_bn_eval(_conv2(w, p[pref + 'w2_W'], p[pref + 'w2_b'])), NEG)
    w = jax.nn.softmax(w, axis=-1)
    xx = _leaky(_bn_eval(_conv2(ef, p[pref + 'x_W'], p[pref + 'x_b'])), NEG)
    xx = xx * w
    # conv_out: Conv2d(Fout,Fout,[1,k]) reduces K
    return jnp.einsum('bcnk,ock->bon', xx, p[pref + 'o_W']) + p[pref + 'o_b'][None, :, None]

def _adain(x, style, W, b):
    s = _conv1(style, W, b)
    C = x.shape[1]
    gamma, beta = s[:, :C, :], s[:, C:, :]
    return gamma * _inst_norm(x) + beta

def _forward(x, z, p):
    B, N, _ = x.shape
    z = z / (jnp.linalg.norm(z, axis=-1, keepdims=True) + 1e-8)
    style = jnp.swapaxes(jnp.concatenate([x, z], axis=-1), 1, 2)  # [B,131,N]
    style = _leaky(_conv1(style, p['h1_W'], p['h1_b']), NEG)
    style = _leaky(_conv1(style, p['h2_W'], p['h2_b']), NEG)
    pc = jnp.swapaxes(x, 1, 2)  # [B,3,N]
    pc = _leaky(_conv1(pc, p['p1_W'], p['p1_b']), NEG)
    pc = _leaky(_conv1(pc, p['p2_W'], p['p2_b']), NEG)
    x1 = _edge_block(pc, p, 'e1_', 16)
    x1 = _leaky(x1, NEG2)
    x1 = _adain(x1, style, p['a1_W'], p['a1_b'])
    x2 = _edge_block(x1, p, 'e2_', 16)
    x2 = _leaky(x2, NEG2)
    x2 = _adain(x2, style, p['a2_W'], p['a2_b'])
    fg = jnp.max(x2, axis=2)  # [B,128]
    fg = _leaky(_bn_eval(fg @ p['g1_W'].T + p['g1_b']), NEG)
    fg = _leaky(_bn_eval(fg @ p['g2_W'].T + p['g2_b']), NEG)
    fg = jnp.broadcast_to(fg[:, :, None], (B, 512, N))
    feat = jnp.concatenate([x2, fg], axis=1)  # [B,640,N]
    # Attention(640)
    theta = _conv1(feat, p['at_W'])
    phi = _conv1(feat, p['ap_W'])
    g = _conv1(feat, p['ag_W'])
    beta = jax.nn.softmax(jnp.einsum('bcn,bcm->bnm', theta, phi), axis=-1)
    o = _conv1(jnp.einsum('bcn,bmn->bcm', g, beta), p['ao_W'])
    feat = p['a_gamma'] * o + feat
    # GaussianDecoder
    h = jnp.swapaxes(feat, 1, 2)  # [B,N,640]
    h = jax.nn.silu(h @ p['m1_W'].T + p['m1_b'])
    h = jax.nn.silu(h @ p['m2_W'].T + p['m2_b'])
    h = jax.nn.silu(h @ p['m3_W'].T + p['m3_b'])
    scaling = jnp.clip(jnp.exp(h @ p['ds_W'].T + p['ds_b']), 0.0, 0.02)
    rot = h @ p['dr_W'].T + p['dr_b']
    rot = rot / jnp.maximum(jnp.linalg.norm(rot, axis=1, keepdims=True), 1e-12)  # F.normalize default dim=1
    opacity = jax.nn.sigmoid(h @ p['do_W'].T + p['do_b'])
    shs = jax.nn.sigmoid(h @ p['dh_W'].T + p['dh_b'])
    xyz = jnp.tanh((h @ p['dx_W'].T + p['dx_b']) * 0.1) * 0.6
    return jnp.concatenate([scaling, rot, opacity, shs, xyz], axis=-1)  # [B,N,14]

def setup_inputs(seed: int = 0):
    key = jax.random.key(seed)
    ks = jax.random.split(key, 40)
    B, N, NZ = 4, 2048, 128
    def w(i, shape, s=0.05):
        return jax.random.normal(ks[i], shape, dtype=jnp.float32) * s
    x = jax.random.normal(ks[0], (B, N, 3), dtype=jnp.float32)
    z = jax.random.normal(ks[1], (B, N, NZ), dtype=jnp.float32)
    p = {}
    p['h1_W'] = w(2, (128, 3 + NZ)); p['h1_b'] = jnp.zeros((128,), jnp.float32)
    p['h2_W'] = w(3, (128, 128)); p['h2_b'] = jnp.zeros((128,), jnp.float32)
    p['p1_W'] = w(4, (64, 3)); p['p1_b'] = jnp.zeros((64,), jnp.float32)
    p['p2_W'] = w(5, (128, 64)); p['p2_b'] = jnp.zeros((128,), jnp.float32)
    p['e1_w1_W'] = w(6, (64, 128)); p['e1_w1_b'] = jnp.zeros((64,), jnp.float32)
    p['e1_w2_W'] = w(7, (128, 64)); p['e1_w2_b'] = jnp.zeros((128,), jnp.float32)
    p['e1_x_W'] = w(8, (128, 256)); p['e1_x_b'] = jnp.zeros((128,), jnp.float32)
    p['e1_o_W'] = w(9, (128, 128, 16)); p['e1_o_b'] = jnp.zeros((128,), jnp.float32)
    p['e2_w1_W'] = w(10, (64, 128)); p['e2_w1_b'] = jnp.zeros((64,), jnp.float32)
    p['e2_w2_W'] = w(11, (128, 64)); p['e2_w2_b'] = jnp.zeros((128,), jnp.float32)
    p['e2_x_W'] = w(12, (128, 256)); p['e2_x_b'] = jnp.zeros((128,), jnp.float32)
    p['e2_o_W'] = w(13, (128, 128, 16)); p['e2_o_b'] = jnp.zeros((128,), jnp.float32)
    ab = jnp.concatenate([jnp.ones((128,), jnp.float32), jnp.zeros((128,), jnp.float32)])
    p['a1_W'] = w(14, (256, 128), 0.2); p['a1_b'] = ab
    p['a2_W'] = w(15, (256, 128), 0.2); p['a2_b'] = ab
    p['g1_W'] = w(16, (128, 128)); p['g1_b'] = jnp.zeros((128,), jnp.float32)
    p['g2_W'] = w(17, (512, 128)); p['g2_b'] = jnp.zeros((512,), jnp.float32)
    p['at_W'] = w(18, (80, 640)); p['ap_W'] = w(19, (80, 640))
    p['ag_W'] = w(20, (320, 640)); p['ao_W'] = w(21, (640, 320))
    p['a_gamma'] = jnp.float32(0.3)
    p['m1_W'] = w(22, (128, 640)); p['m1_b'] = jnp.zeros((128,), jnp.float32)
    p['m2_W'] = w(23, (128, 128)); p['m2_b'] = jnp.zeros((128,), jnp.float32)
    p['m3_W'] = w(24, (128, 128)); p['m3_b'] = jnp.zeros((128,), jnp.float32)
    p['ds_W'] = w(25, (3, 128)); p['ds_b'] = jnp.full((3,), -5.0, jnp.float32)
    p['dr_W'] = w(26, (4, 128)); p['dr_b'] = jnp.array([1.0, 0.0, 0.0, 0.0], jnp.float32)
    p['do_W'] = w(27, (1, 128)); p['do_b'] = jnp.full((1,), float(np.log(0.1 / 0.9)), jnp.float32)
    p['dh_W'] = w(28, (3, 128)); p['dh_b'] = jnp.zeros((3,), jnp.float32)
    p['dx_W'] = w(29, (3, 128)); p['dx_b'] = jnp.zeros((3,), jnp.float32)
    return {'x': x, 'z': z, 'params': p}

def reference(x, z, params):
    return _forward(x, z, params)

if __name__ == "__main__":
    import jax
    _d = setup_inputs()
    print(jax.jit(kernel)(*tuple(_d.values())))

</pallas_src>

<mosaic_0001>
#map = affine_map<(d0, d1) -> (0, 0)>
#map1 = affine_map<(d0, d1) -> (0)>
module attributes {stable_mosaic.version = 14 : i64} {
  func.func @gk(%arg0: i32, %arg1: i32, %arg2: memref<2048x128xf32, #tpu.memory_space<hbm>>, %arg3: memref<32768xi32, #tpu.memory_space<hbm>>, %arg4: memref<32768x128xf32, #tpu.memory_space<hbm>>, %arg5: memref<512xi32, #tpu.memory_space<vmem>>, %arg6: memref<512x128xf32, #tpu.memory_space<vmem>>, %arg7: memref<!tpu.dma_semaphore, #tpu.memory_space<semaphore_mem>>) attributes {dimension_semantics = [#tpu.dimension_semantics<core_parallel>, #tpu.dimension_semantics<subcore_parallel>], iteration_bounds = array<i64: 2, 16>, scalar_prefetch = 0 : i64, scratch_operands = 3 : i64, tpu.core_type = #tpu.core_type<sc_vector_subcore>, window_params = [{transform_indices = #map}, {transform_indices = #map1}, {transform_indices = #map}]} {
    %mul3A = arith.constant 2 : i32
    %mul3A_0 = arith.muli %arg1, %mul3A : i32
    %add3A = arith.addi %mul3A_0, %arg0 : i32
    %mul3A_1 = arith.constant 1024 : i32
    %mul3A_2 = arith.muli %add3A, %mul3A_1 : i32
    %add3A_3 = arith.constant 0 : i32
    %add3A_4 = arith.addi %mul3A_2, %add3A_3 : i32
    "tpu.region"() ({
      %run_scoped3A = tpu.sem_alloc : memref<!tpu.dma_semaphore, #tpu.memory_space<semaphore_mem>>
      %dma_start3A_17 = tpu.memref_slice %arg3[%add3A_4] : memref<32768xi32, #tpu.memory_space<hbm>> -> memref<512xi32, #tpu.memory_space<hbm>>
      %dma_start3A_18 = tpu.memref_slice %arg3[%add3A_4] : memref<32768xi32, #tpu.memory_space<hbm>> -> memref<512xi32, #tpu.memory_space<hbm>>
      tpu.enqueue_dma source(%dma_start3A_18 : memref<512xi32, #tpu.memory_space<hbm>>) target(%arg5 : memref<512xi32, #tpu.memory_space<vmem>>) target_semaphore(%run_scoped3A : memref<!tpu.dma_semaphore, #tpu.memory_space<semaphore_mem>>)
      %dma_wait3A_19 = tpu.memref_slice %arg3[%add3A_4] : memref<32768xi32, #tpu.memory_space<hbm>> -> memref<512xi32, #tpu.memory_space<hbm>>
      %dma_wait3A_20 = tpu.memref_slice %arg3[%add3A_4] : memref<32768xi32, #tpu.memory_space<hbm>> -> memref<512xi32, #tpu.memory_space<hbm>>
      tpu.wait_dma2 semaphore(%run_scoped3A : memref<!tpu.dma_semaphore, #tpu.memory_space<semaphore_mem>>) src(%dma_wait3A_20 : memref<512xi32, #tpu.memory_space<hbm>>) dst(%arg5 : memref<512xi32, #tpu.memory_space<vmem>>)
      tpu.yield
    }) : () -> ()
    %dma_start3A = arith.constant 0 : i32
    %dma_start3A_5 = arith.constant 0 : i32
    %dma_start3A_6 = tpu.memref_slice %arg2[%dma_start3A, %dma_start3A_5] : memref<2048x128xf32, #tpu.memory_space<hbm>> -> memref<2048x128xf32, #tpu.memory_space<hbm>>
    tpu.enqueue_indirect_dma source(%dma_start3A_6 : memref<2048x128xf32, #tpu.memory_space<hbm>>) target(%arg6 : memref<512x128xf32, #tpu.memory_space<vmem>>) offsets(%arg5 : memref<512xi32, #tpu.memory_space<vmem>>) semaphore(%arg7 : memref<!tpu.dma_semaphore, #tpu.memory_space<semaphore_mem>>)
    %dma_wait3A = arith.constant 0 : i32
    %dma_wait3A_7 = arith.constant 0 : i32
    %dma_wait3A_8 = tpu.memref_slice %arg2[%dma_wait3A, %dma_wait3A_7] : memref<2048x128xf32, #tpu.memory_space<hbm>> -> memref<2048x128xf32, #tpu.memory_space<hbm>>
    tpu.wait_indirect_dma semaphore(%arg7 : memref<!tpu.dma_semaphore, #tpu.memory_space<semaphore_mem>>) src(%dma_wait3A_8 : memref<2048x128xf32, #tpu.memory_space<hbm>>) dst(%arg6 : memref<512x128xf32, #tpu.memory_space<vmem>>)
    "tpu.region"() ({
      %run_scoped3A = tpu.sem_alloc : memref<!tpu.dma_semaphore, #tpu.memory_space<semaphore_mem>>
      %dma_start3A_17 = arith.constant 0 : i32
      %dma_start3A_18 = tpu.memref_slice %arg4[%add3A_4, %dma_start3A_17] : memref<32768x128xf32, #tpu.memory_space<hbm>> -> memref<512x128xf32, #tpu.memory_space<hbm>>
      %dma_start3A_19 = arith.constant 0 : i32
      %dma_start3A_20 = tpu.memref_slice %arg4[%add3A_4, %dma_start3A_19] : memref<32768x128xf32, #tpu.memory_space<hbm>> -> memref<512x128xf32, #tpu.memory_space<hbm>>
      tpu.enqueue_dma source(%arg6 : memref<512x128xf32, #tpu.memory_space<vmem>>) target(%dma_start3A_20 : memref<512x128xf32, #tpu.memory_space<hbm>>) target_semaphore(%run_scoped3A : memref<!tpu.dma_semaphore, #tpu.memory_space<semaphore_mem>>)
      %dma_wait3A_21 = arith.constant 0 : i32
      %dma_wait3A_22 = tpu.memref_slice %arg4[%add3A_4, %dma_wait3A_21] : memref<32768x128xf32, #tpu.memory_space<hbm>> -> memref<512x128xf32, #tpu.memory_space<hbm>>
      %dma_wait3A_23 = arith.constant 0 : i32
      %dma_wait3A_24 = tpu.memref_slice %arg4[%add3A_4, %dma_wait3A_23] : memref<32768x128xf32, #tpu.memory_space<hbm>> -> memref<512x128xf32, #tpu.memory_space<hbm>>
      tpu.wait_dma2 semaphore(%run_scoped3A : memref<!tpu.dma_semaphore, #tpu.memory_space<semaphore_mem>>) src(%arg6 : memref<512x128xf32, #tpu.memory_space<vmem>>) dst(%dma_wait3A_24 : memref<512x128xf32, #tpu.memory_space<hbm>>)
      tpu.yield
    }) : () -> ()
    %add3A_9 = arith.constant 512 : i32
    %add3A_10 = arith.addi %mul3A_2, %add3A_9 : i32
    "tpu.region"() ({
      %run_scoped3A = tpu.sem_alloc : memref<!tpu.dma_semaphore, #tpu.memory_space<semaphore_mem>>
      %dma_start3A_17 = tpu.memref_slice %arg3[%add3A_10] : memref<32768xi32, #tpu.memory_space<hbm>> -> memref<512xi32, #tpu.memory_space<hbm>>
      %dma_start3A_18 = tpu.memref_slice %arg3[%add3A_10] : memref<32768xi32, #tpu.memory_space<hbm>> -> memref<512xi32, #tpu.memory_space<hbm>>
      tpu.enqueue_dma source(%dma_start3A_18 : memref<512xi32, #tpu.memory_space<hbm>>) target(%arg5 : memref<512xi32, #tpu.memory_space<vmem>>) target_semaphore(%run_scoped3A : memref<!tpu.dma_semaphore, #tpu.memory_space<semaphore_mem>>)
      %dma_wait3A_19 = tpu.memref_slice %arg3[%add3A_10] : memref<32768xi32, #tpu.memory_space<hbm>> -> memref<512xi32, #tpu.memory_space<hbm>>
      %dma_wait3A_20 = tpu.memref_slice %arg3[%add3A_10] : memref<32768xi32, #tpu.memory_space<hbm>> -> memref<512xi32, #tpu.memory_space<hbm>>
      tpu.wait_dma2 semaphore(%run_scoped3A : memref<!tpu.dma_semaphore, #tpu.memory_space<semaphore_mem>>) src(%dma_wait3A_20 : memref<512xi32, #tpu.memory_space<hbm>>) dst(%arg5 : memref<512xi32, #tpu.memory_space<vmem>>)
      tpu.yield
    }) : () -> ()
    %dma_start3A_11 = arith.constant 0 : i32
    %dma_start3A_12 = arith.constant 0 : i32
    %dma_start3A_13 = tpu.memref_slice %arg2[%dma_start3A_11, %dma_start3A_12] : memref<2048x128xf32, #tpu.memory_space<hbm>> -> memref<2048x128xf32, #tpu.memory_space<hbm>>
    tpu.enqueue_indirect_dma source(%dma_start3A_13 : memref<2048x128xf32, #tpu.memory_space<hbm>>) target(%arg6 : memref<512x128xf32, #tpu.memory_space<vmem>>) offsets(%arg5 : memref<512xi32, #tpu.memory_space<vmem>>) semaphore(%arg7 : memref<!tpu.dma_semaphore, #tpu.memory_space<semaphore_mem>>)
    %dma_wait3A_14 = arith.constant 0 : i32
    %dma_wait3A_15 = arith.constant 0 : i32
    %dma_wait3A_16 = tpu.memref_slice %arg2[%dma_wait3A_14, %dma_wait3A_15] : memref<2048x128xf32, #tpu.memory_space<hbm>> -> memref<2048x128xf32, #tpu.memory_space<hbm>>
    tpu.wait_indirect_dma semaphore(%arg7 : memref<!tpu.dma_semaphore, #tpu.memory_space<semaphore_mem>>) src(%dma_wait3A_16 : memref<2048x128xf32, #tpu.memory_space<hbm>>) dst(%arg6 : memref<512x128xf32, #tpu.memory_space<vmem>>)
    "tpu.region"() ({
      %run_scoped3A = tpu.sem_alloc : memref<!tpu.dma_semaphore, #tpu.memory_space<semaphore_mem>>
      %dma_start3A_17 = arith.constant 0 : i32
      %dma_start3A_18 = tpu.memref_slice %arg4[%add3A_10, %dma_start3A_17] : memref<32768x128xf32, #tpu.memory_space<hbm>> -> memref<512x128xf32, #tpu.memory_space<hbm>>
      %dma_start3A_19 = arith.constant 0 : i32
      %dma_start3A_20 = tpu.memref_slice %arg4[%add3A_10, %dma_start3A_19] : memref<32768x128xf32, #tpu.memory_space<hbm>> -> memref<512x128xf32, #tpu.memory_space<hbm>>
      tpu.enqueue_dma source(%arg6 : memref<512x128xf32, #tpu.memory_space<vmem>>) target(%dma_start3A_20 : memref<512x128xf32, #tpu.memory_space<hbm>>) target_semaphore(%run_scoped3A : memref<!tpu.dma_semaphore, #tpu.memory_space<semaphore_mem>>)
      %dma_wait3A_21 = arith.constant 0 : i32
      %dma_wait3A_22 = tpu.memref_slice %arg4[%add3A_10, %dma_wait3A_21] : memref<32768x128xf32, #tpu.memory_space<hbm>> -> memref<512x128xf32, #tpu.memory_space<hbm>>
      %dma_wait3A_23 = arith.constant 0 : i32
      %dma_wait3A_24 = tpu.memref_slice %arg4[%add3A_10, %dma_wait3A_23] : memref<32768x128xf32, #tpu.memory_space<hbm>> -> memref<512x128xf32, #tpu.memory_space<hbm>>
      tpu.wait_dma2 semaphore(%run_scoped3A : memref<!tpu.dma_semaphore, #tpu.memory_space<semaphore_mem>>) src(%arg6 : memref<512x128xf32, #tpu.memory_space<vmem>>) dst(%dma_wait3A_24 : memref<512x128xf32, #tpu.memory_space<hbm>>)
      tpu.yield
    }) : () -> ()
    return
  }
}

#map = affine_map<(d0, d1) -> (0, 0)>
#map1 = affine_map<(d0, d1) -> (0)>
module attributes {stable_mosaic.version = 14 : i64} {
  func.func @gk(%arg0: i32, %arg1: i32, %arg2: memref<2048x128xf32, #tpu.memory_space<hbm>>, %arg3: memref<32768xi32, #tpu.memory_space<hbm>>, %arg4: memref<32768x128xf32, #tpu.memory_space<hbm>>, %arg5: memref<512xi32, #tpu.memory_space<vmem>>, %arg6: memref<512x128xf32, #tpu.memory_space<vmem>>, %arg7: memref<!tpu.dma_semaphore, #tpu.memory_space<semaphore_mem>>) attributes {dimension_semantics = [#tpu.dimension_semantics<core_parallel>, #tpu.dimension_semantics<subcore_parallel>], iteration_bounds = array<i64: 2, 16>, scalar_prefetch = 0 : i64, scratch_operands = 3 : i64, tpu.core_type = #tpu.core_type<sc_vector_subcore>, window_params = [{transform_indices = #map}, {transform_indices = #map1}, {transform_indices = #map}]} {
    %mul3A = arith.constant 2 : i32
    %mul3A_0 = arith.muli %arg1, %mul3A : i32
    %add3A = arith.addi %mul3A_0, %arg0 : i32
    %mul3A_1 = arith.constant 1024 : i32
    %mul3A_2 = arith.muli %add3A, %mul3A_1 : i32
    %add3A_3 = arith.constant 0 : i32
    %add3A_4 = arith.addi %mul3A_2, %add3A_3 : i32
    "tpu.region"() ({
      %run_scoped3A = tpu.sem_alloc : memref<!tpu.dma_semaphore, #tpu.memory_space<semaphore_mem>>
      %dma_start3A_17 = tpu.memref_slice %arg3[%add3A_4] : memref<32768xi32, #tpu.memory_space<hbm>> -> memref<512xi32, #tpu.memory_space<hbm>>
      %dma_start3A_18 = tpu.memref_slice %arg3[%add3A_4] : memref<32768xi32, #tpu.memory_space<hbm>> -> memref<512xi32, #tpu.memory_space<hbm>>
      tpu.enqueue_dma source(%dma_start3A_18 : memref<512xi32, #tpu.memory_space<hbm>>) target(%arg5 : memref<512xi32, #tpu.memory_space<vmem>>) target_semaphore(%run_scoped3A : memref<!tpu.dma_semaphore, #tpu.memory_space<semaphore_mem>>)
      %dma_wait3A_19 = tpu.memref_slice %arg3[%add3A_4] : memref<32768xi32, #tpu.memory_space<hbm>> -> memref<512xi32, #tpu.memory_space<hbm>>
      %dma_wait3A_20 = tpu.memref_slice %arg3[%add3A_4] : memref<32768xi32, #tpu.memory_space<hbm>> -> memref<512xi32, #tpu.memory_space<hbm>>
      tpu.wait_dma2 semaphore(%run_scoped3A : memref<!tpu.dma_semaphore, #tpu.memory_space<semaphore_mem>>) src(%dma_wait3A_20 : memref<512xi32, #tpu.memory_space<hbm>>) dst(%arg5 : memref<512xi32, #tpu.memory_space<vmem>>)
      tpu.yield
    }) : () -> ()
    %dma_start3A = arith.constant 0 : i32
    %dma_start3A_5 = arith.constant 0 : i32
    %dma_start3A_6 = tpu.memref_slice %arg2[%dma_start3A, %dma_start3A_5] : memref<2048x128xf32, #tpu.memory_space<hbm>> -> memref<2048x128xf32, #tpu.memory_space<hbm>>
    tpu.enqueue_indirect_dma source(%dma_start3A_6 : memref<2048x128xf32, #tpu.memory_space<hbm>>) target(%arg6 : memref<512x128xf32, #tpu.memory_space<vmem>>) offsets(%arg5 : memref<512xi32, #tpu.memory_space<vmem>>) semaphore(%arg7 : memref<!tpu.dma_semaphore, #tpu.memory_space<semaphore_mem>>)
    %dma_wait3A = arith.constant 0 : i32
    %dma_wait3A_7 = arith.constant 0 : i32
    %dma_wait3A_8 = tpu.memref_slice %arg2[%dma_wait3A, %dma_wait3A_7] : memref<2048x128xf32, #tpu.memory_space<hbm>> -> memref<2048x128xf32, #tpu.memory_space<hbm>>
    tpu.wait_indirect_dma semaphore(%arg7 : memref<!tpu.dma_semaphore, #tpu.memory_space<semaphore_mem>>) src(%dma_wait3A_8 : memref<2048x128xf32, #tpu.memory_space<hbm>>) dst(%arg6 : memref<512x128xf32, #tpu.memory_space<vmem>>)
    "tpu.region"() ({
      %run_scoped3A = tpu.sem_alloc : memref<!tpu.dma_semaphore, #tpu.memory_space<semaphore_mem>>
      %dma_start3A_17 = arith.constant 0 : i32
      %dma_start3A_18 = tpu.memref_slice %arg4[%add3A_4, %dma_start3A_17] : memref<32768x128xf32, #tpu.memory_space<hbm>> -> memref<512x128xf32, #tpu.memory_space<hbm>>
      %dma_start3A_19 = arith.constant 0 : i32
      %dma_start3A_20 = tpu.memref_slice %arg4[%add3A_4, %dma_start3A_19] : memref<32768x128xf32, #tpu.memory_space<hbm>> -> memref<512x128xf32, #tpu.memory_space<hbm>>
      tpu.enqueue_dma source(%arg6 : memref<512x128xf32, #tpu.memory_space<vmem>>) target(%dma_start3A_20 : memref<512x128xf32, #tpu.memory_space<hbm>>) target_semaphore(%run_scoped3A : memref<!tpu.dma_semaphore, #tpu.memory_space<semaphore_mem>>)
      %dma_wait3A_21 = arith.constant 0 : i32
      %dma_wait3A_22 = tpu.memref_slice %arg4[%add3A_4, %dma_wait3A_21] : memref<32768x128xf32, #tpu.memory_space<hbm>> -> memref<512x128xf32, #tpu.memory_space<hbm>>
      %dma_wait3A_23 = arith.constant 0 : i32
      %dma_wait3A_24 = tpu.memref_slice %arg4[%add3A_4, %dma_wait3A_23] : memref<32768x128xf32, #tpu.memory_space<hbm>> -> memref<512x128xf32, #tpu.memory_space<hbm>>
      tpu.wait_dma2 semaphore(%run_scoped3A : memref<!tpu.dma_semaphore, #tpu.memory_space<semaphore_mem>>) src(%arg6 : memref<512x128xf32, #tpu.memory_space<vmem>>) dst(%dma_wait3A_24 : memref<512x128xf32, #tpu.memory_space<hbm>>)
      tpu.yield
    }) : () -> ()
    %add3A_9 = arith.constant 512 : i32
    %add3A_10 = arith.addi %mul3A_2, %add3A_9 : i32
    "tpu.region"() ({
      %run_scoped3A = tpu.sem_alloc : memref<!tpu.dma_semaphore, #tpu.memory_space<semaphore_mem>>
      %dma_start3A_17 = tpu.memref_slice %arg3[%add3A_10] : memref<32768xi32, #tpu.memory_space<hbm>> -> memref<512xi32, #tpu.memory_space<hbm>>
      %dma_start3A_18 = tpu.memref_slice %arg3[%add3A_10] : memref<32768xi32, #tpu.memory_space<hbm>> -> memref<512xi32, #tpu.memory_space<hbm>>
      tpu.enqueue_dma source(%dma_start3A_18 : memref<512xi32, #tpu.memory_space<hbm>>) target(%arg5 : memref<512xi32, #tpu.memory_space<vmem>>) target_semaphore(%run_scoped3A : memref<!tpu.dma_semaphore, #tpu.memory_space<semaphore_mem>>)
      %dma_wait3A_19 = tpu.memref_slice %arg3[%add3A_10] : memref<32768xi32, #tpu.memory_space<hbm>> -> memref<512xi32, #tpu.memory_space<hbm>>
      %dma_wait3A_20 = tpu.memref_slice %arg3[%add3A_10] : memref<32768xi32, #tpu.memory_space<hbm>> -> memref<512xi32, #tpu.memory_space<hbm>>
      tpu.wait_dma2 semaphore(%run_scoped3A : memref<!tpu.dma_semaphore, #tpu.memory_space<semaphore_mem>>) src(%dma_wait3A_20 : memref<512xi32, #tpu.memory_space<hbm>>) dst(%arg5 : memref<512xi32, #tpu.memory_space<vmem>>)
      tpu.yield
    }) : () -> ()
    %dma_start3A_11 = arith.constant 0 : i32
    %dma_start3A_12 = arith.constant 0 : i32
    %dma_start3A_13 = tpu.memref_slice %arg2[%dma_start3A_11, %dma_start3A_12] : memref<2048x128xf32, #tpu.memory_space<hbm>> -> memref<2048x128xf32, #tpu.memory_space<hbm>>
    tpu.enqueue_indirect_dma source(%dma_start3A_13 : memref<2048x128xf32, #tpu.memory_space<hbm>>) target(%arg6 : memref<512x128xf32, #tpu.memory_space<vmem>>) offsets(%arg5 : memref<512xi32, #tpu.memory_space<vmem>>) semaphore(%arg7 : memref<!tpu.dma_semaphore, #tpu.memory_space<semaphore_mem>>)
    %dma_wait3A_14 = arith.constant 0 : i32
    %dma_wait3A_15 = arith.constant 0 : i32
    %dma_wait3A_16 = tpu.memref_slice %arg2[%dma_wait3A_14, %dma_wait3A_15] : memref<2048x128xf32, #tpu.memory_space<hbm>> -> memref<2048x128xf32, #tpu.memory_space<hbm>>
    tpu.wait_indirect_dma semaphore(%arg7 : memref<!tpu.dma_semaphore, #tpu.memory_space<semaphore_mem>>) src(%dma_wait3A_16 : memref<2048x128xf32, #tpu.memory_space<hbm>>) dst(%arg6 : memref<512x128xf32, #tpu.memory_space<vmem>>)
    "tpu.region"() ({
      %run_scoped3A = tpu.sem_alloc : memref<!tpu.dma_semaphore, #tpu.memory_space<semaphore_mem>>
      %dma_start3A_17 = arith.constant 0 : i32
      %dma_start3A_18 = tpu.memref_slice %arg4[%add3A_10, %dma_start3A_17] : memref<32768x128xf32, #tpu.memory_space<hbm>> -> memref<512x128xf32, #tpu.memory_space<hbm>>
      %dma_start3A_19 = arith.constant 0 : i32
      %dma_start3A_20 = tpu.memref_slice %arg4[%add3A_10, %dma_start3A_19] : memref<32768x128xf32, #tpu.memory_space<hbm>> -> memref<512x128xf32, #tpu.memory_space<hbm>>
      tpu.enqueue_dma source(%arg6 : memref<512x128xf32, #tpu.memory_space<vmem>>) target(%dma_start3A_20 : memref<512x128xf32, #tpu.memory_space<hbm>>) target_semaphore(%run_scoped3A : memref<!tpu.dma_semaphore, #tpu.memory_space<semaphore_mem>>)
      %dma_wait3A_21 = arith.constant 0 : i32
      %dma_wait3A_22 = tpu.memref_slice %arg4[%add3A_10, %dma_wait3A_21] : memref<32768x128xf32, #tpu.memory_space<hbm>> -> memref<512x128xf32, #tpu.memory_space<hbm>>
      %dma_wait3A_23 = arith.constant 0 : i32
      %dma_wait3A_24 = tpu.memref_slice %arg4[%add3A_10, %dma_wait3A_23] : memref<32768x128xf32, #tpu.memory_space<hbm>> -> memref<512x128xf32, #tpu.memory_space<hbm>>
      tpu.wait_dma2 semaphore(%run_scoped3A : memref<!tpu.dma_semaphore, #tpu.memory_space<semaphore_mem>>) src(%arg6 : memref<512x128xf32, #tpu.memory_space<vmem>>) dst(%dma_wait3A_24 : memref<512x128xf32, #tpu.memory_space<hbm>>)
      tpu.yield
    }) : () -> ()
    return
  }
}

#map = affine_map<(d0, d1) -> (0, 0)>
#map1 = affine_map<(d0, d1) -> (0)>
module attributes {stable_mosaic.version = 14 : i64} {
  func.func @gk(%arg0: i32, %arg1: i32, %arg2: memref<2048x128xf32, #tpu.memory_space<hbm>>, %arg3: memref<32768xi32, #tpu.memory_space<hbm>>, %arg4: memref<32768x128xf32, #tpu.memory_space<hbm>>, %arg5: memref<512xi32, #tpu.memory_space<vmem>>, %arg6: memref<512x128xf32, #tpu.memory_space<vmem>>, %arg7: memref<!tpu.dma_semaphore, #tpu.memory_space<semaphore_mem>>) attributes {dimension_semantics = [#tpu.dimension_semantics<core_parallel>, #tpu.dimension_semantics<subcore_parallel>], iteration_bounds = array<i64: 2, 16>, scalar_prefetch = 0 : i64, scratch_operands = 3 : i64, tpu.core_type = #tpu.core_type<sc_vector_subcore>, window_params = [{transform_indices = #map}, {transform_indices = #map1}, {transform_indices = #map}]} {
    %mul3A = arith.constant 2 : i32
    %mul3A_0 = arith.muli %arg1, %mul3A : i32
    %add3A = arith.addi %mul3A_0, %arg0 : i32
    %mul3A_1 = arith.constant 1024 : i32
    %mul3A_2 = arith.muli %add3A, %mul3A_1 : i32
    %add3A_3 = arith.constant 0 : i32
    %add3A_4 = arith.addi %mul3A_2, %add3A_3 : i32
    "tpu.region"() ({
      %run_scoped3A = tpu.sem_alloc : memref<!tpu.dma_semaphore, #tpu.memory_space<semaphore_mem>>
      %dma_start3A_17 = tpu.memref_slice %arg3[%add3A_4] : memref<32768xi32, #tpu.memory_space<hbm>> -> memref<512xi32, #tpu.memory_space<hbm>>
      %dma_start3A_18 = tpu.memref_slice %arg3[%add3A_4] : memref<32768xi32, #tpu.memory_space<hbm>> -> memref<512xi32, #tpu.memory_space<hbm>>
      tpu.enqueue_dma source(%dma_start3A_18 : memref<512xi32, #tpu.memory_space<hbm>>) target(%arg5 : memref<512xi32, #tpu.memory_space<vmem>>) target_semaphore(%run_scoped3A : memref<!tpu.dma_semaphore, #tpu.memory_space<semaphore_mem>>)
      %dma_wait3A_19 = tpu.memref_slice %arg3[%add3A_4] : memref<32768xi32, #tpu.memory_space<hbm>> -> memref<512xi32, #tpu.memory_space<hbm>>
      %dma_wait3A_20 = tpu.memref_slice %arg3[%add3A_4] : memref<32768xi32, #tpu.memory_space<hbm>> -> memref<512xi32, #tpu.memory_space<hbm>>
      tpu.wait_dma2 semaphore(%run_scoped3A : memref<!tpu.dma_semaphore, #tpu.memory_space<semaphore_mem>>) src(%dma_wait3A_20 : memref<512xi32, #tpu.memory_space<hbm>>) dst(%arg5 : memref<512xi32, #tpu.memory_space<vmem>>)
      tpu.yield
    }) : () -> ()
    %dma_start3A = arith.constant 0 : i32
    %dma_start3A_5 = arith.constant 0 : i32
    %dma_start3A_6 = tpu.memref_slice %arg2[%dma_start3A, %dma_start3A_5] : memref<2048x128xf32, #tpu.memory_space<hbm>> -> memref<2048x128xf32, #tpu.memory_space<hbm>>
    tpu.enqueue_indirect_dma source(%dma_start3A_6 : memref<2048x128xf32, #tpu.memory_space<hbm>>) target(%arg6 : memref<512x128xf32, #tpu.memory_space<vmem>>) offsets(%arg5 : memref<512xi32, #tpu.memory_space<vmem>>) semaphore(%arg7 : memref<!tpu.dma_semaphore, #tpu.memory_space<semaphore_mem>>)
    %dma_wait3A = arith.constant 0 : i32
    %dma_wait3A_7 = arith.constant 0 : i32
    %dma_wait3A_8 = tpu.memref_slice %arg2[%dma_wait3A, %dma_wait3A_7] : memref<2048x128xf32, #tpu.memory_space<hbm>> -> memref<2048x128xf32, #tpu.memory_space<hbm>>
    tpu.wait_indirect_dma semaphore(%arg7 : memref<!tpu.dma_semaphore, #tpu.memory_space<semaphore_mem>>) src(%dma_wait3A_8 : memref<2048x128xf32, #tpu.memory_space<hbm>>) dst(%arg6 : memref<512x128xf32, #tpu.memory_space<vmem>>)
    "tpu.region"() ({
      %run_scoped3A = tpu.sem_alloc : memref<!tpu.dma_semaphore, #tpu.memory_space<semaphore_mem>>
      %dma_start3A_17 = arith.constant 0 : i32
      %dma_start3A_18 = tpu.memref_slice %arg4[%add3A_4, %dma_start3A_17] : memref<32768x128xf32, #tpu.memory_space<hbm>> -> memref<512x128xf32, #tpu.memory_space<hbm>>
      %dma_start3A_19 = arith.constant 0 : i32
      %dma_start3A_20 = tpu.memref_slice %arg4[%add3A_4, %dma_start3A_19] : memref<32768x128xf32, #tpu.memory_space<hbm>> -> memref<512x128xf32, #tpu.memory_space<hbm>>
      tpu.enqueue_dma source(%arg6 : memref<512x128xf32, #tpu.memory_space<vmem>>) target(%dma_start3A_20 : memref<512x128xf32, #tpu.memory_space<hbm>>) target_semaphore(%run_scoped3A : memref<!tpu.dma_semaphore, #tpu.memory_space<semaphore_mem>>)
      %dma_wait3A_21 = arith.constant 0 : i32
      %dma_wait3A_22 = tpu.memref_slice %arg4[%add3A_4, %dma_wait3A_21] : memref<32768x128xf32, #tpu.memory_space<hbm>> -> memref<512x128xf32, #tpu.memory_space<hbm>>
      %dma_wait3A_23 = arith.constant 0 : i32
      %dma_wait3A_24 = tpu.memref_slice %arg4[%add3A_4, %dma_wait3A_23] : memref<32768x128xf32, #tpu.memory_space<hbm>> -> memref<512x128xf32, #tpu.memory_space<hbm>>
      tpu.wait_dma2 semaphore(%run_scoped3A : memref<!tpu.dma_semaphore, #tpu.memory_space<semaphore_mem>>) src(%arg6 : memref<512x128xf32, #tpu.memory_space<vmem>>) dst(%dma_wait3A_24 : memref<512x128xf32, #tpu.memory_space<hbm>>)
      tpu.yield
    }) : () -> ()
    %add3A_9 = arith.constant 512 : i32
    %add3A_10 = arith.addi %mul3A_2, %add3A_9 : i32
    "tpu.region"() ({
      %run_scoped3A = tpu.sem_alloc : memref<!tpu.dma_semaphore, #tpu.memory_space<semaphore_mem>>
      %dma_start3A_17 = tpu.memref_slice %arg3[%add3A_10] : memref<32768xi32, #tpu.memory_space<hbm>> -> memref<512xi32, #tpu.memory_space<hbm>>
      %dma_start3A_18 = tpu.memref_slice %arg3[%add3A_10] : memref<32768xi32, #tpu.memory_space<hbm>> -> memref<512xi32, #tpu.memory_space<hbm>>
      tpu.enqueue_dma source(%dma_start3A_18 : memref<512xi32, #tpu.memory_space<hbm>>) target(%arg5 : memref<512xi32, #tpu.memory_space<vmem>>) target_semaphore(%run_scoped3A : memref<!tpu.dma_semaphore, #tpu.memory_space<semaphore_mem>>)
      %dma_wait3A_19 = tpu.memref_slice %arg3[%add3A_10] : memref<32768xi32, #tpu.memory_space<hbm>> -> memref<512xi32, #tpu.memory_space<hbm>>
      %dma_wait3A_20 = tpu.memref_slice %arg3[%add3A_10] : memref<32768xi32, #tpu.memory_space<hbm>> -> memref<512xi32, #tpu.memory_space<hbm>>
      tpu.wait_dma2 semaphore(%run_scoped3A : memref<!tpu.dma_semaphore, #tpu.memory_space<semaphore_mem>>) src(%dma_wait3A_20 : memref<512xi32, #tpu.memory_space<hbm>>) dst(%arg5 : memref<512xi32, #tpu.memory_space<vmem>>)
      tpu.yield
    }) : () -> ()
    %dma_start3A_11 = arith.constant 0 : i32
    %dma_start3A_12 = arith.constant 0 : i32
    %dma_start3A_13 = tpu.memref_slice %arg2[%dma_start3A_11, %dma_start3A_12] : memref<2048x128xf32, #tpu.memory_space<hbm>> -> memref<2048x128xf32, #tpu.memory_space<hbm>>
    tpu.enqueue_indirect_dma source(%dma_start3A_13 : memref<2048x128xf32, #tpu.memory_space<hbm>>) target(%arg6 : memref<512x128xf32, #tpu.memory_space<vmem>>) offsets(%arg5 : memref<512xi32, #tpu.memory_space<vmem>>) semaphore(%arg7 : memref<!tpu.dma_semaphore, #tpu.memory_space<semaphore_mem>>)
    %dma_wait3A_14 = arith.constant 0 : i32
    %dma_wait3A_15 = arith.constant 0 : i32
    %dma_wait3A_16 = tpu.memref_slice %arg2[%dma_wait3A_14, %dma_wait3A_15] : memref<2048x128xf32, #tpu.memory_space<hbm>> -> memref<2048x128xf32, #tpu.memory_space<hbm>>
    tpu.wait_indirect_dma semaphore(%arg7 : memref<!tpu.dma_semaphore, #tpu.memory_space<semaphore_mem>>) src(%dma_wait3A_16 : memref<2048x128xf32, #tpu.memory_space<hbm>>) dst(%arg6 : memref<512x128xf32, #tpu.memory_space<vmem>>)
    "tpu.region"() ({
      %run_scoped3A = tpu.sem_alloc : memref<!tpu.dma_semaphore, #tpu.memory_space<semaphore_mem>>
      %dma_start3A_17 = arith.constant 0 : i32
      %dma_start3A_18 = tpu.memref_slice %arg4[%add3A_10, %dma_start3A_17] : memref<32768x128xf32, #tpu.memory_space<hbm>> -> memref<512x128xf32, #tpu.memory_space<hbm>>
      %dma_start3A_19 = arith.constant 0 : i32
      %dma_start3A_20 = tpu.memref_slice %arg4[%add3A_10, %dma_start3A_19] : memref<32768x128xf32, #tpu.memory_space<hbm>> -> memref<512x128xf32, #tpu.memory_space<hbm>>
      tpu.enqueue_dma source(%arg6 : memref<512x128xf32, #tpu.memory_space<vmem>>) target(%dma_start3A_20 : memref<512x128xf32, #tpu.memory_space<hbm>>) target_semaphore(%run_scoped3A : memref<!tpu.dma_semaphore, #tpu.memory_space<semaphore_mem>>)
      %dma_wait3A_21 = arith.constant 0 : i32
      %dma_wait3A_22 = tpu.memref_slice %arg4[%add3A_10, %dma_wait3A_21] : memref<32768x128xf32, #tpu.memory_space<hbm>> -> memref<512x128xf32, #tpu.memory_space<hbm>>
      %dma_wait3A_23 = arith.constant 0 : i32
      %dma_wait3A_24 = tpu.memref_slice %arg4[%add3A_10, %dma_wait3A_23] : memref<32768x128xf32, #tpu.memory_space<hbm>> -> memref<512x128xf32, #tpu.memory_space<hbm>>
      tpu.wait_dma2 semaphore(%run_scoped3A : memref<!tpu.dma_semaphore, #tpu.memory_space<semaphore_mem>>) src(%arg6 : memref<512x128xf32, #tpu.memory_space<vmem>>) dst(%dma_wait3A_24 : memref<512x128xf32, #tpu.memory_space<hbm>>)
      tpu.yield
    }) : () -> ()
    return
  }
}

#map = affine_map<(d0, d1) -> (0, 0)>
#map1 = affine_map<(d0, d1) -> (0)>
module attributes {stable_mosaic.version = 14 : i64} {
  func.func @gk(%arg0: i32, %arg1: i32, %arg2: memref<2048x128xf32, #tpu.memory_space<hbm>>, %arg3: memref<32768xi32, #tpu.memory_space<hbm>>, %arg4: memref<32768x128xf32, #tpu.memory_space<hbm>>, %arg5: memref<512xi32, #tpu.memory_space<vmem>>, %arg6: memref<512x128xf32, #tpu.memory_space<vmem>>, %arg7: memref<!tpu.dma_semaphore, #tpu.memory_space<semaphore_mem>>) attributes {dimension_semantics = [#tpu.dimension_semantics<core_parallel>, #tpu.dimension_semantics<subcore_parallel>], iteration_bounds = array<i64: 2, 16>, scalar_prefetch = 0 : i64, scratch_operands = 3 : i64, tpu.core_type = #tpu.core_type<sc_vector_subcore>, window_params = [{transform_indices = #map}, {transform_indices = #map1}, {transform_indices = #map}]} {
    %mul3A = arith.constant 2 : i32
    %mul3A_0 = arith.muli %arg1, %mul3A : i32
    %add3A = arith.addi %mul3A_0, %arg0 : i32
    %mul3A_1 = arith.constant 1024 : i32
    %mul3A_2 = arith.muli %add3A, %mul3A_1 : i32
    %add3A_3 = arith.constant 0 : i32
    %add3A_4 = arith.addi %mul3A_2, %add3A_3 : i32
    "tpu.region"() ({
      %run_scoped3A = tpu.sem_alloc : memref<!tpu.dma_semaphore, #tpu.memory_space<semaphore_mem>>
      %dma_start3A_17 = tpu.memref_slice %arg3[%add3A_4] : memref<32768xi32, #tpu.memory_space<hbm>> -> memref<512xi32, #tpu.memory_space<hbm>>
      %dma_start3A_18 = tpu.memref_slice %arg3[%add3A_4] : memref<32768xi32, #tpu.memory_space<hbm>> -> memref<512xi32, #tpu.memory_space<hbm>>
      tpu.enqueue_dma source(%dma_start3A_18 : memref<512xi32, #tpu.memory_space<hbm>>) target(%arg5 : memref<512xi32, #tpu.memory_space<vmem>>) target_semaphore(%run_scoped3A : memref<!tpu.dma_semaphore, #tpu.memory_space<semaphore_mem>>)
      %dma_wait3A_19 = tpu.memref_slice %arg3[%add3A_4] : memref<32768xi32, #tpu.memory_space<hbm>> -> memref<512xi32, #tpu.memory_space<hbm>>
      %dma_wait3A_20 = tpu.memref_slice %arg3[%add3A_4] : memref<32768xi32, #tpu.memory_space<hbm>> -> memref<512xi32, #tpu.memory_space<hbm>>
      tpu.wait_dma2 semaphore(%run_scoped3A : memref<!tpu.dma_semaphore, #tpu.memory_space<semaphore_mem>>) src(%dma_wait3A_20 : memref<512xi32, #tpu.memory_space<hbm>>) dst(%arg5 : memref<512xi32, #tpu.memory_space<vmem>>)
      tpu.yield
    }) : () -> ()
    %dma_start3A = arith.constant 0 : i32
    %dma_start3A_5 = arith.constant 0 : i32
    %dma_start3A_6 = tpu.memref_slice %arg2[%dma_start3A, %dma_start3A_5] : memref<2048x128xf32, #tpu.memory_space<hbm>> -> memref<2048x128xf32, #tpu.memory_space<hbm>>
    tpu.enqueue_indirect_dma source(%dma_start3A_6 : memref<2048x128xf32, #tpu.memory_space<hbm>>) target(%arg6 : memref<512x128xf32, #tpu.memory_space<vmem>>) offsets(%arg5 : memref<512xi32, #tpu.memory_space<vmem>>) semaphore(%arg7 : memref<!tpu.dma_semaphore, #tpu.memory_space<semaphore_mem>>)
    %dma_wait3A = arith.constant 0 : i32
    %dma_wait3A_7 = arith.constant 0 : i32
    %dma_wait3A_8 = tpu.memref_slice %arg2[%dma_wait3A, %dma_wait3A_7] : memref<2048x128xf32, #tpu.memory_space<hbm>> -> memref<2048x128xf32, #tpu.memory_space<hbm>>
    tpu.wait_indirect_dma semaphore(%arg7 : memref<!tpu.dma_semaphore, #tpu.memory_space<semaphore_mem>>) src(%dma_wait3A_8 : memref<2048x128xf32, #tpu.memory_space<hbm>>) dst(%arg6 : memref<512x128xf32, #tpu.memory_space<vmem>>)
    "tpu.region"() ({
      %run_scoped3A = tpu.sem_alloc : memref<!tpu.dma_semaphore, #tpu.memory_space<semaphore_mem>>
      %dma_start3A_17 = arith.constant 0 : i32
      %dma_start3A_18 = tpu.memref_slice %arg4[%add3A_4, %dma_start3A_17] : memref<32768x128xf32, #tpu.memory_space<hbm>> -> memref<512x128xf32, #tpu.memory_space<hbm>>
      %dma_start3A_19 = arith.constant 0 : i32
      %dma_start3A_20 = tpu.memref_slice %arg4[%add3A_4, %dma_start3A_19] : memref<32768x128xf32, #tpu.memory_space<hbm>> -> memref<512x128xf32, #tpu.memory_space<hbm>>
      tpu.enqueue_dma source(%arg6 : memref<512x128xf32, #tpu.memory_space<vmem>>) target(%dma_start3A_20 : memref<512x128xf32, #tpu.memory_space<hbm>>) target_semaphore(%run_scoped3A : memref<!tpu.dma_semaphore, #tpu.memory_space<semaphore_mem>>)
      %dma_wait3A_21 = arith.constant 0 : i32
      %dma_wait3A_22 = tpu.memref_slice %arg4[%add3A_4, %dma_wait3A_21] : memref<32768x128xf32, #tpu.memory_space<hbm>> -> memref<512x128xf32, #tpu.memory_space<hbm>>
      %dma_wait3A_23 = arith.constant 0 : i32
      %dma_wait3A_24 = tpu.memref_slice %arg4[%add3A_4, %dma_wait3A_23] : memref<32768x128xf32, #tpu.memory_space<hbm>> -> memref<512x128xf32, #tpu.memory_space<hbm>>
      tpu.wait_dma2 semaphore(%run_scoped3A : memref<!tpu.dma_semaphore, #tpu.memory_space<semaphore_mem>>) src(%arg6 : memref<512x128xf32, #tpu.memory_space<vmem>>) dst(%dma_wait3A_24 : memref<512x128xf32, #tpu.memory_space<hbm>>)
      tpu.yield
    }) : () -> ()
    %add3A_9 = arith.constant 512 : i32
    %add3A_10 = arith.addi %mul3A_2, %add3A_9 : i32
    "tpu.region"() ({
      %run_scoped3A = tpu.sem_alloc : memref<!tpu.dma_semaphore, #tpu.memory_space<semaphore_mem>>
      %dma_start3A_17 = tpu.memref_slice %arg3[%add3A_10] : memref<32768xi32, #tpu.memory_space<hbm>> -> memref<512xi32, #tpu.memory_space<hbm>>
      %dma_start3A_18 = tpu.memref_slice %arg3[%add3A_10] : memref<32768xi32, #tpu.memory_space<hbm>> -> memref<512xi32, #tpu.memory_space<hbm>>
      tpu.enqueue_dma source(%dma_start3A_18 : memref<512xi32, #tpu.memory_space<hbm>>) target(%arg5 : memref<512xi32, #tpu.memory_space<vmem>>) target_semaphore(%run_scoped3A : memref<!tpu.dma_semaphore, #tpu.memory_space<semaphore_mem>>)
      %dma_wait3A_19 = tpu.memref_slice %arg3[%add3A_10] : memref<32768xi32, #tpu.memory_space<hbm>> -> memref<512xi32, #tpu.memory_space<hbm>>
      %dma_wait3A_20 = tpu.memref_slice %arg3[%add3A_10] : memref<32768xi32, #tpu.memory_space<hbm>> -> memref<512xi32, #tpu.memory_space<hbm>>
      tpu.wait_dma2 semaphore(%run_scoped3A : memref<!tpu.dma_semaphore, #tpu.memory_space<semaphore_mem>>) src(%dma_wait3A_20 : memref<512xi32, #tpu.memory_space<hbm>>) dst(%arg5 : memref<512xi32, #tpu.memory_space<vmem>>)
      tpu.yield
    }) : () -> ()
    %dma_start3A_11 = arith.constant 0 : i32
    %dma_start3A_12 = arith.constant 0 : i32
    %dma_start3A_13 = tpu.memref_slice %arg2[%dma_start3A_11, %dma_start3A_12] : memref<2048x128xf32, #tpu.memory_space<hbm>> -> memref<2048x128xf32, #tpu.memory_space<hbm>>
    tpu.enqueue_indirect_dma source(%dma_start3A_13 : memref<2048x128xf32, #tpu.memory_space<hbm>>) target(%arg6 : memref<512x128xf32, #tpu.memory_space<vmem>>) offsets(%arg5 : memref<512xi32, #tpu.memory_space<vmem>>) semaphore(%arg7 : memref<!tpu.dma_semaphore, #tpu.memory_space<semaphore_mem>>)
    %dma_wait3A_14 = arith.constant 0 : i32
    %dma_wait3A_15 = arith.constant 0 : i32
    %dma_wait3A_16 = tpu.memref_slice %arg2[%dma_wait3A_14, %dma_wait3A_15] : memref<2048x128xf32, #tpu.memory_space<hbm>> -> memref<2048x128xf32, #tpu.memory_space<hbm>>
    tpu.wait_indirect_dma semaphore(%arg7 : memref<!tpu.dma_semaphore, #tpu.memory_space<semaphore_mem>>) src(%dma_wait3A_16 : memref<2048x128xf32, #tpu.memory_space<hbm>>) dst(%arg6 : memref<512x128xf32, #tpu.memory_space<vmem>>)
    "tpu.region"() ({
      %run_scoped3A = tpu.sem_alloc : memref<!tpu.dma_semaphore, #tpu.memory_space<semaphore_mem>>
      %dma_start3A_17 = arith.constant 0 : i32
      %dma_start3A_18 = tpu.memref_slice %arg4[%add3A_10, %dma_start3A_17] : memref<32768x128xf32, #tpu.memory_space<hbm>> -> memref<512x128xf32, #tpu.memory_space<hbm>>
      %dma_start3A_19 = arith.constant 0 : i32
      %dma_start3A_20 = tpu.memref_slice %arg4[%add3A_10, %dma_start3A_19] : memref<32768x128xf32, #tpu.memory_space<hbm>> -> memref<512x128xf32, #tpu.memory_space<hbm>>
      tpu.enqueue_dma source(%arg6 : memref<512x128xf32, #tpu.memory_space<vmem>>) target(%dma_start3A_20 : memref<512x128xf32, #tpu.memory_space<hbm>>) target_semaphore(%run_scoped3A : memref<!tpu.dma_semaphore, #tpu.memory_space<semaphore_mem>>)
      %dma_wait3A_21 = arith.constant 0 : i32
      %dma_wait3A_22 = tpu.memref_slice %arg4[%add3A_10, %dma_wait3A_21] : memref<32768x128xf32, #tpu.memory_space<hbm>> -> memref<512x128xf32, #tpu.memory_space<hbm>>
      %dma_wait3A_23 = arith.constant 0 : i32
      %dma_wait3A_24 = tpu.memref_slice %arg4[%add3A_10, %dma_wait3A_23] : memref<32768x128xf32, #tpu.memory_space<hbm>> -> memref<512x128xf32, #tpu.memory_space<hbm>>
      tpu.wait_dma2 semaphore(%run_scoped3A : memref<!tpu.dma_semaphore, #tpu.memory_space<semaphore_mem>>) src(%arg6 : memref<512x128xf32, #tpu.memory_space<vmem>>) dst(%dma_wait3A_24 : memref<512x128xf32, #tpu.memory_space<hbm>>)
      tpu.yield
    }) : () -> ()
    return
  }
}

#map = affine_map<(d0, d1) -> (0, 0)>
#map1 = affine_map<(d0, d1) -> (0)>
module attributes {stable_mosaic.version = 14 : i64} {
  func.func @gk(%arg0: i32, %arg1: i32, %arg2: memref<2048x128xf32, #tpu.memory_space<hbm>>, %arg3: memref<32768xi32, #tpu.memory_space<hbm>>, %arg4: memref<32768x128xf32, #tpu.memory_space<hbm>>, %arg5: memref<512xi32, #tpu.memory_space<vmem>>, %arg6: memref<512x128xf32, #tpu.memory_space<vmem>>, %arg7: memref<!tpu.dma_semaphore, #tpu.memory_space<semaphore_mem>>) attributes {dimension_semantics = [#tpu.dimension_semantics<core_parallel>, #tpu.dimension_semantics<subcore_parallel>], iteration_bounds = array<i64: 2, 16>, scalar_prefetch = 0 : i64, scratch_operands = 3 : i64, tpu.core_type = #tpu.core_type<sc_vector_subcore>, window_params = [{transform_indices = #map}, {transform_indices = #map1}, {transform_indices = #map}]} {
    %mul3A = arith.constant 2 : i32
    %mul3A_0 = arith.muli %arg1, %mul3A : i32
    %add3A = arith.addi %mul3A_0, %arg0 : i32
    %mul3A_1 = arith.constant 1024 : i32
    %mul3A_2 = arith.muli %add3A, %mul3A_1 : i32
    %add3A_3 = arith.constant 0 : i32
    %add3A_4 = arith.addi %mul3A_2, %add3A_3 : i32
    "tpu.region"() ({
      %run_scoped3A = tpu.sem_alloc : memref<!tpu.dma_semaphore, #tpu.memory_space<semaphore_mem>>
      %dma_start3A_17 = tpu.memref_slice %arg3[%add3A_4] : memref<32768xi32, #tpu.memory_space<hbm>> -> memref<512xi32, #tpu.memory_space<hbm>>
      %dma_start3A_18 = tpu.memref_slice %arg3[%add3A_4] : memref<32768xi32, #tpu.memory_space<hbm>> -> memref<512xi32, #tpu.memory_space<hbm>>
      tpu.enqueue_dma source(%dma_start3A_18 : memref<512xi32, #tpu.memory_space<hbm>>) target(%arg5 : memref<512xi32, #tpu.memory_space<vmem>>) target_semaphore(%run_scoped3A : memref<!tpu.dma_semaphore, #tpu.memory_space<semaphore_mem>>)
      %dma_wait3A_19 = tpu.memref_slice %arg3[%add3A_4] : memref<32768xi32, #tpu.memory_space<hbm>> -> memref<512xi32, #tpu.memory_space<hbm>>
      %dma_wait3A_20 = tpu.memref_slice %arg3[%add3A_4] : memref<32768xi32, #tpu.memory_space<hbm>> -> memref<512xi32, #tpu.memory_space<hbm>>
      tpu.wait_dma2 semaphore(%run_scoped3A : memref<!tpu.dma_semaphore, #tpu.memory_space<semaphore_mem>>) src(%dma_wait3A_20 : memref<512xi32, #tpu.memory_space<hbm>>) dst(%arg5 : memref<512xi32, #tpu.memory_space<vmem>>)
      tpu.yield
    }) : () -> ()
    %dma_start3A = arith.constant 0 : i32
    %dma_start3A_5 = arith.constant 0 : i32
    %dma_start3A_6 = tpu.memref_slice %arg2[%dma_start3A, %dma_start3A_5] : memref<2048x128xf32, #tpu.memory_space<hbm>> -> memref<2048x128xf32, #tpu.memory_space<hbm>>
    tpu.enqueue_indirect_dma source(%dma_start3A_6 : memref<2048x128xf32, #tpu.memory_space<hbm>>) target(%arg6 : memref<512x128xf32, #tpu.memory_space<vmem>>) offsets(%arg5 : memref<512xi32, #tpu.memory_space<vmem>>) semaphore(%arg7 : memref<!tpu.dma_semaphore, #tpu.memory_space<semaphore_mem>>)
    %dma_wait3A = arith.constant 0 : i32
    %dma_wait3A_7 = arith.constant 0 : i32
    %dma_wait3A_8 = tpu.memref_slice %arg2[%dma_wait3A, %dma_wait3A_7] : memref<2048x128xf32, #tpu.memory_space<hbm>> -> memref<2048x128xf32, #tpu.memory_space<hbm>>
    tpu.wait_indirect_dma semaphore(%arg7 : memref<!tpu.dma_semaphore, #tpu.memory_space<semaphore_mem>>) src(%dma_wait3A_8 : memref<2048x128xf32, #tpu.memory_space<hbm>>) dst(%arg6 : memref<512x128xf32, #tpu.memory_space<vmem>>)
    "tpu.region"() ({
      %run_scoped3A = tpu.sem_alloc : memref<!tpu.dma_semaphore, #tpu.memory_space<semaphore_mem>>
      %dma_start3A_17 = arith.constant 0 : i32
      %dma_start3A_18 = tpu.memref_slice %arg4[%add3A_4, %dma_start3A_17] : memref<32768x128xf32, #tpu.memory_space<hbm>> -> memref<512x128xf32, #tpu.memory_space<hbm>>
      %dma_start3A_19 = arith.constant 0 : i32
      %dma_start3A_20 = tpu.memref_slice %arg4[%add3A_4, %dma_start3A_19] : memref<32768x128xf32, #tpu.memory_space<hbm>> -> memref<512x128xf32, #tpu.memory_space<hbm>>
      tpu.enqueue_dma source(%arg6 : memref<512x128xf32, #tpu.memory_space<vmem>>) target(%dma_start3A_20 : memref<512x128xf32, #tpu.memory_space<hbm>>) target_semaphore(%run_scoped3A : memref<!tpu.dma_semaphore, #tpu.memory_space<semaphore_mem>>)
      %dma_wait3A_21 = arith.constant 0 : i32
      %dma_wait3A_22 = tpu.memref_slice %arg4[%add3A_4, %dma_wait3A_21] : memref<32768x128xf32, #tpu.memory_space<hbm>> -> memref<512x128xf32, #tpu.memory_space<hbm>>
      %dma_wait3A_23 = arith.constant 0 : i32
      %dma_wait3A_24 = tpu.memref_slice %arg4[%add3A_4, %dma_wait3A_23] : memref<32768x128xf32, #tpu.memory_space<hbm>> -> memref<512x128xf32, #tpu.memory_space<hbm>>
      tpu.wait_dma2 semaphore(%run_scoped3A : memref<!tpu.dma_semaphore, #tpu.memory_space<semaphore_mem>>) src(%arg6 : memref<512x128xf32, #tpu.memory_space<vmem>>) dst(%dma_wait3A_24 : memref<512x128xf32, #tpu.memory_space<hbm>>)
      tpu.yield
    }) : () -> ()
    %add3A_9 = arith.constant 512 : i32
    %add3A_10 = arith.addi %mul3A_2, %add3A_9 : i32
    "tpu.region"() ({
      %run_scoped3A = tpu.sem_alloc : memref<!tpu.dma_semaphore, #tpu.memory_space<semaphore_mem>>
      %dma_start3A_17 = tpu.memref_slice %arg3[%add3A_10] : memref<32768xi32, #tpu.memory_space<hbm>> -> memref<512xi32, #tpu.memory_space<hbm>>
      %dma_start3A_18 = tpu.memref_slice %arg3[%add3A_10] : memref<32768xi32, #tpu.memory_space<hbm>> -> memref<512xi32, #tpu.memory_space<hbm>>
      tpu.enqueue_dma source(%dma_start3A_18 : memref<512xi32, #tpu.memory_space<hbm>>) target(%arg5 : memref<512xi32, #tpu.memory_space<vmem>>) target_semaphore(%run_scoped3A : memref<!tpu.dma_semaphore, #tpu.memory_space<semaphore_mem>>)
      %dma_wait3A_19 = tpu.memref_slice %arg3[%add3A_10] : memref<32768xi32, #tpu.memory_space<hbm>> -> memref<512xi32, #tpu.memory_space<hbm>>
      %dma_wait3A_20 = tpu.memref_slice %arg3[%add3A_10] : memref<32768xi32, #tpu.memory_space<hbm>> -> memref<512xi32, #tpu.memory_space<hbm>>
      tpu.wait_dma2 semaphore(%run_scoped3A : memref<!tpu.dma_semaphore, #tpu.memory_space<semaphore_mem>>) src(%dma_wait3A_20 : memref<512xi32, #tpu.memory_space<hbm>>) dst(%arg5 : memref<512xi32, #tpu.memory_space<vmem>>)
      tpu.yield
    }) : () -> ()
    %dma_start3A_11 = arith.constant 0 : i32
    %dma_start3A_12 = arith.constant 0 : i32
    %dma_start3A_13 = tpu.memref_slice %arg2[%dma_start3A_11, %dma_start3A_12] : memref<2048x128xf32, #tpu.memory_space<hbm>> -> memref<2048x128xf32, #tpu.memory_space<hbm>>
    tpu.enqueue_indirect_dma source(%dma_start3A_13 : memref<2048x128xf32, #tpu.memory_space<hbm>>) target(%arg6 : memref<512x128xf32, #tpu.memory_space<vmem>>) offsets(%arg5 : memref<512xi32, #tpu.memory_space<vmem>>) semaphore(%arg7 : memref<!tpu.dma_semaphore, #tpu.memory_space<semaphore_mem>>)
    %dma_wait3A_14 = arith.constant 0 : i32
    %dma_wait3A_15 = arith.constant 0 : i32
    %dma_wait3A_16 = tpu.memref_slice %arg2[%dma_wait3A_14, %dma_wait3A_15] : memref<2048x128xf32, #tpu.memory_space<hbm>> -> memref<2048x128xf32, #tpu.memory_space<hbm>>
    tpu.wait_indirect_dma semaphore(%arg7 : memref<!tpu.dma_semaphore, #tpu.memory_space<semaphore_mem>>) src(%dma_wait3A_16 : memref<2048x128xf32, #tpu.memory_space<hbm>>) dst(%arg6 : memref<512x128xf32, #tpu.memory_space<vmem>>)
    "tpu.region"() ({
      %run_scoped3A = tpu.sem_alloc : memref<!tpu.dma_semaphore, #tpu.memory_space<semaphore_mem>>
      %dma_start3A_17 = arith.constant 0 : i32
      %dma_start3A_18 = tpu.memref_slice %arg4[%add3A_10, %dma_start3A_17] : memref<32768x128xf32, #tpu.memory_space<hbm>> -> memref<512x128xf32, #tpu.memory_space<hbm>>
      %dma_start3A_19 = arith.constant 0 : i32
      %dma_start3A_20 = tpu.memref_slice %arg4[%add3A_10, %dma_start3A_19] : memref<32768x128xf32, #tpu.memory_space<hbm>> -> memref<512x128xf32, #tpu.memory_space<hbm>>
      tpu.enqueue_dma source(%arg6 : memref<512x128xf32, #tpu.memory_space<vmem>>) target(%dma_start3A_20 : memref<512x128xf32, #tpu.memory_space<hbm>>) target_semaphore(%run_scoped3A : memref<!tpu.dma_semaphore, #tpu.memory_space<semaphore_mem>>)
      %dma_wait3A_21 = arith.constant 0 : i32
      %dma_wait3A_22 = tpu.memref_slice %arg4[%add3A_10, %dma_wait3A_21] : memref<32768x128xf32, #tpu.memory_space<hbm>> -> memref<512x128xf32, #tpu.memory_space<hbm>>
      %dma_wait3A_23 = arith.constant 0 : i32
      %dma_wait3A_24 = tpu.memref_slice %arg4[%add3A_10, %dma_wait3A_23] : memref<32768x128xf32, #tpu.memory_space<hbm>> -> memref<512x128xf32, #tpu.memory_space<hbm>>
      tpu.wait_dma2 semaphore(%run_scoped3A : memref<!tpu.dma_semaphore, #tpu.memory_space<semaphore_mem>>) src(%arg6 : memref<512x128xf32, #tpu.memory_space<vmem>>) dst(%dma_wait3A_24 : memref<512x128xf32, #tpu.memory_space<hbm>>)
      tpu.yield
    }) : () -> ()
    return
  }
}

#map = affine_map<(d0, d1) -> (0, 0)>
#map1 = affine_map<(d0, d1) -> (0)>
module attributes {stable_mosaic.version = 14 : i64} {
  func.func @gk(%arg0: i32, %arg1: i32, %arg2: memref<2048x128xf32, #tpu.memory_space<hbm>>, %arg3: memref<32768xi32, #tpu.memory_space<hbm>>, %arg4: memref<32768x128xf32, #tpu.memory_space<hbm>>, %arg5: memref<512xi32, #tpu.memory_space<vmem>>, %arg6: memref<512x128xf32, #tpu.memory_space<vmem>>, %arg7: memref<!tpu.dma_semaphore, #tpu.memory_space<semaphore_mem>>) attributes {dimension_semantics = [#tpu.dimension_semantics<core_parallel>, #tpu.dimension_semantics<subcore_parallel>], iteration_bounds = array<i64: 2, 16>, scalar_prefetch = 0 : i64, scratch_operands = 3 : i64, tpu.core_type = #tpu.core_type<sc_vector_subcore>, window_params = [{transform_indices = #map}, {transform_indices = #map1}, {transform_indices = #map}]} {
    %mul3A = arith.constant 2 : i32
    %mul3A_0 = arith.muli %arg1, %mul3A : i32
    %add3A = arith.addi %mul3A_0, %arg0 : i32
    %mul3A_1 = arith.constant 1024 : i32
    %mul3A_2 = arith.muli %add3A, %mul3A_1 : i32
    %add3A_3 = arith.constant 0 : i32
    %add3A_4 = arith.addi %mul3A_2, %add3A_3 : i32
    "tpu.region"() ({
      %run_scoped3A = tpu.sem_alloc : memref<!tpu.dma_semaphore, #tpu.memory_space<semaphore_mem>>
      %dma_start3A_17 = tpu.memref_slice %arg3[%add3A_4] : memref<32768xi32, #tpu.memory_space<hbm>> -> memref<512xi32, #tpu.memory_space<hbm>>
      %dma_start3A_18 = tpu.memref_slice %arg3[%add3A_4] : memref<32768xi32, #tpu.memory_space<hbm>> -> memref<512xi32, #tpu.memory_space<hbm>>
      tpu.enqueue_dma source(%dma_start3A_18 : memref<512xi32, #tpu.memory_space<hbm>>) target(%arg5 : memref<512xi32, #tpu.memory_space<vmem>>) target_semaphore(%run_scoped3A : memref<!tpu.dma_semaphore, #tpu.memory_space<semaphore_mem>>)
      %dma_wait3A_19 = tpu.memref_slice %arg3[%add3A_4] : memref<32768xi32, #tpu.memory_space<hbm>> -> memref<512xi32, #tpu.memory_space<hbm>>
      %dma_wait3A_20 = tpu.memref_slice %arg3[%add3A_4] : memref<32768xi32, #tpu.memory_space<hbm>> -> memref<512xi32, #tpu.memory_space<hbm>>
      tpu.wait_dma2 semaphore(%run_scoped3A : memref<!tpu.dma_semaphore, #tpu.memory_space<semaphore_mem>>) src(%dma_wait3A_20 : memref<512xi32, #tpu.memory_space<hbm>>) dst(%arg5 : memref<512xi32, #tpu.memory_space<vmem>>)
      tpu.yield
    }) : () -> ()
    %dma_start3A = arith.constant 0 : i32
    %dma_start3A_5 = arith.constant 0 : i32
    %dma_start3A_6 = tpu.memref_slice %arg2[%dma_start3A, %dma_start3A_5] : memref<2048x128xf32, #tpu.memory_space<hbm>> -> memref<2048x128xf32, #tpu.memory_space<hbm>>
    tpu.enqueue_indirect_dma source(%dma_start3A_6 : memref<2048x128xf32, #tpu.memory_space<hbm>>) target(%arg6 : memref<512x128xf32, #tpu.memory_space<vmem>>) offsets(%arg5 : memref<512xi32, #tpu.memory_space<vmem>>) semaphore(%arg7 : memref<!tpu.dma_semaphore, #tpu.memory_space<semaphore_mem>>)
    %dma_wait3A = arith.constant 0 : i32
    %dma_wait3A_7 = arith.constant 0 : i32
    %dma_wait3A_8 = tpu.memref_slice %arg2[%dma_wait3A, %dma_wait3A_7] : memref<2048x128xf32, #tpu.memory_space<hbm>> -> memref<2048x128xf32, #tpu.memory_space<hbm>>
    tpu.wait_indirect_dma semaphore(%arg7 : memref<!tpu.dma_semaphore, #tpu.memory_space<semaphore_mem>>) src(%dma_wait3A_8 : memref<2048x128xf32, #tpu.memory_space<hbm>>) dst(%arg6 : memref<512x128xf32, #tpu.memory_space<vmem>>)
    "tpu.region"() ({
      %run_scoped3A = tpu.sem_alloc : memref<!tpu.dma_semaphore, #tpu.memory_space<semaphore_mem>>
      %dma_start3A_17 = arith.constant 0 : i32
      %dma_start3A_18 = tpu.memref_slice %arg4[%add3A_4, %dma_start3A_17] : memref<32768x128xf32, #tpu.memory_space<hbm>> -> memref<512x128xf32, #tpu.memory_space<hbm>>
      %dma_start3A_19 = arith.constant 0 : i32
      %dma_start3A_20 = tpu.memref_slice %arg4[%add3A_4, %dma_start3A_19] : memref<32768x128xf32, #tpu.memory_space<hbm>> -> memref<512x128xf32, #tpu.memory_space<hbm>>
      tpu.enqueue_dma source(%arg6 : memref<512x128xf32, #tpu.memory_space<vmem>>) target(%dma_start3A_20 : memref<512x128xf32, #tpu.memory_space<hbm>>) target_semaphore(%run_scoped3A : memref<!tpu.dma_semaphore, #tpu.memory_space<semaphore_mem>>)
      %dma_wait3A_21 = arith.constant 0 : i32
      %dma_wait3A_22 = tpu.memref_slice %arg4[%add3A_4, %dma_wait3A_21] : memref<32768x128xf32, #tpu.memory_space<hbm>> -> memref<512x128xf32, #tpu.memory_space<hbm>>
      %dma_wait3A_23 = arith.constant 0 : i32
      %dma_wait3A_24 = tpu.memref_slice %arg4[%add3A_4, %dma_wait3A_23] : memref<32768x128xf32, #tpu.memory_space<hbm>> -> memref<512x128xf32, #tpu.memory_space<hbm>>
      tpu.wait_dma2 semaphore(%run_scoped3A : memref<!tpu.dma_semaphore, #tpu.memory_space<semaphore_mem>>) src(%arg6 : memref<512x128xf32, #tpu.memory_space<vmem>>) dst(%dma_wait3A_24 : memref<512x128xf32, #tpu.memory_space<hbm>>)
      tpu.yield
    }) : () -> ()
    %add3A_9 = arith.constant 512 : i32
    %add3A_10 = arith.addi %mul3A_2, %add3A_9 : i32
    "tpu.region"() ({
      %run_scoped3A = tpu.sem_alloc : memref<!tpu.dma_semaphore, #tpu.memory_space<semaphore_mem>>
      %dma_start3A_17 = tpu.memref_slice %arg3[%add3A_10] : memref<32768xi32, #tpu.memory_space<hbm>> -> memref<512xi32, #tpu.memory_space<hbm>>
      %dma_start3A_18 = tpu.memref_slice %arg3[%add3A_10] : memref<32768xi32, #tpu.memory_space<hbm>> -> memref<512xi32, #tpu.memory_space<hbm>>
      tpu.enqueue_dma source(%dma_start3A_18 : memref<512xi32, #tpu.memory_space<hbm>>) target(%arg5 : memref<512xi32, #tpu.memory_space<vmem>>) target_semaphore(%run_scoped3A : memref<!tpu.dma_semaphore, #tpu.memory_space<semaphore_mem>>)
      %dma_wait3A_19 = tpu.memref_slice %arg3[%add3A_10] : memref<32768xi32, #tpu.memory_space<hbm>> -> memref<512xi32, #tpu.memory_space<hbm>>
      %dma_wait3A_20 = tpu.memref_slice %arg3[%add3A_10] : memref<32768xi32, #tpu.memory_space<hbm>> -> memref<512xi32, #tpu.memory_space<hbm>>
      tpu.wait_dma2 semaphore(%run_scoped3A : memref<!tpu.dma_semaphore, #tpu.memory_space<semaphore_mem>>) src(%dma_wait3A_20 : memref<512xi32, #tpu.memory_space<hbm>>) dst(%arg5 : memref<512xi32, #tpu.memory_space<vmem>>)
      tpu.yield
    }) : () -> ()
    %dma_start3A_11 = arith.constant 0 : i32
    %dma_start3A_12 = arith.constant 0 : i32
    %dma_start3A_13 = tpu.memref_slice %arg2[%dma_start3A_11, %dma_start3A_12] : memref<2048x128xf32, #tpu.memory_space<hbm>> -> memref<2048x128xf32, #tpu.memory_space<hbm>>
    tpu.enqueue_indirect_dma source(%dma_start3A_13 : memref<2048x128xf32, #tpu.memory_space<hbm>>) target(%arg6 : memref<512x128xf32, #tpu.memory_space<vmem>>) offsets(%arg5 : memref<512xi32, #tpu.memory_space<vmem>>) semaphore(%arg7 : memref<!tpu.dma_semaphore, #tpu.memory_space<semaphore_mem>>)
    %dma_wait3A_14 = arith.constant 0 : i32
    %dma_wait3A_15 = arith.constant 0 : i32
    %dma_wait3A_16 = tpu.memref_slice %arg2[%dma_wait3A_14, %dma_wait3A_15] : memref<2048x128xf32, #tpu.memory_space<hbm>> -> memref<2048x128xf32, #tpu.memory_space<hbm>>
    tpu.wait_indirect_dma semaphore(%arg7 : memref<!tpu.dma_semaphore, #tpu.memory_space<semaphore_mem>>) src(%dma_wait3A_16 : memref<2048x128xf32, #tpu.memory_space<hbm>>) dst(%arg6 : memref<512x128xf32, #tpu.memory_space<vmem>>)
    "tpu.region"() ({
      %run_scoped3A = tpu.sem_alloc : memref<!tpu.dma_semaphore, #tpu.memory_space<semaphore_mem>>
      %dma_start3A_17 = arith.constant 0 : i32
      %dma_start3A_18 = tpu.memref_slice %arg4[%add3A_10, %dma_start3A_17] : memref<32768x128xf32, #tpu.memory_space<hbm>> -> memref<512x128xf32, #tpu.memory_space<hbm>>
      %dma_start3A_19 = arith.constant 0 : i32
      %dma_start3A_20 = tpu.memref_slice %arg4[%add3A_10, %dma_start3A_19] : memref<32768x128xf32, #tpu.memory_space<hbm>> -> memref<512x128xf32, #tpu.memory_space<hbm>>
      tpu.enqueue_dma source(%arg6 : memref<512x128xf32, #tpu.memory_space<vmem>>) target(%dma_start3A_20 : memref<512x128xf32, #tpu.memory_space<hbm>>) target_semaphore(%run_scoped3A : memref<!tpu.dma_semaphore, #tpu.memory_space<semaphore_mem>>)
      %dma_wait3A_21 = arith.constant 0 : i32
      %dma_wait3A_22 = tpu.memref_slice %arg4[%add3A_10, %dma_wait3A_21] : memref<32768x128xf32, #tpu.memory_space<hbm>> -> memref<512x128xf32, #tpu.memory_space<hbm>>
      %dma_wait3A_23 = arith.constant 0 : i32
      %dma_wait3A_24 = tpu.memref_slice %arg4[%add3A_10, %dma_wait3A_23] : memref<32768x128xf32, #tpu.memory_space<hbm>> -> memref<512x128xf32, #tpu.memory_space<hbm>>
      tpu.wait_dma2 semaphore(%run_scoped3A : memref<!tpu.dma_semaphore, #tpu.memory_space<semaphore_mem>>) src(%arg6 : memref<512x128xf32, #tpu.memory_space<vmem>>) dst(%dma_wait3A_24 : memref<512x128xf32, #tpu.memory_space<hbm>>)
      tpu.yield
    }) : () -> ()
    return
  }
}

#map = affine_map<(d0, d1) -> (0, 0)>
#map1 = affine_map<(d0, d1) -> (0)>
module attributes {stable_mosaic.version = 14 : i64} {
  func.func @gk(%arg0: i32, %arg1: i32, %arg2: memref<2048x128xf32, #tpu.memory_space<hbm>>, %arg3: memref<32768xi32, #tpu.memory_space<hbm>>, %arg4: memref<32768x128xf32, #tpu.memory_space<hbm>>, %arg5: memref<512xi32, #tpu.memory_space<vmem>>, %arg6: memref<512x128xf32, #tpu.memory_space<vmem>>, %arg7: memref<!tpu.dma_semaphore, #tpu.memory_space<semaphore_mem>>) attributes {dimension_semantics = [#tpu.dimension_semantics<core_parallel>, #tpu.dimension_semantics<subcore_parallel>], iteration_bounds = array<i64: 2, 16>, scalar_prefetch = 0 : i64, scratch_operands = 3 : i64, tpu.core_type = #tpu.core_type<sc_vector_subcore>, window_params = [{transform_indices = #map}, {transform_indices = #map1}, {transform_indices = #map}]} {
    %mul3A = arith.constant 2 : i32
    %mul3A_0 = arith.muli %arg1, %mul3A : i32
    %add3A = arith.addi %mul3A_0, %arg0 : i32
    %mul3A_1 = arith.constant 1024 : i32
    %mul3A_2 = arith.muli %add3A, %mul3A_1 : i32
    %add3A_3 = arith.constant 0 : i32
    %add3A_4 = arith.addi %mul3A_2, %add3A_3 : i32
    "tpu.region"() ({
      %run_scoped3A = tpu.sem_alloc : memref<!tpu.dma_semaphore, #tpu.memory_space<semaphore_mem>>
      %dma_start3A_17 = tpu.memref_slice %arg3[%add3A_4] : memref<32768xi32, #tpu.memory_space<hbm>> -> memref<512xi32, #tpu.memory_space<hbm>>
      %dma_start3A_18 = tpu.memref_slice %arg3[%add3A_4] : memref<32768xi32, #tpu.memory_space<hbm>> -> memref<512xi32, #tpu.memory_space<hbm>>
      tpu.enqueue_dma source(%dma_start3A_18 : memref<512xi32, #tpu.memory_space<hbm>>) target(%arg5 : memref<512xi32, #tpu.memory_space<vmem>>) target_semaphore(%run_scoped3A : memref<!tpu.dma_semaphore, #tpu.memory_space<semaphore_mem>>)
      %dma_wait3A_19 = tpu.memref_slice %arg3[%add3A_4] : memref<32768xi32, #tpu.memory_space<hbm>> -> memref<512xi32, #tpu.memory_space<hbm>>
      %dma_wait3A_20 = tpu.memref_slice %arg3[%add3A_4] : memref<32768xi32, #tpu.memory_space<hbm>> -> memref<512xi32, #tpu.memory_space<hbm>>
      tpu.wait_dma2 semaphore(%run_scoped3A : memref<!tpu.dma_semaphore, #tpu.memory_space<semaphore_mem>>) src(%dma_wait3A_20 : memref<512xi32, #tpu.memory_space<hbm>>) dst(%arg5 : memref<512xi32, #tpu.memory_space<vmem>>)
      tpu.yield
    }) : () -> ()
    %dma_start3A = arith.constant 0 : i32
    %dma_start3A_5 = arith.constant 0 : i32
    %dma_start3A_6 = tpu.memref_slice %arg2[%dma_start3A, %dma_start3A_5] : memref<2048x128xf32, #tpu.memory_space<hbm>> -> memref<2048x128xf32, #tpu.memory_space<hbm>>
    tpu.enqueue_indirect_dma source(%dma_start3A_6 : memref<2048x128xf32, #tpu.memory_space<hbm>>) target(%arg6 : memref<512x128xf32, #tpu.memory_space<vmem>>) offsets(%arg5 : memref<512xi32, #tpu.memory_space<vmem>>) semaphore(%arg7 : memref<!tpu.dma_semaphore, #tpu.memory_space<semaphore_mem>>)
    %dma_wait3A = arith.constant 0 : i32
    %dma_wait3A_7 = arith.constant 0 : i32
    %dma_wait3A_8 = tpu.memref_slice %arg2[%dma_wait3A, %dma_wait3A_7] : memref<2048x128xf32, #tpu.memory_space<hbm>> -> memref<2048x128xf32, #tpu.memory_space<hbm>>
    tpu.wait_indirect_dma semaphore(%arg7 : memref<!tpu.dma_semaphore, #tpu.memory_space<semaphore_mem>>) src(%dma_wait3A_8 : memref<2048x128xf32, #tpu.memory_space<hbm>>) dst(%arg6 : memref<512x128xf32, #tpu.memory_space<vmem>>)
    "tpu.region"() ({
      %run_scoped3A = tpu.sem_alloc : memref<!tpu.dma_semaphore, #tpu.memory_space<semaphore_mem>>
      %dma_start3A_17 = arith.constant 0 : i32
      %dma_start3A_18 = tpu.memref_slice %arg4[%add3A_4, %dma_start3A_17] : memref<32768x128xf32, #tpu.memory_space<hbm>> -> memref<512x128xf32, #tpu.memory_space<hbm>>
      %dma_start3A_19 = arith.constant 0 : i32
      %dma_start3A_20 = tpu.memref_slice %arg4[%add3A_4, %dma_start3A_19] : memref<32768x128xf32, #tpu.memory_space<hbm>> -> memref<512x128xf32, #tpu.memory_space<hbm>>
      tpu.enqueue_dma source(%arg6 : memref<512x128xf32, #tpu.memory_space<vmem>>) target(%dma_start3A_20 : memref<512x128xf32, #tpu.memory_space<hbm>>) target_semaphore(%run_scoped3A : memref<!tpu.dma_semaphore, #tpu.memory_space<semaphore_mem>>)
      %dma_wait3A_21 = arith.constant 0 : i32
      %dma_wait3A_22 = tpu.memref_slice %arg4[%add3A_4, %dma_wait3A_21] : memref<32768x128xf32, #tpu.memory_space<hbm>> -> memref<512x128xf32, #tpu.memory_space<hbm>>
      %dma_wait3A_23 = arith.constant 0 : i32
      %dma_wait3A_24 = tpu.memref_slice %arg4[%add3A_4, %dma_wait3A_23] : memref<32768x128xf32, #tpu.memory_space<hbm>> -> memref<512x128xf32, #tpu.memory_space<hbm>>
      tpu.wait_dma2 semaphore(%run_scoped3A : memref<!tpu.dma_semaphore, #tpu.memory_space<semaphore_mem>>) src(%arg6 : memref<512x128xf32, #tpu.memory_space<vmem>>) dst(%dma_wait3A_24 : memref<512x128xf32, #tpu.memory_space<hbm>>)
      tpu.yield
    }) : () -> ()
    %add3A_9 = arith.constant 512 : i32
    %add3A_10 = arith.addi %mul3A_2, %add3A_9 : i32
    "tpu.region"() ({
      %run_scoped3A = tpu.sem_alloc : memref<!tpu.dma_semaphore, #tpu.memory_space<semaphore_mem>>
      %dma_start3A_17 = tpu.memref_slice %arg3[%add3A_10] : memref<32768xi32, #tpu.memory_space<hbm>> -> memref<512xi32, #tpu.memory_space<hbm>>
      %dma_start3A_18 = tpu.memref_slice %arg3[%add3A_10] : memref<32768xi32, #tpu.memory_space<hbm>> -> memref<512xi32, #tpu.memory_space<hbm>>
      tpu.enqueue_dma source(%dma_start3A_18 : memref<512xi32, #tpu.memory_space<hbm>>) target(%arg5 : memref<512xi32, #tpu.memory_space<vmem>>) target_semaphore(%run_scoped3A : memref<!tpu.dma_semaphore, #tpu.memory_space<semaphore_mem>>)
      %dma_wait3A_19 = tpu.memref_slice %arg3[%add3A_10] : memref<32768xi32, #tpu.memory_space<hbm>> -> memref<512xi32, #tpu.memory_space<hbm>>
      %dma_wait3A_20 = tpu.memref_slice %arg3[%add3A_10] : memref<32768xi32, #tpu.memory_space<hbm>> -> memref<512xi32, #tpu.memory_space<hbm>>
      tpu.wait_dma2 semaphore(%run_scoped3A : memref<!tpu.dma_semaphore, #tpu.memory_space<semaphore_mem>>) src(%dma_wait3A_20 : memref<512xi32, #tpu.memory_space<hbm>>) dst(%arg5 : memref<512xi32, #tpu.memory_space<vmem>>)
      tpu.yield
    }) : () -> ()
    %dma_start3A_11 = arith.constant 0 : i32
    %dma_start3A_12 = arith.constant 0 : i32
    %dma_start3A_13 = tpu.memref_slice %arg2[%dma_start3A_11, %dma_start3A_12] : memref<2048x128xf32, #tpu.memory_space<hbm>> -> memref<2048x128xf32, #tpu.memory_space<hbm>>
    tpu.enqueue_indirect_dma source(%dma_start3A_13 : memref<2048x128xf32, #tpu.memory_space<hbm>>) target(%arg6 : memref<512x128xf32, #tpu.memory_space<vmem>>) offsets(%arg5 : memref<512xi32, #tpu.memory_space<vmem>>) semaphore(%arg7 : memref<!tpu.dma_semaphore, #tpu.memory_space<semaphore_mem>>)
    %dma_wait3A_14 = arith.constant 0 : i32
    %dma_wait3A_15 = arith.constant 0 : i32
    %dma_wait3A_16 = tpu.memref_slice %arg2[%dma_wait3A_14, %dma_wait3A_15] : memref<2048x128xf32, #tpu.memory_space<hbm>> -> memref<2048x128xf32, #tpu.memory_space<hbm>>
    tpu.wait_indirect_dma semaphore(%arg7 : memref<!tpu.dma_semaphore, #tpu.memory_space<semaphore_mem>>) src(%dma_wait3A_16 : memref<2048x128xf32, #tpu.memory_space<hbm>>) dst(%arg6 : memref<512x128xf32, #tpu.memory_space<vmem>>)
    "tpu.region"() ({
      %run_scoped3A = tpu.sem_alloc : memref<!tpu.dma_semaphore, #tpu.memory_space<semaphore_mem>>
      %dma_start3A_17 = arith.constant 0 : i32
      %dma_start3A_18 = tpu.memref_slice %arg4[%add3A_10, %dma_start3A_17] : memref<32768x128xf32, #tpu.memory_space<hbm>> -> memref<512x128xf32, #tpu.memory_space<hbm>>
      %dma_start3A_19 = arith.constant 0 : i32
      %dma_start3A_20 = tpu.memref_slice %arg4[%add3A_10, %dma_start3A_19] : memref<32768x128xf32, #tpu.memory_space<hbm>> -> memref<512x128xf32, #tpu.memory_space<hbm>>
      tpu.enqueue_dma source(%arg6 : memref<512x128xf32, #tpu.memory_space<vmem>>) target(%dma_start3A_20 : memref<512x128xf32, #tpu.memory_space<hbm>>) target_semaphore(%run_scoped3A : memref<!tpu.dma_semaphore, #tpu.memory_space<semaphore_mem>>)
      %dma_wait3A_21 = arith.constant 0 : i32
      %dma_wait3A_22 = tpu.memref_slice %arg4[%add3A_10, %dma_wait3A_21] : memref<32768x128xf32, #tpu.memory_space<hbm>> -> memref<512x128xf32, #tpu.memory_space<hbm>>
      %dma_wait3A_23 = arith.constant 0 : i32
      %dma_wait3A_24 = tpu.memref_slice %arg4[%add3A_10, %dma_wait3A_23] : memref<32768x128xf32, #tpu.memory_space<hbm>> -> memref<512x128xf32, #tpu.memory_space<hbm>>
      tpu.wait_dma2 semaphore(%run_scoped3A : memref<!tpu.dma_semaphore, #tpu.memory_space<semaphore_mem>>) src(%arg6 : memref<512x128xf32, #tpu.memory_space<vmem>>) dst(%dma_wait3A_24 : memref<512x128xf32, #tpu.memory_space<hbm>>)
      tpu.yield
    }) : () -> ()
    return
  }
}

#map = affine_map<(d0, d1) -> (0, 0)>
#map1 = affine_map<(d0, d1) -> (0)>
module attributes {stable_mosaic.version = 14 : i64} {
  func.func @gk(%arg0: i32, %arg1: i32, %arg2: memref<2048x128xf32, #tpu.memory_space<hbm>>, %arg3: memref<32768xi32, #tpu.memory_space<hbm>>, %arg4: memref<32768x128xf32, #tpu.memory_space<hbm>>, %arg5: memref<512xi32, #tpu.memory_space<vmem>>, %arg6: memref<512x128xf32, #tpu.memory_space<vmem>>, %arg7: memref<!tpu.dma_semaphore, #tpu.memory_space<semaphore_mem>>) attributes {dimension_semantics = [#tpu.dimension_semantics<core_parallel>, #tpu.dimension_semantics<subcore_parallel>], iteration_bounds = array<i64: 2, 16>, scalar_prefetch = 0 : i64, scratch_operands = 3 : i64, tpu.core_type = #tpu.core_type<sc_vector_subcore>, window_params = [{transform_indices = #map}, {transform_indices = #map1}, {transform_indices = #map}]} {
    %mul3A = arith.constant 2 : i32
    %mul3A_0 = arith.muli %arg1, %mul3A : i32
    %add3A = arith.addi %mul3A_0, %arg0 : i32
    %mul3A_1 = arith.constant 1024 : i32
    %mul3A_2 = arith.muli %add3A, %mul3A_1 : i32
    %add3A_3 = arith.constant 0 : i32
    %add3A_4 = arith.addi %mul3A_2, %add3A_3 : i32
    "tpu.region"() ({
      %run_scoped3A = tpu.sem_alloc : memref<!tpu.dma_semaphore, #tpu.memory_space<semaphore_mem>>
      %dma_start3A_17 = tpu.memref_slice %arg3[%add3A_4] : memref<32768xi32, #tpu.memory_space<hbm>> -> memref<512xi32, #tpu.memory_space<hbm>>
      %dma_start3A_18 = tpu.memref_slice %arg3[%add3A_4] : memref<32768xi32, #tpu.memory_space<hbm>> -> memref<512xi32, #tpu.memory_space<hbm>>
      tpu.enqueue_dma source(%dma_start3A_18 : memref<512xi32, #tpu.memory_space<hbm>>) target(%arg5 : memref<512xi32, #tpu.memory_space<vmem>>) target_semaphore(%run_scoped3A : memref<!tpu.dma_semaphore, #tpu.memory_space<semaphore_mem>>)
      %dma_wait3A_19 = tpu.memref_slice %arg3[%add3A_4] : memref<32768xi32, #tpu.memory_space<hbm>> -> memref<512xi32, #tpu.memory_space<hbm>>
      %dma_wait3A_20 = tpu.memref_slice %arg3[%add3A_4] : memref<32768xi32, #tpu.memory_space<hbm>> -> memref<512xi32, #tpu.memory_space<hbm>>
      tpu.wait_dma2 semaphore(%run_scoped3A : memref<!tpu.dma_semaphore, #tpu.memory_space<semaphore_mem>>) src(%dma_wait3A_20 : memref<512xi32, #tpu.memory_space<hbm>>) dst(%arg5 : memref<512xi32, #tpu.memory_space<vmem>>)
      tpu.yield
    }) : () -> ()
    %dma_start3A = arith.constant 0 : i32
    %dma_start3A_5 = arith.constant 0 : i32
    %dma_start3A_6 = tpu.memref_slice %arg2[%dma_start3A, %dma_start3A_5] : memref<2048x128xf32, #tpu.memory_space<hbm>> -> memref<2048x128xf32, #tpu.memory_space<hbm>>
    tpu.enqueue_indirect_dma source(%dma_start3A_6 : memref<2048x128xf32, #tpu.memory_space<hbm>>) target(%arg6 : memref<512x128xf32, #tpu.memory_space<vmem>>) offsets(%arg5 : memref<512xi32, #tpu.memory_space<vmem>>) semaphore(%arg7 : memref<!tpu.dma_semaphore, #tpu.memory_space<semaphore_mem>>)
    %dma_wait3A = arith.constant 0 : i32
    %dma_wait3A_7 = arith.constant 0 : i32
    %dma_wait3A_8 = tpu.memref_slice %arg2[%dma_wait3A, %dma_wait3A_7] : memref<2048x128xf32, #tpu.memory_space<hbm>> -> memref<2048x128xf32, #tpu.memory_space<hbm>>
    tpu.wait_indirect_dma semaphore(%arg7 : memref<!tpu.dma_semaphore, #tpu.memory_space<semaphore_mem>>) src(%dma_wait3A_8 : memref<2048x128xf32, #tpu.memory_space<hbm>>) dst(%arg6 : memref<512x128xf32, #tpu.memory_space<vmem>>)
    "tpu.region"() ({
      %run_scoped3A = tpu.sem_alloc : memref<!tpu.dma_semaphore, #tpu.memory_space<semaphore_mem>>
      %dma_start3A_17 = arith.constant 0 : i32
      %dma_start3A_18 = tpu.memref_slice %arg4[%add3A_4, %dma_start3A_17] : memref<32768x128xf32, #tpu.memory_space<hbm>> -> memref<512x128xf32, #tpu.memory_space<hbm>>
      %dma_start3A_19 = arith.constant 0 : i32
      %dma_start3A_20 = tpu.memref_slice %arg4[%add3A_4, %dma_start3A_19] : memref<32768x128xf32, #tpu.memory_space<hbm>> -> memref<512x128xf32, #tpu.memory_space<hbm>>
      tpu.enqueue_dma source(%arg6 : memref<512x128xf32, #tpu.memory_space<vmem>>) target(%dma_start3A_20 : memref<512x128xf32, #tpu.memory_space<hbm>>) target_semaphore(%run_scoped3A : memref<!tpu.dma_semaphore, #tpu.memory_space<semaphore_mem>>)
      %dma_wait3A_21 = arith.constant 0 : i32
      %dma_wait3A_22 = tpu.memref_slice %arg4[%add3A_4, %dma_wait3A_21] : memref<32768x128xf32, #tpu.memory_space<hbm>> -> memref<512x128xf32, #tpu.memory_space<hbm>>
      %dma_wait3A_23 = arith.constant 0 : i32
      %dma_wait3A_24 = tpu.memref_slice %arg4[%add3A_4, %dma_wait3A_23] : memref<32768x128xf32, #tpu.memory_space<hbm>> -> memref<512x128xf32, #tpu.memory_space<hbm>>
      tpu.wait_dma2 semaphore(%run_scoped3A : memref<!tpu.dma_semaphore, #tpu.memory_space<semaphore_mem>>) src(%arg6 : memref<512x128xf32, #tpu.memory_space<vmem>>) dst(%dma_wait3A_24 : memref<512x128xf32, #tpu.memory_space<hbm>>)
      tpu.yield
    }) : () -> ()
    %add3A_9 = arith.constant 512 : i32
    %add3A_10 = arith.addi %mul3A_2, %add3A_9 : i32
    "tpu.region"() ({
      %run_scoped3A = tpu.sem_alloc : memref<!tpu.dma_semaphore, #tpu.memory_space<semaphore_mem>>
      %dma_start3A_17 = tpu.memref_slice %arg3[%add3A_10] : memref<32768xi32, #tpu.memory_space<hbm>> -> memref<512xi32, #tpu.memory_space<hbm>>
      %dma_start3A_18 = tpu.memref_slice %arg3[%add3A_10] : memref<32768xi32, #tpu.memory_space<hbm>> -> memref<512xi32, #tpu.memory_space<hbm>>
      tpu.enqueue_dma source(%dma_start3A_18 : memref<512xi32, #tpu.memory_space<hbm>>) target(%arg5 : memref<512xi32, #tpu.memory_space<vmem>>) target_semaphore(%run_scoped3A : memref<!tpu.dma_semaphore, #tpu.memory_space<semaphore_mem>>)
      %dma_wait3A_19 = tpu.memref_slice %arg3[%add3A_10] : memref<32768xi32, #tpu.memory_space<hbm>> -> memref<512xi32, #tpu.memory_space<hbm>>
      %dma_wait3A_20 = tpu.memref_slice %arg3[%add3A_10] : memref<32768xi32, #tpu.memory_space<hbm>> -> memref<512xi32, #tpu.memory_space<hbm>>
      tpu.wait_dma2 semaphore(%run_scoped3A : memref<!tpu.dma_semaphore, #tpu.memory_space<semaphore_mem>>) src(%dma_wait3A_20 : memref<512xi32, #tpu.memory_space<hbm>>) dst(%arg5 : memref<512xi32, #tpu.memory_space<vmem>>)
      tpu.yield
    }) : () -> ()
    %dma_start3A_11 = arith.constant 0 : i32
    %dma_start3A_12 = arith.constant 0 : i32
    %dma_start3A_13 = tpu.memref_slice %arg2[%dma_start3A_11, %dma_start3A_12] : memref<2048x128xf32, #tpu.memory_space<hbm>> -> memref<2048x128xf32, #tpu.memory_space<hbm>>
    tpu.enqueue_indirect_dma source(%dma_start3A_13 : memref<2048x128xf32, #tpu.memory_space<hbm>>) target(%arg6 : memref<512x128xf32, #tpu.memory_space<vmem>>) offsets(%arg5 : memref<512xi32, #tpu.memory_space<vmem>>) semaphore(%arg7 : memref<!tpu.dma_semaphore, #tpu.memory_space<semaphore_mem>>)
    %dma_wait3A_14 = arith.constant 0 : i32
    %dma_wait3A_15 = arith.constant 0 : i32
    %dma_wait3A_16 = tpu.memref_slice %arg2[%dma_wait3A_14, %dma_wait3A_15] : memref<2048x128xf32, #tpu.memory_space<hbm>> -> memref<2048x128xf32, #tpu.memory_space<hbm>>
    tpu.wait_indirect_dma semaphore(%arg7 : memref<!tpu.dma_semaphore, #tpu.memory_space<semaphore_mem>>) src(%dma_wait3A_16 : memref<2048x128xf32, #tpu.memory_space<hbm>>) dst(%arg6 : memref<512x128xf32, #tpu.memory_space<vmem>>)
    "tpu.region"() ({
      %run_scoped3A = tpu.sem_alloc : memref<!tpu.dma_semaphore, #tpu.memory_space<semaphore_mem>>
      %dma_start3A_17 = arith.constant 0 : i32
      %dma_start3A_18 = tpu.memref_slice %arg4[%add3A_10, %dma_start3A_17] : memref<32768x128xf32, #tpu.memory_space<hbm>> -> memref<512x128xf32, #tpu.memory_space<hbm>>
      %dma_start3A_19 = arith.constant 0 : i32
      %dma_start3A_20 = tpu.memref_slice %arg4[%add3A_10, %dma_start3A_19] : memref<32768x128xf32, #tpu.memory_space<hbm>> -> memref<512x128xf32, #tpu.memory_space<hbm>>
      tpu.enqueue_dma source(%arg6 : memref<512x128xf32, #tpu.memory_space<vmem>>) target(%dma_start3A_20 : memref<512x128xf32, #tpu.memory_space<hbm>>) target_semaphore(%run_scoped3A : memref<!tpu.dma_semaphore, #tpu.memory_space<semaphore_mem>>)
      %dma_wait3A_21 = arith.constant 0 : i32
      %dma_wait3A_22 = tpu.memref_slice %arg4[%add3A_10, %dma_wait3A_21] : memref<32768x128xf32, #tpu.memory_space<hbm>> -> memref<512x128xf32, #tpu.memory_space<hbm>>
      %dma_wait3A_23 = arith.constant 0 : i32
      %dma_wait3A_24 = tpu.memref_slice %arg4[%add3A_10, %dma_wait3A_23] : memref<32768x128xf32, #tpu.memory_space<hbm>> -> memref<512x128xf32, #tpu.memory_space<hbm>>
      tpu.wait_dma2 semaphore(%run_scoped3A : memref<!tpu.dma_semaphore, #tpu.memory_space<semaphore_mem>>) src(%arg6 : memref<512x128xf32, #tpu.memory_space<vmem>>) dst(%dma_wait3A_24 : memref<512x128xf32, #tpu.memory_space<hbm>>)
      tpu.yield
    }) : () -> ()
    return
  }
}

module attributes {stable_mosaic.version = 14 : i64} {
  func.func @_head_kernel(%arg0: i32, %arg1: memref<1x2048x3xf32, #tpu.memory_space<vmem>>, %arg2: memref<1x2048x128xf32, #tpu.memory_space<vmem>>, %arg3: memref<3x128xf32, #tpu.memory_space<vmem>>, %arg4: memref<128x128xf32, #tpu.memory_space<vmem>>, %arg5: memref<1x128xf32, #tpu.memory_space<vmem>>, %arg6: memref<128x128xf32, #tpu.memory_space<vmem>>, %arg7: memref<1x128xf32, #tpu.memory_space<vmem>>, %arg8: memref<3x64xf32, #tpu.memory_space<vmem>>, %arg9: memref<1x64xf32, #tpu.memory_space<vmem>>, %arg10: memref<64x128xf32, #tpu.memory_space<vmem>>, %arg11: memref<1x128xf32, #tpu.memory_space<vmem>>, %arg12: memref<1x2048x128xf32, #tpu.memory_space<vmem>>, %arg13: memref<1x2048x128xf32, #tpu.memory_space<vmem>>) attributes {dimension_semantics = [#tpu.dimension_semantics<arbitrary>], iteration_bounds = array<i64: 4>, scalar_prefetch = 0 : i64, scratch_operands = 0 : i64, tpu.core_type = #tpu.core_type<tc>, window_params = [{transform_indices = @transform_0, window_bounds = array<i64: 1, 2048, 3>}, {transform_indices = @transform_1, window_bounds = array<i64: 1, 2048, 128>}, {pipeline_mode = #tpu.pipeline_mode<synchronous>, transform_indices = @transform_2, window_bounds = array<i64: 3, 128>}, {pipeline_mode = #tpu.pipeline_mode<synchronous>, transform_indices = @transform_3, window_bounds = array<i64: 128, 128>}, {pipeline_mode = #tpu.pipeline_mode<synchronous>, transform_indices = @transform_4, window_bounds = array<i64: 1, 128>}, {pipeline_mode = #tpu.pipeline_mode<synchronous>, transform_indices = @transform_5, window_bounds = array<i64: 128, 128>}, {pipeline_mode = #tpu.pipeline_mode<synchronous>, transform_indices = @transform_6, window_bounds = array<i64: 1, 128>}, {pipeline_mode = #tpu.pipeline_mode<synchronous>, transform_indices = @transform_7, window_bounds = array<i64: 3, 64>}, {pipeline_mode = #tpu.pipeline_mode<synchronous>, transform_indices = @transform_8, window_bounds = array<i64: 1, 64>}, {pipeline_mode = #tpu.pipeline_mode<synchronous>, transform_indices = @transform_9, window_bounds = array<i64: 64, 128>}, {pipeline_mode = #tpu.pipeline_mode<synchronous>, transform_indices = @transform_10, window_bounds = array<i64: 1, 128>}, {transform_indices = @transform_11, window_bounds = array<i64: 1, 2048, 128>}, {transform_indices = @transform_12, window_bounds = array<i64: 1, 2048, 128>}]} {
    %get3A = arith.constant 0 : index
    %get3A_0 = arith.constant 0 : index
    %get3A_1 = arith.constant 0 : index
    %get3A_2 = vector.load %arg1[%get3A, %get3A_0, %get3A_1] : memref<1x2048x3xf32, #tpu.memory_space<vmem>>, vector<1x2048x3xf32>
    %get3A_3 = vector.shape_cast %get3A_2 : vector<1x2048x3xf32> to vector<2048x3xf32>
    %get3A_4 = arith.constant 0 : index
    %get3A_5 = arith.constant 0 : index
    %get3A_6 = arith.constant 0 : index
    %get3A_7 = vector.load %arg2[%get3A_4, %get3A_5, %get3A_6] : memref<1x2048x128xf32, #tpu.memory_space<vmem>>, vector<1x2048x128xf32>
    %get3A_8 = vector.shape_cast %get3A_7 : vector<1x2048x128xf32> to vector<2048x128xf32>
    %mul3A = arith.mulf %get3A_8, %get3A_8 : vector<2048x128xf32>
    %reduce_sum3A = arith.constant dense<0.000000e+00> : vector<2048xf32>
    %reduce_sum3A_9 = vector.multi_reduction <add>, %mul3A, %reduce_sum3A [1] : vector<2048x128xf32> to vector<2048xf32>
    %broadcast_in_dim3A = vector.shape_cast %reduce_sum3A_9 : vector<2048xf32> to vector<2048x1xf32>
    %sqrt3A = math.sqrt %broadcast_in_dim3A : vector<2048x1xf32>
    %add3A = arith.constant 9.99999993E-9 : f32
    %add3A_10 = vector.broadcast %add3A : f32 to vector<2048x1xf32>
    %add3A_11 = arith.addf %sqrt3A, %add3A_10 : vector<2048x1xf32>
    %div3A = vector.broadcast %add3A_11 : vector<2048x1xf32> to vector<2048x128xf32>
    %div3A_12 = arith.divf %get3A_8, %div3A : vector<2048x128xf32>
    %get3A_13 = arith.constant 0 : index
    %get3A_14 = arith.constant 0 : index
    %get3A_15 = vector.load %arg3[%get3A_13, %get3A_14] : memref<3x128xf32, #tpu.memory_space<vmem>>, vector<3x128xf32>
    %convert_element_type3A = arith.truncf %get3A_3 : vector<2048x3xf32> to vector<2048x3xbf16>
    %convert_element_type3A_16 = arith.truncf %get3A_15 : vector<3x128xf32> to vector<3x128xbf16>
    %dot_general3A = arith.constant dense<0.000000e+00> : vector<2048x128xf32>
    %dot_general3A_17 = tpu.matmul %convert_element_type3A, %convert_element_type3A_16, %dot_general3A {dimension_numbers = #tpu.dot_dimension_numbers<[1], [0], [0], [1], [0, 0, 1, 1], [], []>, transpose_lhs_hint = false} : vector<2048x3xbf16>, vector<3x128xbf16>, vector<2048x128xf32> -> vector<2048x128xf32>
    %get3A_18 = arith.constant 0 : index
    %get3A_19 = arith.constant 0 : index
    %get3A_20 = vector.load %arg4[%get3A_18, %get3A_19] : memref<128x128xf32, #tpu.memory_space<vmem>>, vector<128x128xf32>
    %convert_element_type3A_21 = arith.truncf %div3A_12 : vector<2048x128xf32> to vector<2048x128xbf16>
    %convert_element_type3A_22 = arith.truncf %get3A_20 : vector<128x128xf32> to vector<128x128xbf16>
    %dot_general3A_23 = arith.constant dense<0.000000e+00> : vector<2048x128xf32>
    %dot_general3A_24 = tpu.matmul %convert_element_type3A_21, %convert_element_type3A_22, %dot_general3A_23 {dimension_numbers = #tpu.dot_dimension_numbers<[1], [0], [0], [1], [0, 0, 1, 1], [], []>, transpose_lhs_hint = false} : vector<2048x128xbf16>, vector<128x128xbf16>, vector<2048x128xf32> -> vector<2048x128xf32>
    %add3A_25 = arith.addf %dot_general3A_17, %dot_general3A_24 : vector<2048x128xf32>
    %get3A_26 = arith.constant 0 : index
    %get3A_27 = arith.constant 0 : index
    %get3A_28 = vector.load %arg5[%get3A_26, %get3A_27] : memref<1x128xf32, #tpu.memory_space<vmem>>, vector<1x128xf32>
    %add3A_29 = vector.broadcast %get3A_28 : vector<1x128xf32> to vector<2048x128xf32>
    %add3A_30 = arith.addf %add3A_25, %add3A_29 : vector<2048x128xf32>
    %ge3A = arith.constant 0.000000e+00 : f32
    %ge3A_31 = vector.broadcast %ge3A : f32 to vector<2048x128xf32>
    %ge3A_32 = arith.cmpf oge, %add3A_30, %ge3A_31 : vector<2048x128xf32>
    %mul3A_33 = arith.constant 0.00999999977 : f32
    %mul3A_34 = vector.broadcast %mul3A_33 : f32 to vector<2048x128xf32>
    %mul3A_35 = arith.mulf %mul3A_34, %add3A_30 : vector<2048x128xf32>
    %select_n3A = arith.select %ge3A_32, %add3A_30, %mul3A_35 : vector<2048x128xi1>, vector<2048x128xf32>
    %get3A_36 = arith.constant 0 : index
    %get3A_37 = arith.constant 0 : index
    %get3A_38 = vector.load %arg6[%get3A_36, %get3A_37] : memref<128x128xf32, #tpu.memory_space<vmem>>, vector<128x128xf32>
    %convert_element_type3A_39 = arith.truncf %select_n3A : vector<2048x128xf32> to vector<2048x128xbf16>
    %convert_element_type3A_40 = arith.truncf %get3A_38 : vector<128x128xf32> to vector<128x128xbf16>
    %dot_general3A_41 = arith.constant dense<0.000000e+00> : vector<2048x128xf32>
    %dot_general3A_42 = tpu.matmul %convert_element_type3A_39, %convert_element_type3A_40, %dot_general3A_41 {dimension_numbers = #tpu.dot_dimension_numbers<[1], [0], [0], [1], [0, 0, 1, 1], [], []>, transpose_lhs_hint = false} : vector<2048x128xbf16>, vector<128x128xbf16>, vector<2048x128xf32> -> vector<2048x128xf32>
    %get3A_43 = arith.constant 0 : index
    %get3A_44 = arith.constant 0 : index
    %get3A_45 = vector.load %arg7[%get3A_43, %get3A_44] : memref<1x128xf32, #tpu.memory_space<vmem>>, vector<1x128xf32>
    %add3A_46 = vector.broadcast %get3A_45 : vector<1x128xf32> to vector<2048x128xf32>
    %add3A_47 = arith.addf %dot_general3A_42, %add3A_46 : vector<2048x128xf32>
    %ge3A_48 = arith.constant 0.000000e+00 : f32
    %ge3A_49 = vector.broadcast %ge3A_48 : f32 to vector<2048x128xf32>
    %ge3A_50 = arith.cmpf oge, %add3A_47, %ge3A_49 : vector<2048x128xf32>
    %mul3A_51 = arith.constant 0.00999999977 : f32
    %mul3A_52 = vector.broadcast %mul3A_51 : f32 to vector<2048x128xf32>
    %mul3A_53 = arith.mulf %mul3A_52, %add3A_47 : vector<2048x128xf32>
    %select_n3A_54 = arith.select %ge3A_50, %add3A_47, %mul3A_53 : vector<2048x128xi1>, vector<2048x128xf32>
    %swap3A = arith.constant 0 : index
    %swap3A_55 = arith.constant 0 : index
    %swap3A_56 = arith.constant 0 : index
    %swap3A_57 = vector.load %arg12[%swap3A, %swap3A_55, %swap3A_56] : memref<1x2048x128xf32, #tpu.memory_space<vmem>>, vector<1x2048x128xf32>
    %swap3A_58 = vector.shape_cast %swap3A_57 : vector<1x2048x128xf32> to vector<2048x128xf32>
    %swap3A_59 = vector.shape_cast %select_n3A_54 : vector<2048x128xf32> to vector<1x2048x128xf32>
    tpu.vector_store %arg12[%swap3A, %swap3A_55, %swap3A_56], %swap3A_59 {strides = array<i32>} : memref<1x2048x128xf32, #tpu.memory_space<vmem>>, vector<1x2048x128xf32>,
    %get3A_60 = arith.constant 0 : index
    %get3A_61 = arith.constant 0 : index
    %get3A_62 = vector.load %arg8[%get3A_60, %get3A_61] : memref<3x64xf32, #tpu.memory_space<vmem>>, vector<3x64xf32>
    %convert_element_type3A_63 = arith.truncf %get3A_3 : vector<2048x3xf32> to vector<2048x3xbf16>
    %convert_element_type3A_64 = arith.truncf %get3A_62 : vector<3x64xf32> to vector<3x64xbf16>
    %dot_general3A_65 = arith.constant dense<0.000000e+00> : vector<2048x64xf32>
    %dot_general3A_66 = tpu.matmul %convert_element_type3A_63, %convert_element_type3A_64, %dot_general3A_65 {dimension_numbers = #tpu.dot_dimension_numbers<[1], [0], [0], [1], [0, 0, 1, 1], [], []>, transpose_lhs_hint = false} : vector<2048x3xbf16>, vector<3x64xbf16>, vector<2048x64xf32> -> vector<2048x64xf32>
    %get3A_67 = arith.constant 0 : index
    %get3A_68 = arith.constant 0 : index
    %get3A_69 = vector.load %arg9[%get3A_67, %get3A_68] : memref<1x64xf32, #tpu.memory_space<vmem>>, vector<1x64xf32>
    %add3A_70 = vector.broadcast %get3A_69 : vector<1x64xf32> to vector<2048x64xf32>
    %add3A_71 = arith.addf %dot_general3A_66, %add3A_70 : vector<2048x64xf32>
    %ge3A_72 = arith.constant 0.000000e+00 : f32
    %ge3A_73 = vector.broadcast %ge3A_72 : f32 to vector<2048x64xf32>
    %ge3A_74 = arith.cmpf oge, %add3A_71, %ge3A_73 : vector<2048x64xf32>
    %mul3A_75 = arith.constant 0.00999999977 : f32
    %mul3A_76 = vector.broadcast %mul3A_75 : f32 to vector<2048x64xf32>
    %mul3A_77 = arith.mulf %mul3A_76, %add3A_71 : vector<2048x64xf32>
    %select_n3A_78 = arith.select %ge3A_74, %add3A_71, %mul3A_77 : vector<2048x64xi1>, vector<2048x64xf32>
    %get3A_79 = arith.constant 0 : index
    %get3A_80 = arith.constant 0 : index
    %get3A_81 = vector.load %arg10[%get3A_79, %get3A_80] : memref<64x128xf32, #tpu.memory_space<vmem>>, vector<64x128xf32>
    %convert_element_type3A_82 = arith.truncf %select_n3A_78 : vector<2048x64xf32> to vector<2048x64xbf16>
    %convert_element_type3A_83 = arith.truncf %get3A_81 : vector<64x128xf32> to vector<64x128xbf16>
    %dot_general3A_84 = arith.constant dense<0.000000e+00> : vector<2048x128xf32>
    %dot_general3A_85 = tpu.matmul %convert_element_type3A_82, %convert_element_type3A_83, %dot_general3A_84 {dimension_numbers = #tpu.dot_dimension_numbers<[1], [0], [0], [1], [0, 0, 1, 1], [], []>, transpose_lhs_hint = false} : vector<2048x64xbf16>, vector<64x128xbf16>, vector<2048x128xf32> -> vector<2048x128xf32>
    %get3A_86 = arith.constant 0 : index
    %get3A_87 = arith.constant 0 : index
    %get3A_88 = vector.load %arg11[%get3A_86, %get3A_87] : memref<1x128xf32, #tpu.memory_space<vmem>>, vector<1x128xf32>
    %add3A_89 = vector.broadcast %get3A_88 : vector<1x128xf32> to vector<2048x128xf32>
    %add3A_90 = arith.addf %dot_general3A_85, %add3A_89 : vector<2048x128xf32>
    %ge3A_91 = arith.constant 0.000000e+00 : f32
    %ge3A_92 = vector.broadcast %ge3A_91 : f32 to vector<2048x128xf32>
    %ge3A_93 = arith.cmpf oge, %add3A_90, %ge3A_92 : vector<2048x128xf32>
    %mul3A_94 = arith.constant 0.00999999977 : f32
    %mul3A_95 = vector.broadcast %mul3A_94 : f32 to vector<2048x128xf32>
    %mul3A_96 = arith.mulf %mul3A_95, %add3A_90 : vector<2048x128xf32>
    %select_n3A_97 = arith.select %ge3A_93, %add3A_90, %mul3A_96 : vector<2048x128xi1>, vector<2048x128xf32>
    %swap3A_98 = arith.constant 0 : index
    %swap3A_99 = arith.constant 0 : index
    %swap3A_100 = arith.constant 0 : index
    %swap3A_101 = vector.load %arg13[%swap3A_98, %swap3A_99, %swap3A_100] : memref<1x2048x128xf32, #tpu.memory_space<vmem>>, vector<1x2048x128xf32>
    %swap3A_102 = vector.shape_cast %swap3A_101 : vector<1x2048x128xf32> to vector<2048x128xf32>
    %swap3A_103 = vector.shape_cast %select_n3A_97 : vector<2048x128xf32> to vector<1x2048x128xf32>
    tpu.vector_store %arg13[%swap3A_98, %swap3A_99, %swap3A_100], %swap3A_103 {strides = array<i32>} : memref<1x2048x128xf32, #tpu.memory_space<vmem>>, vector<1x2048x128xf32>,
    return
  }
  func.func @transform_0(%arg0: i32) -> (i32, i32, i32) {
    %c0_i32 = arith.constant 0 : i32
    %c0_i32_0 = arith.constant 0 : i32
    %c0_i32_1 = arith.constant 0 : i32
    return %arg0, %c0_i32, %c0_i32_0 : i32, i32, i32
  }
  func.func @transform_1(%arg0: i32) -> (i32, i32, i32) {
    %c0_i32 = arith.constant 0 : i32
    %c0_i32_0 = arith.constant 0 : i32
    %c0_i32_1 = arith.constant 0 : i32
    return %arg0, %c0_i32, %c0_i32_0 : i32, i32, i32
  }
  func.func @transform_2(%arg0: i32) -> (i32, i32) {
    %c0_i32 = arith.constant 0 : i32
    %c0_i32_0 = arith.constant 0 : i32
    %c0_i32_1 = arith.constant 0 : i32
    return %c0_i32, %c0_i32_0 : i32, i32
  }
  func.func @transform_3(%arg0: i32) -> (i32, i32) {
    %c0_i32 = arith.constant 0 : i32
    %c0_i32_0 = arith.constant 0 : i32
    %c0_i32_1 = arith.constant 0 : i32
    return %c0_i32, %c0_i32_0 : i32, i32
  }
  func.func @transform_4(%arg0: i32) -> (i32, i32) {
    %c0_i32 = arith.constant 0 : i32
    %c0_i32_0 = arith.constant 0 : i32
    %c0_i32_1 = arith.constant 0 : i32
    return %c0_i32, %c0_i32_0 : i32, i32
  }
  func.func @transform_5(%arg0: i32) -> (i32, i32) {
    %c0_i32 = arith.constant 0 : i32
    %c0_i32_0 = arith.constant 0 : i32
    %c0_i32_1 = arith.constant 0 : i32
    return %c0_i32, %c0_i32_0 : i32, i32
  }
  func.func @transform_6(%arg0: i32) -> (i32, i32) {
    %c0_i32 = arith.constant 0 : i32
    %c0_i32_0 = arith.constant 0 : i32
    %c0_i32_1 = arith.constant 0 : i32
    return %c0_i32, %c0_i32_0 : i32, i32
  }
  func.func @transform_7(%arg0: i32) -> (i32, i32) {
    %c0_i32 = arith.constant 0 : i32
    %c0_i32_0 = arith.constant 0 : i32
    %c0_i32_1 = arith.constant 0 : i32
    return %c0_i32, %c0_i32_0 : i32, i32
  }
  func.func @transform_8(%arg0: i32) -> (i32, i32) {
    %c0_i32 = arith.constant 0 : i32
    %c0_i32_0 = arith.constant 0 : i32
    %c0_i32_1 = arith.constant 0 : i32
    return %c0_i32, %c0_i32_0 : i32, i32
  }
  func.func @transform_9(%arg0: i32) -> (i32, i32) {
    %c0_i32 = arith.constant 0 : i32
    %c0_i32_0 = arith.constant 0 : i32
    %c0_i32_1 = arith.constant 0 : i32
    return %c0_i32, %c0_i32_0 : i32, i32
  }
  func.func @transform_10(%arg0: i32) -> (i32, i32) {
    %c0_i32 = arith.constant 0 : i32
    %c0_i32_0 = arith.constant 0 : i32
    %c0_i32_1 = arith.constant 0 : i32
    return %c0_i32, %c0_i32_0 : i32, i32
  }
  func.func @transform_11(%arg0: i32) -> (i32, i32, i32) {
    %c0_i32 = arith.constant 0 : i32
    %c0_i32_0 = arith.constant 0 : i32
    %c0_i32_1 = arith.constant 0 : i32
    return %arg0, %c0_i32, %c0_i32_0 : i32, i32, i32
  }
  func.func @transform_12(%arg0: i32) -> (i32, i32, i32) {
    %c0_i32 = arith.constant 0 : i32
    %c0_i32_0 = arith.constant 0 : i32
    %c0_i32_1 = arith.constant 0 : i32
    return %arg0, %c0_i32, %c0_i32_0 : i32, i32, i32
  }
}

module attributes {stable_mosaic.version = 14 : i64} {
  func.func @_extract_kernel(%arg0: i32, %arg1: memref<1x2048x128xf32, #tpu.memory_space<vmem>>, %arg2: memref<1x2048x16xi32, #tpu.memory_space<vmem>>, %arg3: memref<1024x2048xf32, #tpu.memory_space<vmem>>) attributes {dimension_semantics = [#tpu.dimension_semantics<arbitrary>], iteration_bounds = array<i64: 1>, scalar_prefetch = 0 : i64, scratch_operands = 1 : i64, tpu.core_type = #tpu.core_type<tc>, window_params = [{transform_indices = @transform_0, window_bounds = array<i64: 1, 2048, 128>}, {transform_indices = @transform_1, window_bounds = array<i64: 1, 2048, 16>}]} {
    %get3A = arith.constant 0 : index
    %get3A_0 = arith.constant 0 : index
    %get3A_1 = arith.constant 0 : index
    %get3A_2 = vector.load %arg1[%get3A, %get3A_0, %get3A_1] : memref<1x2048x128xf32, #tpu.memory_space<vmem>>, vector<1x2048x128xf32>
    %get3A_3 = vector.shape_cast %get3A_2 : vector<1x2048x128xf32> to vector<2048x128xf32>
    %mul3A = arith.constant 2048 : i32
    %mul3A_4 = arith.muli %arg0, %mul3A : i32
    %mul3A_5 = arith.mulf %get3A_3, %get3A_3 : vector<2048x128xf32>
    %reduce_sum3A = arith.constant dense<0.000000e+00> : vector<2048xf32>
    %reduce_sum3A_6 = vector.multi_reduction <add>, %mul3A_5, %reduce_sum3A [1] : vector<2048x128xf32> to vector<2048xf32>
    %broadcast_in_dim3A = vector.shape_cast %reduce_sum3A_6 : vector<2048xf32> to vector<2048x1xf32>
    %transpose3A = tpu.transpose %broadcast_in_dim3A, [1, 0] : vector<2048x1xf32> -> vector<1x2048xf32>
    %iota3A = tpu.iota {dimensions = array<i32: 1>} : vector<1024x2048xi32>
    %iota3A_7 = tpu.iota {dimensions = array<i32: 1>} : vector<1024x16xi32>
    %scan3A = arith.constant 0 : i32
    %scan3A_8 = arith.constant 2 : i32
    %scan3A_9 = arith.addi %scan3A, %scan3A_8 : i32
    %scan3A_10 = arith.constant 1 : i32
    scf.for %scan3A_12 = %scan3A to %scan3A_9 step %scan3A_10  : i32 {
      %mul3A_13 = arith.constant 1024 : i32
      %mul3A_14 = arith.muli %scan3A_12, %mul3A_13 : i32
      %get3A_15 = arith.constant 0 : index
      %get3A_16 = arith.index_cast %mul3A_14 : i32 to index
      %get3A_17 = arith.constant 0 : index
      %get3A_18 = vector.load %arg1[%get3A_15, %get3A_16, %get3A_17] : memref<1x2048x128xf32, #tpu.memory_space<vmem>>, vector<1x1024x128xf32>
      %get3A_19 = vector.shape_cast %get3A_18 : vector<1x1024x128xf32> to vector<1024x128xf32>
      %mul3A_20 = arith.mulf %get3A_19, %get3A_19 : vector<1024x128xf32>
      %reduce_sum3A_21 = arith.constant dense<0.000000e+00> : vector<1024xf32>
      %reduce_sum3A_22 = vector.multi_reduction <add>, %mul3A_20, %reduce_sum3A_21 [1] : vector<1024x128xf32> to vector<1024xf32>
      %broadcast_in_dim3A_23 = vector.shape_cast %reduce_sum3A_22 : vector<1024xf32> to vector<1024x1xf32>
      %add3A = vector.broadcast %broadcast_in_dim3A_23 : vector<1024x1xf32> to vector<1024x2048xf32>
      %add3A_24 = vector.broadcast %transpose3A : vector<1x2048xf32> to vector<1024x2048xf32>
      %add3A_25 = arith.addf %add3A, %add3A_24 : vector<1024x2048xf32>
      %convert_element_type3A = arith.truncf %get3A_19 : vector<1024x128xf32> to vector<1024x128xbf16>
      %convert_element_type3A_26 = arith.truncf %get3A_3 : vector<2048x128xf32> to vector<2048x128xbf16>
      %dot_general3A = arith.constant dense<0.000000e+00> : vector<1024x2048xf32>
      %dot_general3A_27 = tpu.matmul %convert_element_type3A, %convert_element_type3A_26, %dot_general3A {dimension_numbers = #tpu.dot_dimension_numbers<[1], [1], [0], [0], [0, 0, 1, 0], [], []>, transpose_lhs_hint = false} : vector<1024x128xbf16>, vector<2048x128xbf16>, vector<1024x2048xf32> -> vector<1024x2048xf32>
      %mul3A_28 = arith.constant 2.000000e+00 : f32
      %mul3A_29 = vector.broadcast %mul3A_28 : f32 to vector<1024x2048xf32>
      %mul3A_30 = arith.mulf %mul3A_29, %dot_general3A_27 : vector<1024x2048xf32>
      %sub3A = arith.subf %add3A_25, %mul3A_30 : vector<1024x2048xf32>
      %swap3A = arith.constant 0 : index
      %swap3A_31 = arith.constant 0 : index
      %swap3A_32 = vector.load %arg3[%swap3A, %swap3A_31] : memref<1024x2048xf32, #tpu.memory_space<vmem>>, vector<1024x2048xf32>
      tpu.vector_store %arg3[%swap3A, %swap3A_31], %sub3A {strides = array<i32>} : memref<1024x2048xf32, #tpu.memory_space<vmem>>, vector<1024x2048xf32>,
      %broadcast_in_dim3A_33 = arith.constant 0 : i32
      %broadcast_in_dim3A_34 = vector.broadcast %broadcast_in_dim3A_33 : i32 to vector<1024x16xi32>
      %scan3A_35 = arith.constant 0 : i32
      %scan3A_36 = arith.constant 16 : i32
      %scan3A_37 = arith.addi %scan3A_35, %scan3A_36 : i32
      %scan3A_38 = arith.constant 2 : i32
      %scan3A_39 = scf.for %scan3A_67 = %scan3A_35 to %scan3A_37 step %scan3A_38 iter_args(%scan3A_68 = %broadcast_in_dim3A_34) -> (vector<1024x16xi32>)  : i32 {
        %get3A_69 = arith.constant 0 : index
        %get3A_70 = arith.constant 0 : index
        %get3A_71 = vector.load %arg3[%get3A_69, %get3A_70] : memref<1024x2048xf32, #tpu.memory_space<vmem>>, vector<1024x2048xf32>
        %argmin3A_72 = tpu.reduce_index %get3A_71 {axis = 1 : i32, kind = #tpu.reduction_kind<arg_min>} : vector<1024x2048xf32> -> vector<1024xi32>
        %broadcast_in_dim3A_73 = vector.shape_cast %argmin3A_72 : vector<1024xi32> to vector<1024x1xi32>
        %eq3A_74 = vector.broadcast %broadcast_in_dim3A_73 : vector<1024x1xi32> to vector<1024x2048xi32>
        %eq3A_75 = arith.cmpi eq, %iota3A, %eq3A_74 : vector<1024x2048xi32>
        %jit3A_76 = arith.constant 1.000000e+30 : f32
        %broadcast_in_dim3A_77 = vector.broadcast %jit3A_76 : f32 to vector<1024x2048xf32>
        %select_n3A_78 = arith.select %eq3A_75, %broadcast_in_dim3A_77, %get3A_71 : vector<1024x2048xi1>, vector<1024x2048xf32>
        %swap3A_79 = arith.constant 0 : index
        %swap3A_80 = arith.constant 0 : index
        %swap3A_81 = vector.load %arg3[%swap3A_79, %swap3A_80] : memref<1024x2048xf32, #tpu.memory_space<vmem>>, vector<1024x2048xf32>
        tpu.vector_store %arg3[%swap3A_79, %swap3A_80], %select_n3A_78 {strides = array<i32>} : memref<1024x2048xf32, #tpu.memory_space<vmem>>, vector<1024x2048xf32>,
        %sub3A_82 = arith.constant 1 : i32
        %sub3A_83 = arith.subi %scan3A_67, %sub3A_82 : i32
        %eq3A_84 = vector.broadcast %sub3A_83 : i32 to vector<1024x16xi32>
        %eq3A_85 = arith.cmpi eq, %iota3A_7, %eq3A_84 : vector<1024x16xi32>
        %add3A_86 = vector.broadcast %mul3A_4 : i32 to vector<1024x1xi32>
        %add3A_87 = arith.addi %broadcast_in_dim3A_73, %add3A_86 : vector<1024x1xi32>
        %broadcast_in_dim3A_88 = vector.shape_cast %add3A_87 : vector<1024x1xi32> to vector<1024x1xi32>
        %broadcast_in_dim3A_89 = vector.broadcast %broadcast_in_dim3A_88 : vector<1024x1xi32> to vector<1024x16xi32>
        %select_n3A_90 = arith.select %eq3A_85, %broadcast_in_dim3A_89, %scan3A_68 : vector<1024x16xi1>, vector<1024x16xi32>
        %scan3A_91 = arith.constant 1 : i32
        %scan3A_92 = arith.addi %scan3A_67, %scan3A_91 : i32
        %get3A_93 = arith.constant 0 : index
        %get3A_94 = arith.constant 0 : index
        %get3A_95 = vector.load %arg3[%get3A_93, %get3A_94] : memref<1024x2048xf32, #tpu.memory_space<vmem>>, vector<1024x2048xf32>
        %argmin3A_96 = tpu.reduce_index %get3A_95 {axis = 1 : i32, kind = #tpu.reduction_kind<arg_min>} : vector<1024x2048xf32> -> vector<1024xi32>
        %broadcast_in_dim3A_97 = vector.shape_cast %argmin3A_96 : vector<1024xi32> to vector<1024x1xi32>
        %eq3A_98 = vector.broadcast %broadcast_in_dim3A_97 : vector<1024x1xi32> to vector<1024x2048xi32>
        %eq3A_99 = arith.cmpi eq, %iota3A, %eq3A_98 : vector<1024x2048xi32>
        %jit3A_100 = arith.constant 1.000000e+30 : f32
        %broadcast_in_dim3A_101 = vector.broadcast %jit3A_100 : f32 to vector<1024x2048xf32>
        %select_n3A_102 = arith.select %eq3A_99, %broadcast_in_dim3A_101, %get3A_95 : vector<1024x2048xi1>, vector<1024x2048xf32>
        %swap3A_103 = arith.constant 0 : index
        %swap3A_104 = arith.constant 0 : index
        %swap3A_105 = vector.load %arg3[%swap3A_103, %swap3A_104] : memref<1024x2048xf32, #tpu.memory_space<vmem>>, vector<1024x2048xf32>
        tpu.vector_store %arg3[%swap3A_103, %swap3A_104], %select_n3A_102 {strides = array<i32>} : memref<1024x2048xf32, #tpu.memory_space<vmem>>, vector<1024x2048xf32>,
        %sub3A_106 = arith.constant 1 : i32
        %sub3A_107 = arith.subi %scan3A_92, %sub3A_106 : i32
        %eq3A_108 = vector.broadcast %sub3A_107 : i32 to vector<1024x16xi32>
        %eq3A_109 = arith.cmpi eq, %iota3A_7, %eq3A_108 : vector<1024x16xi32>
        %add3A_110 = vector.broadcast %mul3A_4 : i32 to vector<1024x1xi32>
        %add3A_111 = arith.addi %broadcast_in_dim3A_97, %add3A_110 : vector<1024x1xi32>
        %broadcast_in_dim3A_112 = vector.shape_cast %add3A_111 : vector<1024x1xi32> to vector<1024x1xi32>
        %broadcast_in_dim3A_113 = vector.broadcast %broadcast_in_dim3A_112 : vector<1024x1xi32> to vector<1024x16xi32>
        %select_n3A_114 = arith.select %eq3A_109, %broadcast_in_dim3A_113, %select_n3A_90 : vector<1024x16xi1>, vector<1024x16xi32>
        scf.yield %select_n3A_114 : vector<1024x16xi32>
      }
      %scan3A_40 = arith.constant 16 : i32
      %scan3A_41 = arith.addi %scan3A_35, %scan3A_40 : i32
      %get3A_42 = arith.constant 0 : index
      %get3A_43 = arith.constant 0 : index
      %get3A_44 = vector.load %arg3[%get3A_42, %get3A_43] : memref<1024x2048xf32, #tpu.memory_space<vmem>>, vector<1024x2048xf32>
      %argmin3A = tpu.reduce_index %get3A_44 {axis = 1 : i32, kind = #tpu.reduction_kind<arg_min>} : vector<1024x2048xf32> -> vector<1024xi32>
      %broadcast_in_dim3A_45 = vector.shape_cast %argmin3A : vector<1024xi32> to vector<1024x1xi32>
      %eq3A = vector.broadcast %broadcast_in_dim3A_45 : vector<1024x1xi32> to vector<1024x2048xi32>
      %eq3A_46 = arith.cmpi eq, %iota3A, %eq3A : vector<1024x2048xi32>
      %jit3A = arith.constant 1.000000e+30 : f32
      %broadcast_in_dim3A_47 = vector.broadcast %jit3A : f32 to vector<1024x2048xf32>
      %select_n3A = arith.select %eq3A_46, %broadcast_in_dim3A_47, %get3A_44 : vector<1024x2048xi1>, vector<1024x2048xf32>
      %swap3A_48 = arith.constant 0 : index
      %swap3A_49 = arith.constant 0 : index
      %swap3A_50 = vector.load %arg3[%swap3A_48, %swap3A_49] : memref<1024x2048xf32, #tpu.memory_space<vmem>>, vector<1024x2048xf32>
      tpu.vector_store %arg3[%swap3A_48, %swap3A_49], %select_n3A {strides = array<i32>} : memref<1024x2048xf32, #tpu.memory_space<vmem>>, vector<1024x2048xf32>,
      %sub3A_51 = arith.constant 1 : i32
      %sub3A_52 = arith.subi %scan3A_41, %sub3A_51 : i32
      %eq3A_53 = vector.broadcast %sub3A_52 : i32 to vector<1024x16xi32>
      %eq3A_54 = arith.cmpi eq, %iota3A_7, %eq3A_53 : vector<1024x16xi32>
      %add3A_55 = vector.broadcast %mul3A_4 : i32 to vector<1024x1xi32>
      %add3A_56 = arith.addi %broadcast_in_dim3A_45, %add3A_55 : vector<1024x1xi32>
      %broadcast_in_dim3A_57 = vector.shape_cast %add3A_56 : vector<1024x1xi32> to vector<1024x1xi32>
      %broadcast_in_dim3A_58 = vector.broadcast %broadcast_in_dim3A_57 : vector<1024x1xi32> to vector<1024x16xi32>
      %select_n3A_59 = arith.select %eq3A_54, %broadcast_in_dim3A_58, %scan3A_39 : vector<1024x16xi1>, vector<1024x16xi32>
      %scan3A_60 = arith.constant 17 : i32
      %swap3A_61 = arith.constant 0 : index
      %swap3A_62 = arith.index_cast %mul3A_14 : i32 to index
      %swap3A_63 = arith.constant 0 : index
      %swap3A_64 = vector.load %arg2[%swap3A_61, %swap3A_62, %swap3A_63] : memref<1x2048x16xi32, #tpu.memory_space<vmem>>, vector<1x1024x16xi32>
      %swap3A_65 = vector.shape_cast %swap3A_64 : vector<1x1024x16xi32> to vector<1024x16xi32>
      %swap3A_66 = vector.shape_cast %select_n3A_59 : vector<1024x16xi32> to vector<1x1024x16xi32>
      tpu.vector_store %arg2[%swap3A_61, %swap3A_62, %swap3A_63], %swap3A_66 {strides = array<i32>} : memref<1x2048x16xi32, #tpu.memory_space<vmem>>, vector<1x1024x16xi32>,
    }
    %scan3A_11 = arith.constant 2 : i32
    return
  }
  func.func @transform_0(%arg0: i32) -> (i32, i32, i32) {
    %c0_i32 = arith.constant 0 : i32
    %c0_i32_0 = arith.constant 0 : i32
    %c0_i32_1 = arith.constant 0 : i32
    return %arg0, %c0_i32, %c0_i32_0 : i32, i32, i32
  }
  func.func @transform_1(%arg0: i32) -> (i32, i32, i32) {
    %c0_i32 = arith.constant 0 : i32
    %c0_i32_0 = arith.constant 0 : i32
    %c0_i32_1 = arith.constant 0 : i32
    return %arg0, %c0_i32, %c0_i32_0 : i32, i32, i32
  }
}

module attributes {stable_mosaic.version = 14 : i64} {
  func.func @_conv_kernel(%arg0: i32, %arg1: i32, %arg2: memref<1x16x512x128xf32, #tpu.memory_space<vmem>>, %arg3: memref<1x512x128xf32, #tpu.memory_space<vmem>>, %arg4: memref<128x64xf32, #tpu.memory_space<vmem>>, %arg5: memref<1x64xf32, #tpu.memory_space<vmem>>, %arg6: memref<64x128xf32, #tpu.memory_space<vmem>>, %arg7: memref<1x128xf32, #tpu.memory_space<vmem>>, %arg8: memref<128x128xf32, #tpu.memory_space<vmem>>, %arg9: memref<128x128xf32, #tpu.memory_space<vmem>>, %arg10: memref<1x128xf32, #tpu.memory_space<vmem>>, %arg11: memref<2048x128xf32, #tpu.memory_space<vmem>>, %arg12: memref<1x128xf32, #tpu.memory_space<vmem>>, %arg13: memref<1x512x128xf32, #tpu.memory_space<vmem>>) attributes {dimension_semantics = [#tpu.dimension_semantics<arbitrary>, #tpu.dimension_semantics<arbitrary>], iteration_bounds = array<i64: 1, 4>, scalar_prefetch = 0 : i64, scratch_operands = 0 : i64, tpu.core_type = #tpu.core_type<tc>, window_params = [{transform_indices = @transform_0, window_bounds = array<i64: 1, 16, 512, 128>}, {transform_indices = @transform_1, window_bounds = array<i64: 1, 512, 128>}, {pipeline_mode = #tpu.pipeline_mode<synchronous>, transform_indices = @transform_2, window_bounds = array<i64: 128, 64>}, {pipeline_mode = #tpu.pipeline_mode<synchronous>, transform_indices = @transform_3, window_bounds = array<i64: 1, 64>}, {pipeline_mode = #tpu.pipeline_mode<synchronous>, transform_indices = @transform_4, window_bounds = array<i64: 64, 128>}, {pipeline_mode = #tpu.pipeline_mode<synchronous>, transform_indices = @transform_5, window_bounds = array<i64: 1, 128>}, {pipeline_mode = #tpu.pipeline_mode<synchronous>, transform_indices = @transform_6, window_bounds = array<i64: 128, 128>}, {pipeline_mode = #tpu.pipeline_mode<synchronous>, transform_indices = @transform_7, window_bounds = array<i64: 128, 128>}, {pipeline_mode = #tpu.pipeline_mode<synchronous>, transform_indices = @transform_8, window_bounds = array<i64: 1, 128>}, {pipeline_mode = #tpu.pipeline_mode<synchronous>, transform_indices = @transform_9, window_bounds = array<i64: 2048, 128>}, {pipeline_mode = #tpu.pipeline_mode<synchronous>, transform_indices = @transform_10, window_bounds = array<i64: 1, 128>}, {transform_indices = @transform_11, window_bounds = array<i64: 1, 512, 128>}]} {
    %get3A = arith.constant 0 : index
    %get3A_0 = arith.constant 0 : index
    %get3A_1 = arith.constant 0 : index
    %get3A_2 = vector.load %arg3[%get3A, %get3A_0, %get3A_1] : memref<1x512x128xf32, #tpu.memory_space<vmem>>, vector<1x512x128xf32>
    %get3A_3 = vector.shape_cast %get3A_2 : vector<1x512x128xf32> to vector<512x128xf32>
    %get3A_4 = arith.constant 0 : index
    %get3A_5 = arith.constant 0 : index
    %get3A_6 = arith.constant 0 : index
    %get3A_7 = arith.constant 0 : index
    %get3A_8 = vector.load %arg2[%get3A_4, %get3A_5, %get3A_6, %get3A_7] : memref<1x16x512x128xf32, #tpu.memory_space<vmem>>, vector<1x16x512x128xf32>
    %get3A_9 = vector.shape_cast %get3A_8 : vector<1x16x512x128xf32> to vector<16x512x128xf32>
    %reshape3A = vector.shape_cast %get3A_9 : vector<16x512x128xf32> to vector<8192x128xf32>
    %broadcast_in_dim3A = vector.shape_cast %get3A_3 : vector<512x128xf32> to vector<1x512x128xf32>
    %broadcast_in_dim3A_10 = vector.shape_cast %broadcast_in_dim3A : vector<1x512x128xf32> to vector<1x512x128xf32>
    %broadcast_in_dim3A_11 = vector.broadcast %broadcast_in_dim3A_10 : vector<1x512x128xf32> to vector<16x512x128xf32>
    %reshape3A_12 = vector.shape_cast %broadcast_in_dim3A_11 : vector<16x512x128xf32> to vector<8192x128xf32>
    %sub3A = arith.subf %reshape3A, %reshape3A_12 : vector<8192x128xf32>
    %get3A_13 = arith.constant 0 : index
    %get3A_14 = arith.constant 0 : index
    %get3A_15 = vector.load %arg4[%get3A_13, %get3A_14] : memref<128x64xf32, #tpu.memory_space<vmem>>, vector<128x64xf32>
    %convert_element_type3A = arith.truncf %sub3A : vector<8192x128xf32> to vector<8192x128xbf16>
    %convert_element_type3A_16 = arith.truncf %get3A_15 : vector<128x64xf32> to vector<128x64xbf16>
    %dot_general3A = arith.constant dense<0.000000e+00> : vector<8192x64xf32>
    %dot_general3A_17 = tpu.matmul %convert_element_type3A, %convert_element_type3A_16, %dot_general3A {dimension_numbers = #tpu.dot_dimension_numbers<[1], [0], [0], [1], [0, 0, 1, 1], [], []>, transpose_lhs_hint = false} : vector<8192x128xbf16>, vector<128x64xbf16>, vector<8192x64xf32> -> vector<8192x64xf32>
    %get3A_18 = arith.constant 0 : index
    %get3A_19 = arith.constant 0 : index
    %get3A_20 = vector.load %arg5[%get3A_18, %get3A_19] : memref<1x64xf32, #tpu.memory_space<vmem>>, vector<1x64xf32>
    %add3A = vector.broadcast %get3A_20 : vector<1x64xf32> to vector<8192x64xf32>
    %add3A_21 = arith.addf %dot_general3A_17, %add3A : vector<8192x64xf32>
    %mul3A = arith.constant 0.999994993 : f32
    %mul3A_22 = vector.broadcast %mul3A : f32 to vector<8192x64xf32>
    %mul3A_23 = arith.mulf %add3A_21, %mul3A_22 : vector<8192x64xf32>
    %ge3A = arith.constant 0.000000e+00 : f32
    %ge3A_24 = vector.broadcast %ge3A : f32 to vector<8192x64xf32>
    %ge3A_25 = arith.cmpf oge, %mul3A_23, %ge3A_24 : vector<8192x64xf32>
    %mul3A_26 = arith.constant 0.00999999977 : f32
    %mul3A_27 = vector.broadcast %mul3A_26 : f32 to vector<8192x64xf32>
    %mul3A_28 = arith.mulf %mul3A_27, %mul3A_23 : vector<8192x64xf32>
    %select_n3A = arith.select %ge3A_25, %mul3A_23, %mul3A_28 : vector<8192x64xi1>, vector<8192x64xf32>
    %get3A_29 = arith.constant 0 : index
    %get3A_30 = arith.constant 0 : index
    %get3A_31 = vector.load %arg6[%get3A_29, %get3A_30] : memref<64x128xf32, #tpu.memory_space<vmem>>, vector<64x128xf32>
    %convert_element_type3A_32 = arith.truncf %select_n3A : vector<8192x64xf32> to vector<8192x64xbf16>
    %convert_element_type3A_33 = arith.truncf %get3A_31 : vector<64x128xf32> to vector<64x128xbf16>
    %dot_general3A_34 = arith.constant dense<0.000000e+00> : vector<8192x128xf32>
    %dot_general3A_35 = tpu.matmul %convert_element_type3A_32, %convert_element_type3A_33, %dot_general3A_34 {dimension_numbers = #tpu.dot_dimension_numbers<[1], [0], [0], [1], [0, 0, 1, 1], [], []>, transpose_lhs_hint = false} : vector<8192x64xbf16>, vector<64x128xbf16>, vector<8192x128xf32> -> vector<8192x128xf32>
    %get3A_36 = arith.constant 0 : index
    %get3A_37 = arith.constant 0 : index
    %get3A_38 = vector.load %arg7[%get3A_36, %get3A_37] : memref<1x128xf32, #tpu.memory_space<vmem>>, vector<1x128xf32>
    %add3A_39 = vector.broadcast %get3A_38 : vector<1x128xf32> to vector<8192x128xf32>
    %add3A_40 = arith.addf %dot_general3A_35, %add3A_39 : vector<8192x128xf32>
    %mul3A_41 = arith.constant 0.999994993 : f32
    %mul3A_42 = vector.broadcast %mul3A_41 : f32 to vector<8192x128xf32>
    %mul3A_43 = arith.mulf %add3A_40, %mul3A_42 : vector<8192x128xf32>
    %ge3A_44 = arith.constant 0.000000e+00 : f32
    %ge3A_45 = vector.broadcast %ge3A_44 : f32 to vector<8192x128xf32>
    %ge3A_46 = arith.cmpf oge, %mul3A_43, %ge3A_45 : vector<8192x128xf32>
    %mul3A_47 = arith.constant 0.00999999977 : f32
    %mul3A_48 = vector.broadcast %mul3A_47 : f32 to vector<8192x128xf32>
    %mul3A_49 = arith.mulf %mul3A_48, %mul3A_43 : vector<8192x128xf32>
    %select_n3A_50 = arith.select %ge3A_46, %mul3A_43, %mul3A_49 : vector<8192x128xi1>, vector<8192x128xf32>
    %get3A_51 = arith.constant 0 : index
    %get3A_52 = arith.constant 0 : index
    %get3A_53 = vector.load %arg8[%get3A_51, %get3A_52] : memref<128x128xf32, #tpu.memory_space<vmem>>, vector<128x128xf32>
    %convert_element_type3A_54 = arith.truncf %get3A_3 : vector<512x128xf32> to vector<512x128xbf16>
    %convert_element_type3A_55 = arith.truncf %get3A_53 : vector<128x128xf32> to vector<128x128xbf16>
    %dot_general3A_56 = arith.constant dense<0.000000e+00> : vector<512x128xf32>
    %dot_general3A_57 = tpu.matmul %convert_element_type3A_54, %convert_element_type3A_55, %dot_general3A_56 {dimension_numbers = #tpu.dot_dimension_numbers<[1], [0], [0], [1], [0, 0, 1, 1], [], []>, transpose_lhs_hint = false} : vector<512x128xbf16>, vector<128x128xbf16>, vector<512x128xf32> -> vector<512x128xf32>
    %broadcast_in_dim3A_58 = vector.shape_cast %dot_general3A_57 : vector<512x128xf32> to vector<1x512x128xf32>
    %broadcast_in_dim3A_59 = vector.shape_cast %broadcast_in_dim3A_58 : vector<1x512x128xf32> to vector<1x512x128xf32>
    %broadcast_in_dim3A_60 = vector.broadcast %broadcast_in_dim3A_59 : vector<1x512x128xf32> to vector<16x512x128xf32>
    %reshape3A_61 = vector.shape_cast %broadcast_in_dim3A_60 : vector<16x512x128xf32> to vector<8192x128xf32>
    %get3A_62 = arith.constant 0 : index
    %get3A_63 = arith.constant 0 : index
    %get3A_64 = vector.load %arg9[%get3A_62, %get3A_63] : memref<128x128xf32, #tpu.memory_space<vmem>>, vector<128x128xf32>
    %convert_element_type3A_65 = arith.truncf %sub3A : vector<8192x128xf32> to vector<8192x128xbf16>
    %convert_element_type3A_66 = arith.truncf %get3A_64 : vector<128x128xf32> to vector<128x128xbf16>
    %dot_general3A_67 = arith.constant dense<0.000000e+00> : vector<8192x128xf32>
    %dot_general3A_68 = tpu.matmul %convert_element_type3A_65, %convert_element_type3A_66, %dot_general3A_67 {dimension_numbers = #tpu.dot_dimension_numbers<[1], [0], [0], [1], [0, 0, 1, 1], [], []>, transpose_lhs_hint = false} : vector<8192x128xbf16>, vector<128x128xbf16>, vector<8192x128xf32> -> vector<8192x128xf32>
    %add3A_69 = arith.addf %reshape3A_61, %dot_general3A_68 : vector<8192x128xf32>
    %get3A_70 = arith.constant 0 : index
    %get3A_71 = arith.constant 0 : index
    %get3A_72 = vector.load %arg10[%get3A_70, %get3A_71] : memref<1x128xf32, #tpu.memory_space<vmem>>, vector<1x128xf32>
    %add3A_73 = vector.broadcast %get3A_72 : vector<1x128xf32> to vector<8192x128xf32>
    %add3A_74 = arith.addf %add3A_69, %add3A_73 : vector<8192x128xf32>
    %mul3A_75 = arith.constant 0.999994993 : f32
    %mul3A_76 = vector.broadcast %mul3A_75 : f32 to vector<8192x128xf32>
    %mul3A_77 = arith.mulf %add3A_74, %mul3A_76 : vector<8192x128xf32>
    %ge3A_78 = arith.constant 0.000000e+00 : f32
    %ge3A_79 = vector.broadcast %ge3A_78 : f32 to vector<8192x128xf32>
    %ge3A_80 = arith.cmpf oge, %mul3A_77, %ge3A_79 : vector<8192x128xf32>
    %mul3A_81 = arith.constant 0.00999999977 : f32
    %mul3A_82 = vector.broadcast %mul3A_81 : f32 to vector<8192x128xf32>
    %mul3A_83 = arith.mulf %mul3A_82, %mul3A_77 : vector<8192x128xf32>
    %select_n3A_84 = arith.select %ge3A_80, %mul3A_77, %mul3A_83 : vector<8192x128xi1>, vector<8192x128xf32>
    %reshape3A_85 = vector.shape_cast %select_n3A_50 : vector<8192x128xf32> to vector<16x512x128xf32>
    %reduce_max3A = arith.constant dense<0xFF800000> : vector<512x128xf32>
    %reduce_max3A_86 = vector.multi_reduction <maximumf>, %reshape3A_85, %reduce_max3A [0] : vector<16x512x128xf32> to vector<512x128xf32>
    %broadcast_in_dim3A_87 = vector.shape_cast %reduce_max3A_86 : vector<512x128xf32> to vector<1x512x128xf32>
    %sub3A_88 = vector.broadcast %broadcast_in_dim3A_87 : vector<1x512x128xf32> to vector<16x512x128xf32>
    %sub3A_89 = arith.subf %reshape3A_85, %sub3A_88 : vector<16x512x128xf32>
    %exp3A = math.exp %sub3A_89 : vector<16x512x128xf32>
    %reduce_sum3A = arith.constant dense<0.000000e+00> : vector<512x128xf32>
    %reduce_sum3A_90 = vector.multi_reduction <add>, %exp3A, %reduce_sum3A [0] : vector<16x512x128xf32> to vector<512x128xf32>
    %broadcast_in_dim3A_91 = vector.shape_cast %reduce_sum3A_90 : vector<512x128xf32> to vector<1x512x128xf32>
    %div3A = vector.broadcast %broadcast_in_dim3A_91 : vector<1x512x128xf32> to vector<16x512x128xf32>
    %div3A_92 = arith.divf %exp3A, %div3A : vector<16x512x128xf32>
    %reshape3A_93 = vector.shape_cast %select_n3A_84 : vector<8192x128xf32> to vector<16x512x128xf32>
    %mul3A_94 = arith.mulf %reshape3A_93, %div3A_92 : vector<16x512x128xf32>
    %transpose3A = tpu.transpose %mul3A_94, [1, 0, 2] : vector<16x512x128xf32> -> vector<512x16x128xf32>
    %reshape3A_95 = vector.shape_cast %transpose3A : vector<512x16x128xf32> to vector<512x2048xf32>
    %get3A_96 = arith.constant 0 : index
    %get3A_97 = arith.constant 0 : index
    %get3A_98 = vector.load %arg11[%get3A_96, %get3A_97] : memref<2048x128xf32, #tpu.memory_space<vmem>>, vector<2048x128xf32>
    %convert_element_type3A_99 = arith.truncf %reshape3A_95 : vector<512x2048xf32> to vector<512x2048xbf16>
    %convert_element_type3A_100 = arith.truncf %get3A_98 : vector<2048x128xf32> to vector<2048x128xbf16>
    %dot_general3A_101 = arith.constant dense<0.000000e+00> : vector<512x128xf32>
    %dot_general3A_102 = tpu.matmul %convert_element_type3A_99, %convert_element_type3A_100, %dot_general3A_101 {dimension_numbers = #tpu.dot_dimension_numbers<[1], [0], [0], [1], [0, 0, 1, 1], [], []>, transpose_lhs_hint = false} : vector<512x2048xbf16>, vector<2048x128xbf16>, vector<512x128xf32> -> vector<512x128xf32>
    %get3A_103 = arith.constant 0 : index
    %get3A_104 = arith.constant 0 : index
    %get3A_105 = vector.load %arg12[%get3A_103, %get3A_104] : memref<1x128xf32, #tpu.memory_space<vmem>>, vector<1x128xf32>
    %add3A_106 = vector.broadcast %get3A_105 : vector<1x128xf32> to vector<512x128xf32>
    %add3A_107 = arith.addf %dot_general3A_102, %add3A_106 : vector<512x128xf32>
    %swap3A = arith.constant 0 : index
    %swap3A_108 = arith.constant 0 : index
    %swap3A_109 = arith.constant 0 : index
    %swap3A_110 = vector.load %arg13[%swap3A, %swap3A_108, %swap3A_109] : memref<1x512x128xf32, #tpu.memory_space<vmem>>, vector<1x512x128xf32>
    %swap3A_111 = vector.shape_cast %swap3A_110 : vector<1x512x128xf32> to vector<512x128xf32>
    %swap3A_112 = vector.shape_cast %add3A_107 : vector<512x128xf32> to vector<1x512x128xf32>
    tpu.vector_store %arg13[%swap3A, %swap3A_108, %swap3A_109], %swap3A_112 {strides = array<i32>} : memref<1x512x128xf32, #tpu.memory_space<vmem>>, vector<1x512x128xf32>,
    return
  }
  func.func @transform_0(%arg0: i32, %arg1: i32) -> (i32, i32, i32, i32) {
    %c0_i32 = arith.constant 0 : i32
    %c0_i32_0 = arith.constant 0 : i32
    %c0_i32_1 = arith.constant 0 : i32
    return %arg0, %c0_i32, %arg1, %c0_i32_0 : i32, i32, i32, i32
  }
  func.func @transform_1(%arg0: i32, %arg1: i32) -> (i32, i32, i32) {
    %c0_i32 = arith.constant 0 : i32
    %c0_i32_0 = arith.constant 0 : i32
    return %arg0, %arg1, %c0_i32 : i32, i32, i32
  }
  func.func @transform_2(%arg0: i32, %arg1: i32) -> (i32, i32) {
    %c0_i32 = arith.constant 0 : i32
    %c0_i32_0 = arith.constant 0 : i32
    %c0_i32_1 = arith.constant 0 : i32
    return %c0_i32, %c0_i32_0 : i32, i32
  }
  func.func @transform_3(%arg0: i32, %arg1: i32) -> (i32, i32) {
    %c0_i32 = arith.constant 0 : i32
    %c0_i32_0 = arith.constant 0 : i32
    %c0_i32_1 = arith.constant 0 : i32
    return %c0_i32, %c0_i32_0 : i32, i32
  }
  func.func @transform_4(%arg0: i32, %arg1: i32) -> (i32, i32) {
    %c0_i32 = arith.constant 0 : i32
    %c0_i32_0 = arith.constant 0 : i32
    %c0_i32_1 = arith.constant 0 : i32
    return %c0_i32, %c0_i32_0 : i32, i32
  }
  func.func @transform_5(%arg0: i32, %arg1: i32) -> (i32, i32) {
    %c0_i32 = arith.constant 0 : i32
    %c0_i32_0 = arith.constant 0 : i32
    %c0_i32_1 = arith.constant 0 : i32
    return %c0_i32, %c0_i32_0 : i32, i32
  }
  func.func @transform_6(%arg0: i32, %arg1: i32) -> (i32, i32) {
    %c0_i32 = arith.constant 0 : i32
    %c0_i32_0 = arith.constant 0 : i32
    %c0_i32_1 = arith.constant 0 : i32
    return %c0_i32, %c0_i32_0 : i32, i32
  }
  func.func @transform_7(%arg0: i32, %arg1: i32) -> (i32, i32) {
    %c0_i32 = arith.constant 0 : i32
    %c0_i32_0 = arith.constant 0 : i32
    %c0_i32_1 = arith.constant 0 : i32
    return %c0_i32, %c0_i32_0 : i32, i32
  }
  func.func @transform_8(%arg0: i32, %arg1: i32) -> (i32, i32) {
    %c0_i32 = arith.constant 0 : i32
    %c0_i32_0 = arith.constant 0 : i32
    %c0_i32_1 = arith.constant 0 : i32
    return %c0_i32, %c0_i32_0 : i32, i32
  }
  func.func @transform_9(%arg0: i32, %arg1: i32) -> (i32, i32) {
    %c0_i32 = arith.constant 0 : i32
    %c0_i32_0 = arith.constant 0 : i32
    %c0_i32_1 = arith.constant 0 : i32
    return %c0_i32, %c0_i32_0 : i32, i32
  }
  func.func @transform_10(%arg0: i32, %arg1: i32) -> (i32, i32) {
    %c0_i32 = arith.constant 0 : i32
    %c0_i32_0 = arith.constant 0 : i32
    %c0_i32_1 = arith.constant 0 : i32
    return %c0_i32, %c0_i32_0 : i32, i32
  }
  func.func @transform_11(%arg0: i32, %arg1: i32) -> (i32, i32, i32) {
    %c0_i32 = arith.constant 0 : i32
    %c0_i32_0 = arith.constant 0 : i32
    return %arg0, %arg1, %c0_i32 : i32, i32, i32
  }
}

module attributes {stable_mosaic.version = 14 : i64} {
  func.func @_adain_kernel(%arg0: i32, %arg1: memref<1x2048x128xf32, #tpu.memory_space<vmem>>, %arg2: memref<1x2048x128xf32, #tpu.memory_space<vmem>>, %arg3: memref<128x256xf32, #tpu.memory_space<vmem>>, %arg4: memref<1x256xf32, #tpu.memory_space<vmem>>, %arg5: memref<1x2048x128xf32, #tpu.memory_space<vmem>>) attributes {dimension_semantics = [#tpu.dimension_semantics<arbitrary>], iteration_bounds = array<i64: 4>, scalar_prefetch = 0 : i64, scratch_operands = 0 : i64, tpu.core_type = #tpu.core_type<tc>, window_params = [{transform_indices = @transform_0, window_bounds = array<i64: 1, 2048, 128>}, {transform_indices = @transform_1, window_bounds = array<i64: 1, 2048, 128>}, {pipeline_mode = #tpu.pipeline_mode<synchronous>, transform_indices = @transform_2, window_bounds = array<i64: 128, 256>}, {pipeline_mode = #tpu.pipeline_mode<synchronous>, transform_indices = @transform_3, window_bounds = array<i64: 1, 256>}, {transform_indices = @transform_4, window_bounds = array<i64: 1, 2048, 128>}]} {
    %get3A = arith.constant 0 : index
    %get3A_0 = arith.constant 0 : index
    %get3A_1 = arith.constant 0 : index
    %get3A_2 = vector.load %arg1[%get3A, %get3A_0, %get3A_1] : memref<1x2048x128xf32, #tpu.memory_space<vmem>>, vector<1x2048x128xf32>
    %get3A_3 = vector.shape_cast %get3A_2 : vector<1x2048x128xf32> to vector<2048x128xf32>
    %ge3A = arith.constant 0.000000e+00 : f32
    %ge3A_4 = vector.broadcast %ge3A : f32 to vector<2048x128xf32>
    %ge3A_5 = arith.cmpf oge, %get3A_3, %ge3A_4 : vector<2048x128xf32>
    %mul3A = arith.constant 2.000000e-01 : f32
    %mul3A_6 = vector.broadcast %mul3A : f32 to vector<2048x128xf32>
    %mul3A_7 = arith.mulf %mul3A_6, %get3A_3 : vector<2048x128xf32>
    %select_n3A = arith.select %ge3A_5, %get3A_3, %mul3A_7 : vector<2048x128xi1>, vector<2048x128xf32>
    %reduce_sum3A = arith.constant dense<0.000000e+00> : vector<128xf32>
    %reduce_sum3A_8 = vector.multi_reduction <add>, %select_n3A, %reduce_sum3A [0] : vector<2048x128xf32> to vector<128xf32>
    %broadcast_in_dim3A = vector.shape_cast %reduce_sum3A_8 : vector<128xf32> to vector<1x128xf32>
    %div3A = arith.constant 2.048000e+03 : f32
    %div3A_9 = vector.broadcast %div3A : f32 to vector<1x128xf32>
    %div3A_10 = arith.divf %broadcast_in_dim3A, %div3A_9 : vector<1x128xf32>
    %sub3A = vector.broadcast %div3A_10 : vector<1x128xf32> to vector<2048x128xf32>
    %sub3A_11 = arith.subf %select_n3A, %sub3A : vector<2048x128xf32>
    %integer_pow3A = arith.mulf %sub3A_11, %sub3A_11 : vector<2048x128xf32>
    %reduce_sum3A_12 = arith.constant dense<0.000000e+00> : vector<128xf32>
    %reduce_sum3A_13 = vector.multi_reduction <add>, %integer_pow3A, %reduce_sum3A_12 [0] : vector<2048x128xf32> to vector<128xf32>
    %broadcast_in_dim3A_14 = vector.shape_cast %reduce_sum3A_13 : vector<128xf32> to vector<1x128xf32>
    %div3A_15 = arith.constant 2.048000e+03 : f32
    %div3A_16 = vector.broadcast %div3A_15 : f32 to vector<1x128xf32>
    %div3A_17 = arith.divf %broadcast_in_dim3A_14, %div3A_16 : vector<1x128xf32>
    %sub3A_18 = vector.broadcast %div3A_10 : vector<1x128xf32> to vector<2048x128xf32>
    %sub3A_19 = arith.subf %select_n3A, %sub3A_18 : vector<2048x128xf32>
    %add3A = arith.constant 9.99999974E-6 : f32
    %add3A_20 = vector.broadcast %add3A : f32 to vector<1x128xf32>
    %add3A_21 = arith.addf %div3A_17, %add3A_20 : vector<1x128xf32>
    %sqrt3A = math.sqrt %add3A_21 : vector<1x128xf32>
    %div3A_22 = vector.broadcast %sqrt3A : vector<1x128xf32> to vector<2048x128xf32>
    %div3A_23 = arith.divf %sub3A_19, %div3A_22 : vector<2048x128xf32>
    %get3A_24 = arith.constant 0 : index
    %get3A_25 = arith.constant 0 : index
    %get3A_26 = arith.constant 0 : index
    %get3A_27 = vector.load %arg2[%get3A_24, %get3A_25, %get3A_26] : memref<1x2048x128xf32, #tpu.memory_space<vmem>>, vector<1x2048x128xf32>
    %get3A_28 = vector.shape_cast %get3A_27 : vector<1x2048x128xf32> to vector<2048x128xf32>
    %get3A_29 = arith.constant 0 : index
    %get3A_30 = arith.constant 0 : index
    %get3A_31 = vector.load %arg3[%get3A_29, %get3A_30] : memref<128x256xf32, #tpu.memory_space<vmem>>, vector<128x256xf32>
    %convert_element_type3A = arith.truncf %get3A_28 : vector<2048x128xf32> to vector<2048x128xbf16>
    %convert_element_type3A_32 = arith.truncf %get3A_31 : vector<128x256xf32> to vector<128x256xbf16>
    %dot_general3A = arith.constant dense<0.000000e+00> : vector<2048x256xf32>
    %dot_general3A_33 = tpu.matmul %convert_element_type3A, %convert_element_type3A_32, %dot_general3A {dimension_numbers = #tpu.dot_dimension_numbers<[1], [0], [0], [1], [0, 0, 1, 1], [], []>, transpose_lhs_hint = false} : vector<2048x128xbf16>, vector<128x256xbf16>, vector<2048x256xf32> -> vector<2048x256xf32>
    %get3A_34 = arith.constant 0 : index
    %get3A_35 = arith.constant 0 : index
    %get3A_36 = vector.load %arg4[%get3A_34, %get3A_35] : memref<1x256xf32, #tpu.memory_space<vmem>>, vector<1x256xf32>
    %add3A_37 = vector.broadcast %get3A_36 : vector<1x256xf32> to vector<2048x256xf32>
    %add3A_38 = arith.addf %dot_general3A_33, %add3A_37 : vector<2048x256xf32>
    %slice3A = vector.extract_strided_slice %add3A_38 {offsets = [0, 0], sizes = [2048, 128], strides = [1, 1]} : vector<2048x256xf32> to vector<2048x128xf32>
    %mul3A_39 = arith.mulf %slice3A, %div3A_23 : vector<2048x128xf32>
    %slice3A_40 = vector.extract_strided_slice %add3A_38 {offsets = [0, 128], sizes = [2048, 128], strides = [1, 1]} : vector<2048x256xf32> to vector<2048x128xf32>
    %add3A_41 = arith.addf %mul3A_39, %slice3A_40 : vector<2048x128xf32>
    %swap3A = arith.constant 0 : index
    %swap3A_42 = arith.constant 0 : index
    %swap3A_43 = arith.constant 0 : index
    %swap3A_44 = vector.load %arg5[%swap3A, %swap3A_42, %swap3A_43] : memref<1x2048x128xf32, #tpu.memory_space<vmem>>, vector<1x2048x128xf32>
    %swap3A_45 = vector.shape_cast %swap3A_44 : vector<1x2048x128xf32> to vector<2048x128xf32>
    %swap3A_46 = vector.shape_cast %add3A_41 : vector<2048x128xf32> to vector<1x2048x128xf32>
    tpu.vector_store %arg5[%swap3A, %swap3A_42, %swap3A_43], %swap3A_46 {strides = array<i32>} : memref<1x2048x128xf32, #tpu.memory_space<vmem>>, vector<1x2048x128xf32>,
    return
  }
  func.func @transform_0(%arg0: i32) -> (i32, i32, i32) {
    %c0_i32 = arith.constant 0 : i32
    %c0_i32_0 = arith.constant 0 : i32
    %c0_i32_1 = arith.constant 0 : i32
    return %arg0, %c0_i32, %c0_i32_0 : i32, i32, i32
  }
  func.func @transform_1(%arg0: i32) -> (i32, i32, i32) {
    %c0_i32 = arith.constant 0 : i32
    %c0_i32_0 = arith.constant 0 : i32
    %c0_i32_1 = arith.constant 0 : i32
    return %arg0, %c0_i32, %c0_i32_0 : i32, i32, i32
  }
  func.func @transform_2(%arg0: i32) -> (i32, i32) {
    %c0_i32 = arith.constant 0 : i32
    %c0_i32_0 = arith.constant 0 : i32
    %c0_i32_1 = arith.constant 0 : i32
    return %c0_i32, %c0_i32_0 : i32, i32
  }
  func.func @transform_3(%arg0: i32) -> (i32, i32) {
    %c0_i32 = arith.constant 0 : i32
    %c0_i32_0 = arith.constant 0 : i32
    %c0_i32_1 = arith.constant 0 : i32
    return %c0_i32, %c0_i32_0 : i32, i32
  }
  func.func @transform_4(%arg0: i32) -> (i32, i32, i32) {
    %c0_i32 = arith.constant 0 : i32
    %c0_i32_0 = arith.constant 0 : i32
    %c0_i32_1 = arith.constant 0 : i32
    return %arg0, %c0_i32, %c0_i32_0 : i32, i32, i32
  }
}

module attributes {stable_mosaic.version = 14 : i64} {
  func.func @_tail_kernel(%arg0: i32, %arg1: memref<1x2048x128xf32, #tpu.memory_space<vmem>>, %arg2: memref<128x128xf32, #tpu.memory_space<vmem>>, %arg3: memref<1x128xf32, #tpu.memory_space<vmem>>, %arg4: memref<128x512xf32, #tpu.memory_space<vmem>>, %arg5: memref<1x512xf32, #tpu.memory_space<vmem>>, %arg6: memref<128x80xf32, #tpu.memory_space<vmem>>, %arg7: memref<512x80xf32, #tpu.memory_space<vmem>>, %arg8: memref<128x80xf32, #tpu.memory_space<vmem>>, %arg9: memref<512x80xf32, #tpu.memory_space<vmem>>, %arg10: memref<128x320xf32, #tpu.memory_space<vmem>>, %arg11: memref<512x320xf32, #tpu.memory_space<vmem>>, %arg12: memref<320x128xf32, #tpu.memory_space<vmem>>, %arg13: memref<320x512xf32, #tpu.memory_space<vmem>>, %arg14: memref<128x128xf32, #tpu.memory_space<vmem>>, %arg15: memref<512x128xf32, #tpu.memory_space<vmem>>, %arg16: memref<1x128xf32, #tpu.memory_space<vmem>>, %arg17: memref<1x1xf32, #tpu.memory_space<vmem>>, %arg18: memref<128x128xf32, #tpu.memory_space<vmem>>, %arg19: memref<1x128xf32, #tpu.memory_space<vmem>>, %arg20: memref<128x128xf32, #tpu.memory_space<vmem>>, %arg21: memref<1x128xf32, #tpu.memory_space<vmem>>, %arg22: memref<128x14xf32, #tpu.memory_space<vmem>>, %arg23: memref<1x14xf32, #tpu.memory_space<vmem>>, %arg24: memref<1x2048x14xf32, #tpu.memory_space<vmem>>) attributes {dimension_semantics = [#tpu.dimension_semantics<arbitrary>], iteration_bounds = array<i64: 4>, scalar_prefetch = 0 : i64, scratch_operands = 0 : i64, tpu.core_type = #tpu.core_type<tc>, window_params = [{transform_indices = @transform_0, window_bounds = array<i64: 1, 2048, 128>}, {pipeline_mode = #tpu.pipeline_mode<synchronous>, transform_indices = @transform_1, window_bounds = array<i64: 128, 128>}, {pipeline_mode = #tpu.pipeline_mode<synchronous>, transform_indices = @transform_2, window_bounds = array<i64: 1, 128>}, {pipeline_mode = #tpu.pipeline_mode<synchronous>, transform_indices = @transform_3, window_bounds = array<i64: 128, 512>}, {pipeline_mode = #tpu.pipeline_mode<synchronous>, transform_indices = @transform_4, window_bounds = array<i64: 1, 512>}, {pipeline_mode = #tpu.pipeline_mode<synchronous>, transform_indices = @transform_5, window_bounds = array<i64: 128, 80>}, {pipeline_mode = #tpu.pipeline_mode<synchronous>, transform_indices = @transform_6, window_bounds = array<i64: 512, 80>}, {pipeline_mode = #tpu.pipeline_mode<synchronous>, transform_indices = @transform_7, window_bounds = array<i64: 128, 80>}, {pipeline_mode = #tpu.pipeline_mode<synchronous>, transform_indices = @transform_8, window_bounds = array<i64: 512, 80>}, {pipeline_mode = #tpu.pipeline_mode<synchronous>, transform_indices = @transform_9, window_bounds = array<i64: 128, 320>}, {pipeline_mode = #tpu.pipeline_mode<synchronous>, transform_indices = @transform_10, window_bounds = array<i64: 512, 320>}, {pipeline_mode = #tpu.pipeline_mode<synchronous>, transform_indices = @transform_11, window_bounds = array<i64: 320, 128>}, {pipeline_mode = #tpu.pipeline_mode<synchronous>, transform_indices = @transform_12, window_bounds = array<i64: 320, 512>}, {pipeline_mode = #tpu.pipeline_mode<synchronous>, transform_indices = @transform_13, window_bounds = array<i64: 128, 128>}, {pipeline_mode = #tpu.pipeline_mode<synchronous>, transform_indices = @transform_14, window_bounds = array<i64: 512, 128>}, {pipeline_mode = #tpu.pipeline_mode<synchronous>, transform_indices = @transform_15, window_bounds = array<i64: 1, 128>}, {pipeline_mode = #tpu.pipeline_mode<synchronous>, transform_indices = @transform_16, window_bounds = array<i64: 1, 1>}, {pipeline_mode = #tpu.pipeline_mode<synchronous>, transform_indices = @transform_17, window_bounds = array<i64: 128, 128>}, {pipeline_mode = #tpu.pipeline_mode<synchronous>, transform_indices = @transform_18, window_bounds = array<i64: 1, 128>}, {pipeline_mode = #tpu.pipeline_mode<synchronous>, transform_indices = @transform_19, window_bounds = array<i64: 128, 128>}, {pipeline_mode = #tpu.pipeline_mode<synchronous>, transform_indices = @transform_20, window_bounds = array<i64: 1, 128>}, {pipeline_mode = #tpu.pipeline_mode<synchronous>, transform_indices = @transform_21, window_bounds = array<i64: 128, 14>}, {pipeline_mode = #tpu.pipeline_mode<synchronous>, transform_indices = @transform_22, window_bounds = array<i64: 1, 14>}, {transform_indices = @transform_23, window_bounds = array<i64: 1, 2048, 14>}]} {
    %get3A = arith.constant 0 : index
    %get3A_0 = arith.constant 0 : index
    %get3A_1 = arith.constant 0 : index
    %get3A_2 = vector.load %arg1[%get3A, %get3A_0, %get3A_1] : memref<1x2048x128xf32, #tpu.memory_space<vmem>>, vector<1x2048x128xf32>
    %get3A_3 = vector.shape_cast %get3A_2 : vector<1x2048x128xf32> to vector<2048x128xf32>
    %get3A_4 = arith.constant 0 : index
    %get3A_5 = arith.constant 0 : index
    %get3A_6 = vector.load %arg17[%get3A_4, %get3A_5] : memref<1x1xf32, #tpu.memory_space<vmem>>, vector<1x1xf32>
    %reduce_max3A = arith.constant dense<0xFF800000> : vector<128xf32>
    %reduce_max3A_7 = vector.multi_reduction <maximumf>, %get3A_3, %reduce_max3A [0] : vector<2048x128xf32> to vector<128xf32>
    %broadcast_in_dim3A = vector.shape_cast %reduce_max3A_7 : vector<128xf32> to vector<1x128xf32>
    %get3A_8 = arith.constant 0 : index
    %get3A_9 = arith.constant 0 : index
    %get3A_10 = vector.load %arg2[%get3A_8, %get3A_9] : memref<128x128xf32, #tpu.memory_space<vmem>>, vector<128x128xf32>
    %convert_element_type3A = arith.truncf %broadcast_in_dim3A : vector<1x128xf32> to vector<1x128xbf16>
    %convert_element_type3A_11 = arith.truncf %get3A_10 : vector<128x128xf32> to vector<128x128xbf16>
    %dot_general3A = arith.constant dense<0.000000e+00> : vector<1x128xf32>
    %dot_general3A_12 = tpu.matmul %convert_element_type3A, %convert_element_type3A_11, %dot_general3A {dimension_numbers = #tpu.dot_dimension_numbers<[1], [0], [0], [1], [0, 0, 1, 1], [], []>, transpose_lhs_hint = false} : vector<1x128xbf16>, vector<128x128xbf16>, vector<1x128xf32> -> vector<1x128xf32>
    %get3A_13 = arith.constant 0 : index
    %get3A_14 = arith.constant 0 : index
    %get3A_15 = vector.load %arg3[%get3A_13, %get3A_14] : memref<1x128xf32, #tpu.memory_space<vmem>>, vector<1x128xf32>
    %add3A = arith.addf %dot_general3A_12, %get3A_15 : vector<1x128xf32>
    %mul3A = arith.constant 0.999994993 : f32
    %mul3A_16 = vector.broadcast %mul3A : f32 to vector<1x128xf32>
    %mul3A_17 = arith.mulf %add3A, %mul3A_16 : vector<1x128xf32>
    %ge3A = arith.constant 0.000000e+00 : f32
    %ge3A_18 = vector.broadcast %ge3A : f32 to vector<1x128xf32>
    %ge3A_19 = arith.cmpf oge, %mul3A_17, %ge3A_18 : vector<1x128xf32>
    %mul3A_20 = arith.constant 0.00999999977 : f32
    %mul3A_21 = vector.broadcast %mul3A_20 : f32 to vector<1x128xf32>
    %mul3A_22 = arith.mulf %mul3A_21, %mul3A_17 : vector<1x128xf32>
    %select_n3A = arith.select %ge3A_19, %mul3A_17, %mul3A_22 : vector<1x128xi1>, vector<1x128xf32>
    %get3A_23 = arith.constant 0 : index
    %get3A_24 = arith.constant 0 : index
    %get3A_25 = vector.load %arg4[%get3A_23, %get3A_24] : memref<128x512xf32, #tpu.memory_space<vmem>>, vector<128x512xf32>
    %convert_element_type3A_26 = arith.truncf %select_n3A : vector<1x128xf32> to vector<1x128xbf16>
    %convert_element_type3A_27 = arith.truncf %get3A_25 : vector<128x512xf32> to vector<128x512xbf16>
    %dot_general3A_28 = arith.constant dense<0.000000e+00> : vector<1x512xf32>
    %dot_general3A_29 = tpu.matmul %convert_element_type3A_26, %convert_element_type3A_27, %dot_general3A_28 {dimension_numbers = #tpu.dot_dimension_numbers<[1], [0], [0], [1], [0, 0, 1, 1], [], []>, transpose_lhs_hint = false} : vector<1x128xbf16>, vector<128x512xbf16>, vector<1x512xf32> -> vector<1x512xf32>
    %get3A_30 = arith.constant 0 : index
    %get3A_31 = arith.constant 0 : index
    %get3A_32 = vector.load %arg5[%get3A_30, %get3A_31] : memref<1x512xf32, #tpu.memory_space<vmem>>, vector<1x512xf32>
    %add3A_33 = arith.addf %dot_general3A_29, %get3A_32 : vector<1x512xf32>
    %mul3A_34 = arith.constant 0.999994993 : f32
    %mul3A_35 = vector.broadcast %mul3A_34 : f32 to vector<1x512xf32>
    %mul3A_36 = arith.mulf %add3A_33, %mul3A_35 : vector<1x512xf32>
    %ge3A_37 = arith.constant 0.000000e+00 : f32
    %ge3A_38 = vector.broadcast %ge3A_37 : f32 to vector<1x512xf32>
    %ge3A_39 = arith.cmpf oge, %mul3A_36, %ge3A_38 : vector<1x512xf32>
    %mul3A_40 = arith.constant 0.00999999977 : f32
    %mul3A_41 = vector.broadcast %mul3A_40 : f32 to vector<1x512xf32>
    %mul3A_42 = arith.mulf %mul3A_41, %mul3A_36 : vector<1x512xf32>
    %select_n3A_43 = arith.select %ge3A_39, %mul3A_36, %mul3A_42 : vector<1x512xi1>, vector<1x512xf32>
    %get3A_44 = arith.constant 0 : index
    %get3A_45 = arith.constant 0 : index
    %get3A_46 = vector.load %arg6[%get3A_44, %get3A_45] : memref<128x80xf32, #tpu.memory_space<vmem>>, vector<128x80xf32>
    %convert_element_type3A_47 = arith.truncf %get3A_3 : vector<2048x128xf32> to vector<2048x128xbf16>
    %convert_element_type3A_48 = arith.truncf %get3A_46 : vector<128x80xf32> to vector<128x80xbf16>
    %dot_general3A_49 = arith.constant dense<0.000000e+00> : vector<2048x80xf32>
    %dot_general3A_50 = tpu.matmul %convert_element_type3A_47, %convert_element_type3A_48, %dot_general3A_49 {dimension_numbers = #tpu.dot_dimension_numbers<[1], [0], [0], [1], [0, 0, 1, 1], [], []>, transpose_lhs_hint = false} : vector<2048x128xbf16>, vector<128x80xbf16>, vector<2048x80xf32> -> vector<2048x80xf32>
    %get3A_51 = arith.constant 0 : index
    %get3A_52 = arith.constant 0 : index
    %get3A_53 = vector.load %arg7[%get3A_51, %get3A_52] : memref<512x80xf32, #tpu.memory_space<vmem>>, vector<512x80xf32>
    %convert_element_type3A_54 = arith.truncf %select_n3A_43 : vector<1x512xf32> to vector<1x512xbf16>
    %convert_element_type3A_55 = arith.truncf %get3A_53 : vector<512x80xf32> to vector<512x80xbf16>
    %dot_general3A_56 = arith.constant dense<0.000000e+00> : vector<1x80xf32>
    %dot_general3A_57 = tpu.matmul %convert_element_type3A_54, %convert_element_type3A_55, %dot_general3A_56 {dimension_numbers = #tpu.dot_dimension_numbers<[1], [0], [0], [1], [0, 0, 1, 1], [], []>, transpose_lhs_hint = false} : vector<1x512xbf16>, vector<512x80xbf16>, vector<1x80xf32> -> vector<1x80xf32>
    %add3A_58 = vector.broadcast %dot_general3A_57 : vector<1x80xf32> to vector<2048x80xf32>
    %add3A_59 = arith.addf %dot_general3A_50, %add3A_58 : vector<2048x80xf32>
    %get3A_60 = arith.constant 0 : index
    %get3A_61 = arith.constant 0 : index
    %get3A_62 = vector.load %arg8[%get3A_60, %get3A_61] : memref<128x80xf32, #tpu.memory_space<vmem>>, vector<128x80xf32>
    %convert_element_type3A_63 = arith.truncf %get3A_3 : vector<2048x128xf32> to vector<2048x128xbf16>
    %convert_element_type3A_64 = arith.truncf %get3A_62 : vector<128x80xf32> to vector<128x80xbf16>
    %dot_general3A_65 = arith.constant dense<0.000000e+00> : vector<2048x80xf32>
    %dot_general3A_66 = tpu.matmul %convert_element_type3A_63, %convert_element_type3A_64, %dot_general3A_65 {dimension_numbers = #tpu.dot_dimension_numbers<[1], [0], [0], [1], [0, 0, 1, 1], [], []>, transpose_lhs_hint = false} : vector<2048x128xbf16>, vector<128x80xbf16>, vector<2048x80xf32> -> vector<2048x80xf32>
    %get3A_67 = arith.constant 0 : index
    %get3A_68 = arith.constant 0 : index
    %get3A_69 = vector.load %arg9[%get3A_67, %get3A_68] : memref<512x80xf32, #tpu.memory_space<vmem>>, vector<512x80xf32>
    %convert_element_type3A_70 = arith.truncf %select_n3A_43 : vector<1x512xf32> to vector<1x512xbf16>
    %convert_element_type3A_71 = arith.truncf %get3A_69 : vector<512x80xf32> to vector<512x80xbf16>
    %dot_general3A_72 = arith.constant dense<0.000000e+00> : vector<1x80xf32>
    %dot_general3A_73 = tpu.matmul %convert_element_type3A_70, %convert_element_type3A_71, %dot_general3A_72 {dimension_numbers = #tpu.dot_dimension_numbers<[1], [0], [0], [1], [0, 0, 1, 1], [], []>, transpose_lhs_hint = false} : vector<1x512xbf16>, vector<512x80xbf16>, vector<1x80xf32> -> vector<1x80xf32>
    %add3A_74 = vector.broadcast %dot_general3A_73 : vector<1x80xf32> to vector<2048x80xf32>
    %add3A_75 = arith.addf %dot_general3A_66, %add3A_74 : vector<2048x80xf32>
    %get3A_76 = arith.constant 0 : index
    %get3A_77 = arith.constant 0 : index
    %get3A_78 = vector.load %arg10[%get3A_76, %get3A_77] : memref<128x320xf32, #tpu.memory_space<vmem>>, vector<128x320xf32>
    %convert_element_type3A_79 = arith.truncf %get3A_3 : vector<2048x128xf32> to vector<2048x128xbf16>
    %convert_element_type3A_80 = arith.truncf %get3A_78 : vector<128x320xf32> to vector<128x320xbf16>
    %dot_general3A_81 = arith.constant dense<0.000000e+00> : vector<2048x320xf32>
    %dot_general3A_82 = tpu.matmul %convert_element_type3A_79, %convert_element_type3A_80, %dot_general3A_81 {dimension_numbers = #tpu.dot_dimension_numbers<[1], [0], [0], [1], [0, 0, 1, 1], [], []>, transpose_lhs_hint = false} : vector<2048x128xbf16>, vector<128x320xbf16>, vector<2048x320xf32> -> vector<2048x320xf32>
    %get3A_83 = arith.constant 0 : index
    %get3A_84 = arith.constant 0 : index
    %get3A_85 = vector.load %arg11[%get3A_83, %get3A_84] : memref<512x320xf32, #tpu.memory_space<vmem>>, vector<512x320xf32>
    %convert_element_type3A_86 = arith.truncf %select_n3A_43 : vector<1x512xf32> to vector<1x512xbf16>
    %convert_element_type3A_87 = arith.truncf %get3A_85 : vector<512x320xf32> to vector<512x320xbf16>
    %dot_general3A_88 = arith.constant dense<0.000000e+00> : vector<1x320xf32>
    %dot_general3A_89 = tpu.matmul %convert_element_type3A_86, %convert_element_type3A_87, %dot_general3A_88 {dimension_numbers = #tpu.dot_dimension_numbers<[1], [0], [0], [1], [0, 0, 1, 1], [], []>, transpose_lhs_hint = false} : vector<1x512xbf16>, vector<512x320xbf16>, vector<1x320xf32> -> vector<1x320xf32>
    %add3A_90 = vector.broadcast %dot_general3A_89 : vector<1x320xf32> to vector<2048x320xf32>
    %add3A_91 = arith.addf %dot_general3A_82, %add3A_90 : vector<2048x320xf32>
    %convert_element_type3A_92 = arith.truncf %add3A_59 : vector<2048x80xf32> to vector<2048x80xbf16>
    %convert_element_type3A_93 = arith.truncf %add3A_75 : vector<2048x80xf32> to vector<2048x80xbf16>
    %dot_general3A_94 = arith.constant dense<0.000000e+00> : vector<2048x2048xf32>
    %dot_general3A_95 = tpu.matmul %convert_element_type3A_92, %convert_element_type3A_93, %dot_general3A_94 {dimension_numbers = #tpu.dot_dimension_numbers<[1], [1], [0], [0], [0, 0, 1, 0], [], []>, transpose_lhs_hint = false} : vector<2048x80xbf16>, vector<2048x80xbf16>, vector<2048x2048xf32> -> vector<2048x2048xf32>
    %reduce_max3A_96 = arith.constant dense<0xFF800000> : vector<2048xf32>
    %reduce_max3A_97 = vector.multi_reduction <maximumf>, %dot_general3A_95, %reduce_max3A_96 [1] : vector<2048x2048xf32> to vector<2048xf32>
    %broadcast_in_dim3A_98 = vector.shape_cast %reduce_max3A_97 : vector<2048xf32> to vector<2048x1xf32>
    %sub3A = vector.broadcast %broadcast_in_dim3A_98 : vector<2048x1xf32> to vector<2048x2048xf32>
    %sub3A_99 = arith.subf %dot_general3A_95, %sub3A : vector<2048x2048xf32>
    %exp3A = math.exp %sub3A_99 : vector<2048x2048xf32>
    %reduce_sum3A = arith.constant dense<0.000000e+00> : vector<2048xf32>
    %reduce_sum3A_100 = vector.multi_reduction <add>, %exp3A, %reduce_sum3A [1] : vector<2048x2048xf32> to vector<2048xf32>
    %broadcast_in_dim3A_101 = vector.shape_cast %reduce_sum3A_100 : vector<2048xf32> to vector<2048x1xf32>
    %div3A = vector.broadcast %broadcast_in_dim3A_101 : vector<2048x1xf32> to vector<2048x2048xf32>
    %div3A_102 = arith.divf %exp3A, %div3A : vector<2048x2048xf32>
    %convert_element_type3A_103 = arith.truncf %div3A_102 : vector<2048x2048xf32> to vector<2048x2048xbf16>
    %convert_element_type3A_104 = arith.truncf %add3A_91 : vector<2048x320xf32> to vector<2048x320xbf16>
    %dot_general3A_105 = arith.constant dense<0.000000e+00> : vector<2048x320xf32>
    %dot_general3A_106 = tpu.matmul %convert_element_type3A_103, %convert_element_type3A_104, %dot_general3A_105 {dimension_numbers = #tpu.dot_dimension_numbers<[1], [0], [0], [1], [0, 0, 1, 1], [], []>, transpose_lhs_hint = false} : vector<2048x2048xbf16>, vector<2048x320xbf16>, vector<2048x320xf32> -> vector<2048x320xf32>
    %get3A_107 = arith.constant 0 : index
    %get3A_108 = arith.constant 0 : index
    %get3A_109 = vector.load %arg12[%get3A_107, %get3A_108] : memref<320x128xf32, #tpu.memory_space<vmem>>, vector<320x128xf32>
    %convert_element_type3A_110 = arith.truncf %dot_general3A_106 : vector<2048x320xf32> to vector<2048x320xbf16>
    %convert_element_type3A_111 = arith.truncf %get3A_109 : vector<320x128xf32> to vector<320x128xbf16>
    %dot_general3A_112 = arith.constant dense<0.000000e+00> : vector<2048x128xf32>
    %dot_general3A_113 = tpu.matmul %convert_element_type3A_110, %convert_element_type3A_111, %dot_general3A_112 {dimension_numbers = #tpu.dot_dimension_numbers<[1], [0], [0], [1], [0, 0, 1, 1], [], []>, transpose_lhs_hint = false} : vector<2048x320xbf16>, vector<320x128xbf16>, vector<2048x128xf32> -> vector<2048x128xf32>
    %mul3A_114 = vector.broadcast %get3A_6 : vector<1x1xf32> to vector<2048x128xf32>
    %mul3A_115 = arith.mulf %mul3A_114, %dot_general3A_113 : vector<2048x128xf32>
    %add3A_116 = arith.addf %mul3A_115, %get3A_3 : vector<2048x128xf32>
    %get3A_117 = arith.constant 0 : index
    %get3A_118 = arith.constant 0 : index
    %get3A_119 = vector.load %arg13[%get3A_117, %get3A_118] : memref<320x512xf32, #tpu.memory_space<vmem>>, vector<320x512xf32>
    %convert_element_type3A_120 = arith.truncf %dot_general3A_106 : vector<2048x320xf32> to vector<2048x320xbf16>
    %convert_element_type3A_121 = arith.truncf %get3A_119 : vector<320x512xf32> to vector<320x512xbf16>
    %dot_general3A_122 = arith.constant dense<0.000000e+00> : vector<2048x512xf32>
    %dot_general3A_123 = tpu.matmul %convert_element_type3A_120, %convert_element_type3A_121, %dot_general3A_122 {dimension_numbers = #tpu.dot_dimension_numbers<[1], [0], [0], [1], [0, 0, 1, 1], [], []>, transpose_lhs_hint = false} : vector<2048x320xbf16>, vector<320x512xbf16>, vector<2048x512xf32> -> vector<2048x512xf32>
    %mul3A_124 = vector.broadcast %get3A_6 : vector<1x1xf32> to vector<2048x512xf32>
    %mul3A_125 = arith.mulf %mul3A_124, %dot_general3A_123 : vector<2048x512xf32>
    %broadcast_in_dim3A_126 = vector.shape_cast %select_n3A_43 : vector<1x512xf32> to vector<1x512xf32>
    %broadcast_in_dim3A_127 = vector.broadcast %broadcast_in_dim3A_126 : vector<1x512xf32> to vector<2048x512xf32>
    %add3A_128 = arith.addf %mul3A_125, %broadcast_in_dim3A_127 : vector<2048x512xf32>
    %get3A_129 = arith.constant 0 : index
    %get3A_130 = arith.constant 0 : index
    %get3A_131 = vector.load %arg14[%get3A_129, %get3A_130] : memref<128x128xf32, #tpu.memory_space<vmem>>, vector<128x128xf32>
    %convert_element_type3A_132 = arith.truncf %add3A_116 : vector<2048x128xf32> to vector<2048x128xbf16>
    %convert_element_type3A_133 = arith.truncf %get3A_131 : vector<128x128xf32> to vector<128x128xbf16>
    %dot_general3A_134 = arith.constant dense<0.000000e+00> : vector<2048x128xf32>
    %dot_general3A_135 = tpu.matmul %convert_element_type3A_132, %convert_element_type3A_133, %dot_general3A_134 {dimension_numbers = #tpu.dot_dimension_numbers<[1], [0], [0], [1], [0, 0, 1, 1], [], []>, transpose_lhs_hint = false} : vector<2048x128xbf16>, vector<128x128xbf16>, vector<2048x128xf32> -> vector<2048x128xf32>
    %get3A_136 = arith.constant 0 : index
    %get3A_137 = arith.constant 0 : index
    %get3A_138 = vector.load %arg15[%get3A_136, %get3A_137] : memref<512x128xf32, #tpu.memory_space<vmem>>, vector<512x128xf32>
    %convert_element_type3A_139 = arith.truncf %add3A_128 : vector<2048x512xf32> to vector<2048x512xbf16>
    %convert_element_type3A_140 = arith.truncf %get3A_138 : vector<512x128xf32> to vector<512x128xbf16>
    %dot_general3A_141 = arith.constant dense<0.000000e+00> : vector<2048x128xf32>
    %dot_general3A_142 = tpu.matmul %convert_element_type3A_139, %convert_element_type3A_140, %dot_general3A_141 {dimension_numbers = #tpu.dot_dimension_numbers<[1], [0], [0], [1], [0, 0, 1, 1], [], []>, transpose_lhs_hint = false} : vector<2048x512xbf16>, vector<512x128xbf16>, vector<2048x128xf32> -> vector<2048x128xf32>
    %add3A_143 = arith.addf %dot_general3A_135, %dot_general3A_142 : vector<2048x128xf32>
    %get3A_144 = arith.constant 0 : index
    %get3A_145 = arith.constant 0 : index
    %get3A_146 = vector.load %arg16[%get3A_144, %get3A_145] : memref<1x128xf32, #tpu.memory_space<vmem>>, vector<1x128xf32>
    %add3A_147 = vector.broadcast %get3A_146 : vector<1x128xf32> to vector<2048x128xf32>
    %add3A_148 = arith.addf %add3A_143, %add3A_147 : vector<2048x128xf32>
    %logistic3A = arith.negf %add3A_148 : vector<2048x128xf32>
    %logistic3A_149 = math.exp %logistic3A : vector<2048x128xf32>
    %logistic3A_150 = arith.constant 1.000000e+00 : f32
    %logistic3A_151 = vector.broadcast %logistic3A_150 : f32 to vector<2048x128xf32>
    %logistic3A_152 = arith.addf %logistic3A_151, %logistic3A_149 : vector<2048x128xf32>
    %logistic3A_153 = arith.divf %logistic3A_151, %logistic3A_152 : vector<2048x128xf32>
    %mul3A_154 = arith.mulf %add3A_148, %logistic3A_153 : vector<2048x128xf32>
    %get3A_155 = arith.constant 0 : index
    %get3A_156 = arith.constant 0 : index
    %get3A_157 = vector.load %arg18[%get3A_155, %get3A_156] : memref<128x128xf32, #tpu.memory_space<vmem>>, vector<128x128xf32>
    %convert_element_type3A_158 = arith.truncf %mul3A_154 : vector<2048x128xf32> to vector<2048x128xbf16>
    %convert_element_type3A_159 = arith.truncf %get3A_157 : vector<128x128xf32> to vector<128x128xbf16>
    %dot_general3A_160 = arith.constant dense<0.000000e+00> : vector<2048x128xf32>
    %dot_general3A_161 = tpu.matmul %convert_element_type3A_158, %convert_element_type3A_159, %dot_general3A_160 {dimension_numbers = #tpu.dot_dimension_numbers<[1], [0], [0], [1], [0, 0, 1, 1], [], []>, transpose_lhs_hint = false} : vector<2048x128xbf16>, vector<128x128xbf16>, vector<2048x128xf32> -> vector<2048x128xf32>
    %get3A_162 = arith.constant 0 : index
    %get3A_163 = arith.constant 0 : index
    %get3A_164 = vector.load %arg19[%get3A_162, %get3A_163] : memref<1x128xf32, #tpu.memory_space<vmem>>, vector<1x128xf32>
    %add3A_165 = vector.broadcast %get3A_164 : vector<1x128xf32> to vector<2048x128xf32>
    %add3A_166 = arith.addf %dot_general3A_161, %add3A_165 : vector<2048x128xf32>
    %logistic3A_167 = arith.negf %add3A_166 : vector<2048x128xf32>
    %logistic3A_168 = math.exp %logistic3A_167 : vector<2048x128xf32>
    %logistic3A_169 = arith.constant 1.000000e+00 : f32
    %logistic3A_170 = vector.broadcast %logistic3A_169 : f32 to vector<2048x128xf32>
    %logistic3A_171 = arith.addf %logistic3A_170, %logistic3A_168 : vector<2048x128xf32>
    %logistic3A_172 = arith.divf %logistic3A_170, %logistic3A_171 : vector<2048x128xf32>
    %mul3A_173 = arith.mulf %add3A_166, %logistic3A_172 : vector<2048x128xf32>
    %get3A_174 = arith.constant 0 : index
    %get3A_175 = arith.constant 0 : index
    %get3A_176 = vector.load %arg20[%get3A_174, %get3A_175] : memref<128x128xf32, #tpu.memory_space<vmem>>, vector<128x128xf32>
    %convert_element_type3A_177 = arith.truncf %mul3A_173 : vector<2048x128xf32> to vector<2048x128xbf16>
    %convert_element_type3A_178 = arith.truncf %get3A_176 : vector<128x128xf32> to vector<128x128xbf16>
    %dot_general3A_179 = arith.constant dense<0.000000e+00> : vector<2048x128xf32>
    %dot_general3A_180 = tpu.matmul %convert_element_type3A_177, %convert_element_type3A_178, %dot_general3A_179 {dimension_numbers = #tpu.dot_dimension_numbers<[1], [0], [0], [1], [0, 0, 1, 1], [], []>, transpose_lhs_hint = false} : vector<2048x128xbf16>, vector<128x128xbf16>, vector<2048x128xf32> -> vector<2048x128xf32>
    %get3A_181 = arith.constant 0 : index
    %get3A_182 = arith.constant 0 : index
    %get3A_183 = vector.load %arg21[%get3A_181, %get3A_182] : memref<1x128xf32, #tpu.memory_space<vmem>>, vector<1x128xf32>
    %add3A_184 = vector.broadcast %get3A_183 : vector<1x128xf32> to vector<2048x128xf32>
    %add3A_185 = arith.addf %dot_general3A_180, %add3A_184 : vector<2048x128xf32>
    %logistic3A_186 = arith.negf %add3A_185 : vector<2048x128xf32>
    %logistic3A_187 = math.exp %logistic3A_186 : vector<2048x128xf32>
    %logistic3A_188 = arith.constant 1.000000e+00 : f32
    %logistic3A_189 = vector.broadcast %logistic3A_188 : f32 to vector<2048x128xf32>
    %logistic3A_190 = arith.addf %logistic3A_189, %logistic3A_187 : vector<2048x128xf32>
    %logistic3A_191 = arith.divf %logistic3A_189, %logistic3A_190 : vector<2048x128xf32>
    %mul3A_192 = arith.mulf %add3A_185, %logistic3A_191 : vector<2048x128xf32>
    %get3A_193 = arith.constant 0 : index
    %get3A_194 = arith.constant 0 : index
    %get3A_195 = vector.load %arg22[%get3A_193, %get3A_194] : memref<128x14xf32, #tpu.memory_space<vmem>>, vector<128x14xf32>
    %convert_element_type3A_196 = arith.truncf %mul3A_192 : vector<2048x128xf32> to vector<2048x128xbf16>
    %convert_element_type3A_197 = arith.truncf %get3A_195 : vector<128x14xf32> to vector<128x14xbf16>
    %dot_general3A_198 = arith.constant dense<0.000000e+00> : vector<2048x14xf32>
    %dot_general3A_199 = tpu.matmul %convert_element_type3A_196, %convert_element_type3A_197, %dot_general3A_198 {dimension_numbers = #tpu.dot_dimension_numbers<[1], [0], [0], [1], [0, 0, 1, 1], [], []>, transpose_lhs_hint = false} : vector<2048x128xbf16>, vector<128x14xbf16>, vector<2048x14xf32> -> vector<2048x14xf32>
    %get3A_200 = arith.constant 0 : index
    %get3A_201 = arith.constant 0 : index
    %get3A_202 = vector.load %arg23[%get3A_200, %get3A_201] : memref<1x14xf32, #tpu.memory_space<vmem>>, vector<1x14xf32>
    %add3A_203 = vector.broadcast %get3A_202 : vector<1x14xf32> to vector<2048x14xf32>
    %add3A_204 = arith.addf %dot_general3A_199, %add3A_203 : vector<2048x14xf32>
    %iota3A = tpu.iota {dimensions = array<i32: 1>} : vector<2048x14xi32>
    %exp3A_205 = math.exp %add3A_204 : vector<2048x14xf32>
    %jit3A = arith.constant 0.000000e+00 : f32
    %jit3A_206 = arith.constant 2.000000e-02 : f32
    %max3A = vector.broadcast %jit3A : f32 to vector<2048x14xf32>
    %max3A_207 = arith.maximumf %max3A, %exp3A_205 : vector<2048x14xf32>
    %min3A = vector.broadcast %jit3A_206 : f32 to vector<2048x14xf32>
    %min3A_208 = arith.minimumf %min3A, %max3A_207 : vector<2048x14xf32>
    %mul3A_209 = arith.mulf %add3A_204, %add3A_204 : vector<2048x14xf32>
    %reduce_sum3A_210 = arith.constant dense<0.000000e+00> : vector<14xf32>
    %reduce_sum3A_211 = vector.multi_reduction <add>, %mul3A_209, %reduce_sum3A_210 [0] : vector<2048x14xf32> to vector<14xf32>
    %broadcast_in_dim3A_212 = vector.shape_cast %reduce_sum3A_211 : vector<14xf32> to vector<1x14xf32>
    %sqrt3A = math.sqrt %broadcast_in_dim3A_212 : vector<1x14xf32>
    %max3A_213 = arith.constant 9.99999996E-13 : f32
    %max3A_214 = vector.broadcast %max3A_213 : f32 to vector<1x14xf32>
    %max3A_215 = arith.maximumf %sqrt3A, %max3A_214 : vector<1x14xf32>
    %div3A_216 = vector.broadcast %max3A_215 : vector<1x14xf32> to vector<2048x14xf32>
    %div3A_217 = arith.divf %add3A_204, %div3A_216 : vector<2048x14xf32>
    %logistic3A_218 = arith.negf %add3A_204 : vector<2048x14xf32>
    %logistic3A_219 = math.exp %logistic3A_218 : vector<2048x14xf32>
    %logistic3A_220 = arith.constant 1.000000e+00 : f32
    %logistic3A_221 = vector.broadcast %logistic3A_220 : f32 to vector<2048x14xf32>
    %logistic3A_222 = arith.addf %logistic3A_221, %logistic3A_219 : vector<2048x14xf32>
    %logistic3A_223 = arith.divf %logistic3A_221, %logistic3A_222 : vector<2048x14xf32>
    %mul3A_224 = arith.constant 1.000000e-01 : f32
    %mul3A_225 = vector.broadcast %mul3A_224 : f32 to vector<2048x14xf32>
    %mul3A_226 = arith.mulf %add3A_204, %mul3A_225 : vector<2048x14xf32>
    %tanh3A = math.tanh %mul3A_226 : vector<2048x14xf32>
    %mul3A_227 = arith.constant 6.000000e-01 : f32
    %mul3A_228 = vector.broadcast %mul3A_227 : f32 to vector<2048x14xf32>
    %mul3A_229 = arith.mulf %tanh3A, %mul3A_228 : vector<2048x14xf32>
    %lt3A = arith.constant 3 : i32
    %lt3A_230 = vector.broadcast %lt3A : i32 to vector<2048x14xi32>
    %lt3A_231 = arith.cmpi slt, %iota3A, %lt3A_230 : vector<2048x14xi32>
    %lt3A_232 = arith.constant 7 : i32
    %lt3A_233 = vector.broadcast %lt3A_232 : i32 to vector<2048x14xi32>
    %lt3A_234 = arith.cmpi slt, %iota3A, %lt3A_233 : vector<2048x14xi32>
    %lt3A_235 = arith.constant 11 : i32
    %lt3A_236 = vector.broadcast %lt3A_235 : i32 to vector<2048x14xi32>
    %lt3A_237 = arith.cmpi slt, %iota3A, %lt3A_236 : vector<2048x14xi32>
    %select_n3A_238 = arith.select %lt3A_237, %logistic3A_223, %mul3A_229 : vector<2048x14xi1>, vector<2048x14xf32>
    %select_n3A_239 = arith.select %lt3A_234, %div3A_217, %select_n3A_238 : vector<2048x14xi1>, vector<2048x14xf32>
    %select_n3A_240 = arith.select %lt3A_231, %min3A_208, %select_n3A_239 : vector<2048x14xi1>, vector<2048x14xf32>
    %swap3A = arith.constant 0 : index
    %swap3A_241 = arith.constant 0 : index
    %swap3A_242 = arith.constant 0 : index
    %swap3A_243 = vector.load %arg24[%swap3A, %swap3A_241, %swap3A_242] : memref<1x2048x14xf32, #tpu.memory_space<vmem>>, vector<1x2048x14xf32>
    %swap3A_244 = vector.shape_cast %swap3A_243 : vector<1x2048x14xf32> to vector<2048x14xf32>
    %swap3A_245 = vector.shape_cast %select_n3A_240 : vector<2048x14xf32> to vector<1x2048x14xf32>
    tpu.vector_store %arg24[%swap3A, %swap3A_241, %swap3A_242], %swap3A_245 {strides = array<i32>} : memref<1x2048x14xf32, #tpu.memory_space<vmem>>, vector<1x2048x14xf32>,
    return
  }
  func.func @transform_0(%arg0: i32) -> (i32, i32, i32) {
    %c0_i32 = arith.constant 0 : i32
    %c0_i32_0 = arith.constant 0 : i32
    %c0_i32_1 = arith.constant 0 : i32
    return %arg0, %c0_i32, %c0_i32_0 : i32, i32, i32
  }
  func.func @transform_1(%arg0: i32) -> (i32, i32) {
    %c0_i32 = arith.constant 0 : i32
    %c0_i32_0 = arith.constant 0 : i32
    %c0_i32_1 = arith.constant 0 : i32
    return %c0_i32, %c0_i32_0 : i32, i32
  }
  func.func @transform_2(%arg0: i32) -> (i32, i32) {
    %c0_i32 = arith.constant 0 : i32
    %c0_i32_0 = arith.constant 0 : i32
    %c0_i32_1 = arith.constant 0 : i32
    return %c0_i32, %c0_i32_0 : i32, i32
  }
  func.func @transform_3(%arg0: i32) -> (i32, i32) {
    %c0_i32 = arith.constant 0 : i32
    %c0_i32_0 = arith.constant 0 : i32
    %c0_i32_1 = arith.constant 0 : i32
    return %c0_i32, %c0_i32_0 : i32, i32
  }
  func.func @transform_4(%arg0: i32) -> (i32, i32) {
    %c0_i32 = arith.constant 0 : i32
    %c0_i32_0 = arith.constant 0 : i32
    %c0_i32_1 = arith.constant 0 : i32
    return %c0_i32, %c0_i32_0 : i32, i32
  }
  func.func @transform_5(%arg0: i32) -> (i32, i32) {
    %c0_i32 = arith.constant 0 : i32
    %c0_i32_0 = arith.constant 0 : i32
    %c0_i32_1 = arith.constant 0 : i32
    return %c0_i32, %c0_i32_0 : i32, i32
  }
  func.func @transform_6(%arg0: i32) -> (i32, i32) {
    %c0_i32 = arith.constant 0 : i32
    %c0_i32_0 = arith.constant 0 : i32
    %c0_i32_1 = arith.constant 0 : i32
    return %c0_i32, %c0_i32_0 : i32, i32
  }
  func.func @transform_7(%arg0: i32) -> (i32, i32) {
    %c0_i32 = arith.constant 0 : i32
    %c0_i32_0 = arith.constant 0 : i32
    %c0_i32_1 = arith.constant 0 : i32
    return %c0_i32, %c0_i32_0 : i32, i32
  }
  func.func @transform_8(%arg0: i32) -> (i32, i32) {
    %c0_i32 = arith.constant 0 : i32
    %c0_i32_0 = arith.constant 0 : i32
    %c0_i32_1 = arith.constant 0 : i32
    return %c0_i32, %c0_i32_0 : i32, i32
  }
  func.func @transform_9(%arg0: i32) -> (i32, i32) {
    %c0_i32 = arith.constant 0 : i32
    %c0_i32_0 = arith.constant 0 : i32
    %c0_i32_1 = arith.constant 0 : i32
    return %c0_i32, %c0_i32_0 : i32, i32
  }
  func.func @transform_10(%arg0: i32) -> (i32, i32) {
    %c0_i32 = arith.constant 0 : i32
    %c0_i32_0 = arith.constant 0 : i32
    %c0_i32_1 = arith.constant 0 : i32
    return %c0_i32, %c0_i32_0 : i32, i32
  }
  func.func @transform_11(%arg0: i32) -> (i32, i32) {
    %c0_i32 = arith.constant 0 : i32
    %c0_i32_0 = arith.constant 0 : i32
    %c0_i32_1 = arith.constant 0 : i32
    return %c0_i32, %c0_i32_0 : i32, i32
  }
  func.func @transform_12(%arg0: i32) -> (i32, i32) {
    %c0_i32 = arith.constant 0 : i32
    %c0_i32_0 = arith.constant 0 : i32
    %c0_i32_1 = arith.constant 0 : i32
    return %c0_i32, %c0_i32_0 : i32, i32
  }
  func.func @transform_13(%arg0: i32) -> (i32, i32) {
    %c0_i32 = arith.constant 0 : i32
    %c0_i32_0 = arith.constant 0 : i32
    %c0_i32_1 = arith.constant 0 : i32
    return %c0_i32, %c0_i32_0 : i32, i32
  }
  func.func @transform_14(%arg0: i32) -> (i32, i32) {
    %c0_i32 = arith.constant 0 : i32
    %c0_i32_0 = arith.constant 0 : i32
    %c0_i32_1 = arith.constant 0 : i32
    return %c0_i32, %c0_i32_0 : i32, i32
  }
  func.func @transform_15(%arg0: i32) -> (i32, i32) {
    %c0_i32 = arith.constant 0 : i32
    %c0_i32_0 = arith.constant 0 : i32
    %c0_i32_1 = arith.constant 0 : i32
    return %c0_i32, %c0_i32_0 : i32, i32
  }
  func.func @transform_16(%arg0: i32) -> (i32, i32) {
    %c0_i32 = arith.constant 0 : i32
    %c0_i32_0 = arith.constant 0 : i32
    %c0_i32_1 = arith.constant 0 : i32
    return %c0_i32, %c0_i32_0 : i32, i32
  }
  func.func @transform_17(%arg0: i32) -> (i32, i32) {
    %c0_i32 = arith.constant 0 : i32
    %c0_i32_0 = arith.constant 0 : i32
    %c0_i32_1 = arith.constant 0 : i32
    return %c0_i32, %c0_i32_0 : i32, i32
  }
  func.func @transform_18(%arg0: i32) -> (i32, i32) {
    %c0_i32 = arith.constant 0 : i32
    %c0_i32_0 = arith.constant 0 : i32
    %c0_i32_1 = arith.constant 0 : i32
    return %c0_i32, %c0_i32_0 : i32, i32
  }
  func.func @transform_19(%arg0: i32) -> (i32, i32) {
    %c0_i32 = arith.constant 0 : i32
    %c0_i32_0 = arith.constant 0 : i32
    %c0_i32_1 = arith.constant 0 : i32
    return %c0_i32, %c0_i32_0 : i32, i32
  }
  func.func @transform_20(%arg0: i32) -> (i32, i32) {
    %c0_i32 = arith.constant 0 : i32
    %c0_i32_0 = arith.constant 0 : i32
    %c0_i32_1 = arith.constant 0 : i32
    return %c0_i32, %c0_i32_0 : i32, i32
  }
  func.func @transform_21(%arg0: i32) -> (i32, i32) {
    %c0_i32 = arith.constant 0 : i32
    %c0_i32_0 = arith.constant 0 : i32
    %c0_i32_1 = arith.constant 0 : i32
    return %c0_i32, %c0_i32_0 : i32, i32
  }
  func.func @transform_22(%arg0: i32) -> (i32, i32) {
    %c0_i32 = arith.constant 0 : i32
    %c0_i32_0 = arith.constant 0 : i32
    %c0_i32_1 = arith.constant 0 : i32
    return %c0_i32, %c0_i32_0 : i32, i32
  }
  func.func @transform_23(%arg0: i32) -> (i32, i32, i32) {
    %c0_i32 = arith.constant 0 : i32
    %c0_i32_0 = arith.constant 0 : i32
    %c0_i32_1 = arith.constant 0 : i32
    return %arg0, %c0_i32, %c0_i32_0 : i32, i32, i32
  }
}

</mosaic_0001>

<sc_bundles>
// kernel: kernel.30.cloned.1.call-start
scs
__scs_entry_jumppad:
0x0: {  	(pc) =	sbr.rel $0x88, $3  }
0x1: {  	(tag) =	ssettag $0x0;
	lr =	simm.s32 $0x1  }
0x2: {  	[smem:$0x3F6A] =	sst lr;
	_ =	strace $0xD0000000  }
0x3: {  	_ = 	snop  }
0x4: {  	_ = 	snop  }
0x5: {  	_ = 	snop  }
0x6: {  	_ = 	snop  }
0x7: {  	_ = 	snop  }
__scs_overlays_trampoline_lowered:
0x8: {  	[smem:$0x3F79] =	sst s0  }
0x9: {  	[smem:$0x3F7A] =	sst s1  }
0xa: {  	[smem:$0x3F7B] =	sst s2  }
0xb: {  	[smem:$0x3F7C] =	sst s3  }
0xc: {  	[smem:$0x3F7D] =	sst s4  }
0xd: {  	[smem:$0x3F7E] =	sst s5  }
0xe: {  	[smem:$0x3F7F] =	sst s6  }
0xf: {  	[smem:$0x3F80] =	sst s7  }
0x10: {  	[smem:$0x3F81] =	sst s8  }
0x11: {  	[smem:$0x3F82] =	sst s9;
	s0 =	simm.s32 @!p0 $0x0  }
0x12: {  	s1 =	sld [smem:$0x3F68];
	s0 =	simm.s32 @p0 $0x1  }
0x13: {  	[smem:$0x3F83] =	sst s0;
	s0 =	simm.s32 @!p1 $0x0  }
0x14: {  	s2 =	sld [smem:$0x3F67];
	s0 =	simm.s32 @p1 $0x1  }
0x15: {  	[smem:$0x3F84] =	sst s0;
	s0 =	simm.s32 @!p2 $0x0  }
0x16: {  	s3 =	sld [smem:$0x3FDB];
	s0 =	simm.s32 @p2 $0x1  }
0x17: {  	s4 =	simm.s32 $0x1BF5;
	[smem:$0x3F86] =	sst s0  }
0x18: {  	s0 =	sld [smem:$0x3F69];
	_ =	swait.ge [sflag:s4], $0x0  }
0x19: {  	s7 =	sld [smem:$0x3F6A]  }
0x1a: {  	s8 =	sadd.s32 $0xFFFFE003, lr  }
0x1b: {  	s9 =	sadd.s32 $0xFFFFFEF7, lr;
	s5 =	simm.s32 $0xFFFFFFFF;
	p2 =	slt.u32 s8, $0xFFFFF086  }
0x1c: {  	p1 =	slt.u32 s9, $0xF7A;
	s5 =	simm.s32 @!p2 $0x0  }
0x1d: {  	s5 =	simm.s32 @p1 $0x1;
	p0 =	seq.s32 s7, s2  }
0x1e: {  	s7 =	smul.u32 @!p0 $0xF7A, s2;
	p2 =	seq.s32 @!p0 s5, $0x0  }
0x1f: {  	s9 =	smul.u32 $0xF7A, s1;
	s8 =	simm.s32 @!p0 $0x1BF5;
	p2 =	por !p2, p0  }
0x20: {  	[sflag:s8] =	ssyncset.s32 @!p0 $0xFFFFF086;
	s6 =	sadd.s32 @!p0 s3, s7;
	s7 =	simm.s32 @!p0 $0x108  }
0x21: {  	s3 =	sadd.s32 s3, s9;
	s6 =	sadd.s32 @!p0 $0x88, s6;
	s7 =	simm.s32 @p2 $0x1082  }
0x22: {  	[simem:s7], [sflag:s8] =	dma.local @!p0 [hbm:s6], $0xF7A  }
0x23: {  	s9 =	sor.u32 $0xD0000000, s2;
	s6 =	simm.s32 $0x108;
	_ =	swait.ge @!p0 [sflag:s8], $0x0  }
0x24: {  	s3 =	sadd.s32 $0x88, s3;
	s6 =	simm.s32 @!p1 $0x1082;
	[sflag:s4] =	ssyncset.s32 $0xFFFFF086  }
0x25: {  	[simem:s6], [sflag:s4] =	dma.local [hbm:s3], $0xF7A  }
0x26: {  	[smem:$0x3F6A] =	sst s1;
	(tag) =	ssettag s2;
	_ =	strace s9  }
0x27: {  	s1 =	sld [smem:$0x3F7A]  }
0x28: {  	s2 =	sld [smem:$0x3F7B]  }
0x29: {  	s4 =	sld [smem:$0x3F7D]  }
0x2a: {  	p0 =	seq.s32 s5, $0x0;
	s5 =	sld [smem:$0x3F7E]  }
0x2b: {  	s6 =	sld [smem:$0x3F7F]  }
0x2c: {  	s7 =	sld [smem:$0x3F80]  }
0x2d: {  	s3 =	simm.s32 $0x108;
	s8 =	sld [smem:$0x3F81]  }
0x2e: {  	s3 =	simm.s32 @!p0 $0x1082;
	s9 =	sld [smem:$0x3F82]  }
0x2f: {  	lr =	sadd.s32 s0, s3;
	s0 =	sld [smem:$0x3F79]  }
0x30: {  	s3 =	sld [smem:$0x3F7C]  }
0x31: {  	[smem:$0x3F85] =	sst s10  }
0x32: {  	s10 =	sld [smem:$0x3F83];
	_ =	sdelay $0x3  }
0x33: {  	p0 =	seq.s32 s10, $0x1;
	s10 =	sld [smem:$0x3F85];
	_ =	sdelay $0x3  }
0x34: {  	[smem:$0x3F85] =	sst s10  }
0x35: {  	s10 =	sld [smem:$0x3F84];
	_ =	sdelay $0x3  }
0x36: {  	p1 =	seq.s32 s10, $0x1;
	s10 =	sld [smem:$0x3F85];
	_ =	sdelay $0x3  }
0x37: {  	[smem:$0x3F85] =	sst s10  }
0x38: {  	s10 =	sld [smem:$0x3F86]  }
0x39: {  	_ = 	snop;
	(pc) =	sbr.ind lr, $3  }
0x3a: {  	_ = 	snop  }
0x3b: {  	_ = 	snop  }
0x3c: {  	p2 =	seq.s32 s10, $0x1;
	s10 =	sld [smem:$0x3F85]  }
0x3d: {  	_ =	shalt  }
0x3e: {  	_ =	shalt  }
0x3f: {  	_ =	shalt  }
0x40: {  	_ =	shalt  }
0x41: {  	_ =	shalt  }
0x42: {  	_ =	shalt  }
0x43: {  	_ =	shalt  }
0x44: {  	_ =	shalt  }
0x45: {  	_ =	shalt  }
0x46: {  	_ =	shalt  }
0x47: {  	_ =	shalt  }
0x48: {  	_ =	shalt  }
0x49: {  	_ =	shalt  }
0x4a: {  	_ =	shalt  }
0x4b: {  	_ =	shalt  }
0x4c: {  	_ =	shalt  }
0x4d: {  	_ =	shalt  }
0x4e: {  	_ =	shalt  }
0x4f: {  	_ =	shalt  }
0x50: {  	_ =	shalt  }
0x51: {  	_ =	shalt  }
0x52: {  	_ =	shalt  }
0x53: {  	_ =	shalt  }
0x54: {  	_ =	shalt  }
0x55: {  	_ =	shalt  }
0x56: {  	_ =	shalt  }
0x57: {  	_ =	shalt  }
0x58: {  	_ =	shalt  }
0x59: {  	_ =	shalt  }
0x5a: {  	_ =	shalt  }
0x5b: {  	_ =	shalt  }
0x5c: {  	_ =	shalt  }
0x5d: {  	_ =	shalt  }
0x5e: {  	_ =	shalt  }
0x5f: {  	_ =	shalt  }
0x60: {  	_ =	shalt  }
0x61: {  	_ =	shalt  }
0x62: {  	_ =	shalt  }
0x63: {  	_ =	shalt  }
0x64: {  	_ =	shalt  }
0x65: {  	_ =	shalt  }
0x66: {  	_ =	shalt  }
0x67: {  	_ =	shalt  }
0x68: {  	_ =	shalt  }
0x69: {  	_ =	shalt  }
0x6a: {  	_ =	shalt  }
0x6b: {  	_ =	shalt  }
0x6c: {  	_ =	shalt  }
0x6d: {  	_ =	shalt  }
0x6e: {  	_ =	shalt  }
0x6f: {  	_ =	shalt  }
0x70: {  	_ =	shalt  }
0x71: {  	_ =	shalt  }
0x72: {  	_ =	shalt  }
0x73: {  	_ =	shalt  }
0x74: {  	_ =	shalt  }
0x75: {  	_ =	shalt  }
0x76: {  	_ =	shalt  }
0x77: {  	_ =	shalt  }
0x78: {  	_ =	shalt  }
0x79: {  	_ =	shalt  }
0x7a: {  	_ =	shalt  }
0x7b: {  	_ =	shalt  }
0x7c: {  	_ =	shalt  }
0x7d: {  	_ =	shalt  }
0x7e: {  	_ =	shalt  }
0x7f: {  	_ =	shalt  }
0x80: {  	_ =	shalt  }
0x81: {  	_ =	shalt  }
0x82: {  	_ =	shalt  }
0x83: {  	_ =	shalt  }
0x84: {  	_ =	shalt  }
0x85: {  	_ =	shalt  }
0x86: {  	_ =	shalt  }
0x87: {  	_ =	shalt  }
.Lfunc_end0:
.L_simem_size_0:
called_computation_lowered:
.L_overlay_start_0:
0x88: {  	s2 =	sld [smem:$0x3FD9]  }
0x89: {  	s3 =	sld [smem:$0x3FFE];
	_ =	sdelay $0x1  }
0x8a: {  	s1 =	srdreg.scid  }
0x8b: {  	s0 =	sand.u32 $0x1, s1  }
0x8c: {  	s16 =	sshll.u32 s0, $0xA;
	s2 =	sadd.s32 s3, s2  }
0x8d: {  	s2 =	sadd.s32 s2, s16  }
0x8e: {  	[smem:$0x3F91] =	sst s2  }
0x8f: {  	_ = 	snop  }
0x90: {  	(tm) =	ssettm $0x1  }
0x91: {  	s17 =	sld [smem:$0x3FFB];
	_ =	sdelay $0x3  }
0x92: {  	_ =	strace s17  }
0x93: {  	s2 =	sld [smem:$0x3FFC];
	_ =	sdelay $0x3  }
0x94: {  	_ =	strace s2  }
0x95: {  	s2 =	sld [smem:$0x3FFD];
	_ =	sdelay $0x3  }
0x96: {  	_ =	strace s2  }
0x97: {  	_ =	strace $0x8FFFFFFF  }
0x98: {  	s18 =	sld [smem:$0x3FDB];
	_ =	sdelay $0x1  }
0x99: {  	s19 =	simm.s32 $_scs_section_size  }
0x9a: {  	s4 =	simm.s32 $_size__tile_overlayer_lowered;
	s5 =	simm.s32 $_tile_overlayer_lowered  }
0x9b: {  	s22 =	simm.s32 $0x1BFF;
	s21 =	sshll.u32 s5, $0x1;
	s2 =	sadd.s32 s19, s18  }
0x9c: {  	s6 =	simm.s32 $0x0;
	s20 =	sshll.u32 s4, $0x1;
	s4 =	sadd.s32 s21, s2  }
0x9d: {  	[timem:s6], [sflag:s22] =	dma.local [hbm:s4], s20  }
0x9e: {  	_ =	swait.ge [sflag:s22], s20  }
0x9f: {  	s3 =	ssub.s32 $0x0, s20;
	[sflag:s22] =	ssyncset.done $0x0  }
0xa0: {  	[sflag:s22] =	ssyncadd.s32 s3;
	_ =	sdelay $0x1  }
0xa1: {  	s23 =	simm.s32 $0x1B8B  }
0xa2: {  	_ =	swait.ge [sflag:s23], $0x1  }
0xa3: {  	[sflag:s23] =	ssyncset.done $0x0  }
0xa4: {  	s25 =	simm.s32 $0x1B8E;
	s24 =	sld [smem:$0x3FFE];
	[sflag:s23] =	ssyncadd.s32 $0xFFFFFFFF  }
0xa5: {  	s26 =	simm.s32 $execute0_lowered;
	[smem:$0x3FD2] =	sst s25  }
0xa6: {  	s4 =	sshll.u32 s26, $0x1;
	_ =	strace $0x80000046;
	[dreg:$0x1] =	wrdreg $0xFFFFFFFF  }
0xa7: {  	s28 =	simm.s32 $_size_execute0_lowered;
	s2 =	sadd.s32 s2, s4;
	[dreg:$0x0] =	wrdreg $0x0  }
0xa8: {  	s4 =	sshll.u32 s28, $0x1;
	[dreg:$0x2] =	wrdreg s2  }
0xa9: {  	[dreg:$0x3] =	wrdreg s4  }
0xaa: {  	[dreg:$0x4] =	wrdreg $0xC0  }
0xab: {  	_ =	task [dreg:s6], $0x5FFFF  }
0xac: {  	[dreg:$0x1] =	wrdreg $0xFFFFFFFF  }
0xad: {  	[dreg:$0x0] =	wrdreg $0x60  }
0xae: {  	[dreg:$0x2] =	wrdreg s24  }
0xaf: {  	[dreg:$0x3] =	wrdreg $0x9  }
0xb0: {  	_ =	task.clear_ibuf [dreg:s6], $0x4FFFF;
	_ =	strace $0x90000046  }
0xb1: {  	s29 =	simm.s32 $0x9;
	_ =	strace $0x80000048  }
0xb2: {  	_ =	swait.ge [sflag:s29], $0x1  }
0xb3: {  	[sflag:s29] =	ssyncadd.s32 $0xFFFFFFFF  }
0xb4: {  	_ =	strace $0x90000048  }
0xb5: {  	_ =	sfence  }
0xb6: {  	s30 =	sld [smem:$0x0];
	_ =	sdelay $0x2  }
0xb7: {  	s31 =	sshll.u32 s1, $0xD;
	s1 =	sshrl.u32 s1, $0x2  }
0xb8: {  	s3 =	sand.u32 $0x4000, s31;
	s1 =	sadd.s32 s1, s30  }
0xb9: {  	s0 =	sor.u32 s3, s0;
	s1 =	sshll.u32 s1, $0x11  }
0xba: {  	s0 =	sor.u32 s1, s0  }
0xbb: {  	s0 =	sadd.s32 $0x8F2B, s0  }
0xbc: {  	[sflag:s0] =	ssyncadd.remote.s32 $0x1  }
0xbd: {  	_ =	sfence.sel $0xFFFF  }
0xbe: {  	[dreg:$0x0] =	wrdreg $0xFFFFFFFF;
	(pc) =	sbr.abs _section_cstart, $3  }
0xbf: {  	[dreg:$0x1] =	wrdreg $0xFFFFFFFF  }
0xc0: {  	_ =	task.clear_ibuf [dreg:s6], $0x2FFFF;
	_ =	strace $0x9FFFFFFF  }
0xc1: {  	(tm) =	ssettm $0x7FFFFFFF  }
tec
execute0_lowered:
.L_overlay_start_1:
0x0: {  	(tag) =	ssettag $0x1  }
0x1: {  	s1 =	srdreg.scid  }
0x2: {  	s0 =	stileid.u32;
	s10 =	sand.u32 $0x1, s1  }
0x3: {  	s8 =	rddreg [dreg:$0x0];
	s3 =	sshll.u32 s0, $0xB;
	s4 =	sshll.u32 s10, $0xA  }
0x4: {  	s2 =	simm.s32 $0x0;
	s1 =	rddreg [dreg:$0x1];
	s9 =	sor.u32 s4, s3  }
0x5: {  	[smem:$0x7FF] =	sst s2;
	s11 =	sadd.s32 $0x27800, s8;
	s3 =	sshrl.u32 s9, $0x3  }
0x6: {  	_ =	strace $0x80000047;
	s4 =	sadd.s32 s11, s3;
	s3 =	simm.s32 $0x2  }
0x7: {  	[tilespmem:s2], [sflag:$0x2] =	stream.linear.gather [hbm4b:s4+s2], $0x200, $0x38;
	[tilespmem:$0x10200] =	vst v63  }
0x8: {  	_ =	swait.ge [sflag:s3], $0x200  }
0x9: {  	s6 =	simm.s32 $0x200;
	[sflag:s3] =	ssyncset.done $0x0  }
0xa: {  	s7 =	simm.s32 $0x1;
	s5 =	sadd.s32 $0x7800, s8;
	[sflag:s3] =	ssyncadd.s32 $0xFFFFFE00  }
0xb: {  	[tilespmem:s6], [sflag:$0x1] =	stream.indirect.gather [hbm4b:s5+s6], $0x80, s2, s6, $0xb8;
	[tilespmem:$0x10200] =	vst v63  }
0xc: {  	_ =	swait.ge [sflag:s7], $0x10000  }
0xd: {  	s12 =	sadd.s32 $0x88200, s8;
	s29 =	sshll.u32 s9, $0x4;
	[sflag:s7] =	ssyncset.done $0x0  }
0xe: {  	s8 =	sadd.s32 s12, s29;
	[sflag:s7] =	ssyncadd.s32 $0xFFFF0000  }
0xf: {  	[hbm4b:s8+s2] =	stream.linear.scatter [tilespmem:s6], [sflag:$0x2], $0x10000, $0x38;
	[tilespmem:$0x10200] =	vst v63  }
0x10: {  	s13 =	sor.u32 $0x200, s9;
	_ =	swait.ge [sflag:s3], $0x10000  }
0x11: {  	s9 =	sshrl.u32 s13, $0x3;
	[sflag:s3] =	ssyncset.done $0x0  }
0x12: {  	s10 =	ssub.s32 $0x2, s10;
	s9 =	sadd.s32 s11, s9;
	[sflag:s3] =	ssyncadd.s32 $0xFFFF0000  }
0x13: {  	[tilespmem:s2], [sflag:$0x2] =	stream.linear.gather [hbm4b:s9+s2], $0x200, $0x38;
	[tilespmem:$0x10200] =	vst v63  }
0x14: {  	s30 =	sshrl.u32 s10, $0x1;
	_ =	swait.ge [sflag:s3], $0x200  }
0x15: {  	s11 =	ssub.s32 s10, s30;
	[sflag:s3] =	ssyncset.done $0x0  }
0x16: {  	s11 =	smax.u32 s11, $0x1;
	[sflag:s3] =	ssyncadd.s32 $0xFFFFFE00  }
0x17: {  	[tilespmem:s6], [sflag:$0x1] =	stream.indirect.gather [hbm4b:s5+s6], $0x80, s2, s6, $0xb8;
	[tilespmem:$0x10200] =	vst v63  }
0x18: {  	p0 =	sne.s32 s11, $0x1;
	_ =	swait.ge [sflag:s7], $0x10000  }
.Ltmp0:
0x19: {  	s31 =	sshll.u32 s13, $0x4;
	[sflag:s7] =	ssyncset.done $0x0;
	(pc) =	sbr.rel @!p0 .LBB2_2-.Ltmp0, $4  }
0x1a: {  	s10 =	sadd.s32 s12, s31;
	[sflag:s7] =	ssyncadd.s32 $0xFFFF0000  }
0x1b: {  	[hbm4b:s10+s2] =	stream.linear.scatter [tilespmem:s6], [sflag:$0x2], $0x10000, $0x38;
	[tilespmem:$0x10200] =	vst v63  }
0x1c: {  	_ =	swait.ge [sflag:s3], $0x10000  }
0x1d: {  	s11 =	sadd.s32 $0xFFFFFFFF, s11;
	[sflag:s3] =	ssyncset.done $0x0  }
.LBB2_1:
0x1e: {  	p0 =	sne.s32 s11, $0x1;
	s11 =	sadd.s32 $0xFFFFFFFF, s11;
	[sflag:s3] =	ssyncadd.s32 $0xFFFF0000  }
0x1f: {  	[tilespmem:s2], [sflag:$0x2] =	stream.linear.gather [hbm4b:s4+s2], $0x200, $0x38;
	[tilespmem:$0x10200] =	vst v63  }
0x20: {  	_ =	swait.ge [sflag:s3], $0x200  }
0x21: {  	[sflag:s3] =	ssyncset.done $0x0  }
0x22: {  	[sflag:s3] =	ssyncadd.s32 $0xFFFFFE00  }
0x23: {  	[tilespmem:s6], [sflag:$0x1] =	stream.indirect.gather [hbm4b:s5+s6], $0x80, s2, s6, $0xb8;
	[tilespmem:$0x10200] =	vst v63  }
0x24: {  	_ =	swait.ge [sflag:s7], $0x10000  }
0x25: {  	[sflag:s7] =	ssyncset.done $0x0  }
0x26: {  	[sflag:s7] =	ssyncadd.s32 $0xFFFF0000  }
0x27: {  	[hbm4b:s8+s2] =	stream.linear.scatter [tilespmem:s6], [sflag:$0x2], $0x10000, $0x38;
	[tilespmem:$0x10200] =	vst v63  }
0x28: {  	_ =	swait.ge [sflag:s3], $0x10000  }
0x29: {  	[sflag:s3] =	ssyncset.done $0x0  }
0x2a: {  	[sflag:s3] =	ssyncadd.s32 $0xFFFF0000  }
0x2b: {  	[tilespmem:s2], [sflag:$0x2] =	stream.linear.gather [hbm4b:s9+s2], $0x200, $0x38;
	[tilespmem:$0x10200] =	vst v63  }
0x2c: {  	_ =	swait.ge [sflag:s3], $0x200  }
0x2d: {  	[sflag:s3] =	ssyncset.done $0x0  }
0x2e: {  	[sflag:s3] =	ssyncadd.s32 $0xFFFFFE00  }
0x2f: {  	[tilespmem:s6], [sflag:$0x1] =	stream.indirect.gather [hbm4b:s5+s6], $0x80, s2, s6, $0xb8;
	[tilespmem:$0x10200] =	vst v63  }
0x30: {  	_ =	swait.ge [sflag:s7], $0x10000  }
.Ltmp1:
0x31: {  	[sflag:s7] =	ssyncset.done $0x0;
	(pc) =	sbr.rel @p0 .LBB2_1-.Ltmp1, $4  }
0x32: {  	[sflag:s7] =	ssyncadd.s32 $0xFFFF0000  }
0x33: {  	[hbm4b:s10+s2] =	stream.linear.scatter [tilespmem:s6], [sflag:$0x2], $0x10000, $0x38;
	[tilespmem:$0x10200] =	vst v63  }
0x34: {  	_ =	swait.ge [sflag:s3], $0x10000  }
0x35: {  	[sflag:s3] =	ssyncset.done $0x0  }
.LBB2_2:
0x36: {  	[sflag:s3] =	ssyncadd.s32 $0xFFFF0000  }
0x37: {  	_ =	sfence.sel $0x180000  }
0x38: {  	[bflag:$0x0] =	sbarrier.arrive $0xFFFF  }
0x39: {  	p0 =	sne.s32 s0, $0x0;
	_ =	strace $0x90000047  }
0x3a: {  	s0 =	sadd.s32 @!p0 $0x100000, s1;
	[bflag:$0x2] =	sbarrier.arrive $0xFFFF  }
0x3b: {  	[sflag:s0] =	ssyncadd.tile.s32 @!p0 $0x1;
	_ =	shalt  }
.Lfunc_end2:
_tile_overlayer_lowered:
.L_overlay_start_2:
0x3c: {  	(tag) =	ssettag $0x2  }
0x3d: {  	s0 =	rddreg [dreg:$0x0];
	s2 =	stileid.u32  }
0x3e: {  	s1 =	rddreg [dreg:$0x1];
	p0 =	sne.s32 s2, $0x0  }
0x3f: {  	s3 =	rddreg [dreg:$0x2];
	[bflag:$0x3] =	sbarrier.arrive $0xFFFF;
	s2 =	simm.s32 @!p0 $0x1C02  }
0x40: {  	[timem:s3], [sflag:s2] =	dma.local @!p0 [hbm:s0], s1  }
0x41: {  	s0 =	simm.s32 @!p0 $0x2  }
0x42: {  	_ =	swait.ge @!p0 [sflag:s0], s1  }
0x43: {  	s1 =	ssub.s32 @!p0 $0x0, s1;
	[sflag:s0] =	ssyncset.done @!p0 $0x0  }
0x44: {  	[sflag:s0] =	ssyncadd.s32 @!p0 s1  }
0x45: {  	[bflag:$0x3] =	sbarrier.arrive $0xFFFF  }
0x46: {  	_ =	shalt  }

// kernel: kernel.33.cloned.1.call-start
scs
__scs_entry_jumppad:
0x0: {  	(pc) =	sbr.rel $0x88, $3  }
0x1: {  	(tag) =	ssettag $0x0;
	lr =	simm.s32 $0x1  }
0x2: {  	[smem:$0x3F6A] =	sst lr;
	_ =	strace $0xD0000000  }
0x3: {  	_ = 	snop  }
0x4: {  	_ = 	snop  }
0x5: {  	_ = 	snop  }
0x6: {  	_ = 	snop  }
0x7: {  	_ = 	snop  }
__scs_overlays_trampoline_lowered:
0x8: {  	[smem:$0x3F79] =	sst s0  }
0x9: {  	[smem:$0x3F7A] =	sst s1  }
0xa: {  	[smem:$0x3F7B] =	sst s2  }
0xb: {  	[smem:$0x3F7C] =	sst s3  }
0xc: {  	[smem:$0x3F7D] =	sst s4  }
0xd: {  	[smem:$0x3F7E] =	sst s5  }
0xe: {  	[smem:$0x3F7F] =	sst s6  }
0xf: {  	[smem:$0x3F80] =	sst s7  }
0x10: {  	[smem:$0x3F81] =	sst s8  }
0x11: {  	[smem:$0x3F82] =	sst s9;
	s0 =	simm.s32 @!p0 $0x0  }
0x12: {  	s1 =	sld [smem:$0x3F68];
	s0 =	simm.s32 @p0 $0x1  }
0x13: {  	[smem:$0x3F83] =	sst s0;
	s0 =	simm.s32 @!p1 $0x0  }
0x14: {  	s2 =	sld [smem:$0x3F67];
	s0 =	simm.s32 @p1 $0x1  }
0x15: {  	[smem:$0x3F84] =	sst s0;
	s0 =	simm.s32 @!p2 $0x0  }
0x16: {  	s3 =	sld [smem:$0x3FDB];
	s0 =	simm.s32 @p2 $0x1  }
0x17: {  	s4 =	simm.s32 $0x1BF5;
	[smem:$0x3F86] =	sst s0  }
0x18: {  	s0 =	sld [smem:$0x3F69];
	_ =	swait.ge [sflag:s4], $0x0  }
0x19: {  	s7 =	sld [smem:$0x3F6A]  }
0x1a: {  	s8 =	sadd.s32 $0xFFFFE003, lr  }
0x1b: {  	s9 =	sadd.s32 $0xFFFFFEF7, lr;
	s5 =	simm.s32 $0xFFFFFFFF;
	p2 =	slt.u32 s8, $0xFFFFF086  }
0x1c: {  	p1 =	slt.u32 s9, $0xF7A;
	s5 =	simm.s32 @!p2 $0x0  }
0x1d: {  	s5 =	simm.s32 @p1 $0x1;
	p0 =	seq.s32 s7, s2  }
0x1e: {  	s7 =	smul.u32 @!p0 $0xF7A, s2;
	p2 =	seq.s32 @!p0 s5, $0x0  }
0x1f: {  	s9 =	smul.u32 $0xF7A, s1;
	s8 =	simm.s32 @!p0 $0x1BF5;
	p2 =	por !p2, p0  }
0x20: {  	[sflag:s8] =	ssyncset.s32 @!p0 $0xFFFFF086;
	s6 =	sadd.s32 @!p0 s3, s7;
	s7 =	simm.s32 @!p0 $0x108  }
0x21: {  	s3 =	sadd.s32 s3, s9;
	s6 =	sadd.s32 @!p0 $0x88, s6;
	s7 =	simm.s32 @p2 $0x1082  }
0x22: {  	[simem:s7], [sflag:s8] =	dma.local @!p0 [hbm:s6], $0xF7A  }
0x23: {  	s9 =	sor.u32 $0xD0000000, s2;
	s6 =	simm.s32 $0x108;
	_ =	swait.ge @!p0 [sflag:s8], $0x0  }
0x24: {  	s3 =	sadd.s32 $0x88, s3;
	s6 =	simm.s32 @!p1 $0x1082;
	[sflag:s4] =	ssyncset.s32 $0xFFFFF086  }
0x25: {  	[simem:s6], [sflag:s4] =	dma.local [hbm:s3], $0xF7A  }
0x26: {  	[smem:$0x3F6A] =	sst s1;
	(tag) =	ssettag s2;
	_ =	strace s9  }
0x27: {  	s1 =	sld [smem:$0x3F7A]  }
0x28: {  	s2 =	sld [smem:$0x3F7B]  }
0x29: {  	s4 =	sld [smem:$0x3F7D]  }
0x2a: {  	p0 =	seq.s32 s5, $0x0;
	s5 =	sld [smem:$0x3F7E]  }
0x2b: {  	s6 =	sld [smem:$0x3F7F]  }
0x2c: {  	s7 =	sld [smem:$0x3F80]  }
0x2d: {  	s3 =	simm.s32 $0x108;
	s8 =	sld [smem:$0x3F81]  }
0x2e: {  	s3 =	simm.s32 @!p0 $0x1082;
	s9 =	sld [smem:$0x3F82]  }
0x2f: {  	lr =	sadd.s32 s0, s3;
	s0 =	sld [smem:$0x3F79]  }
0x30: {  	s3 =	sld [smem:$0x3F7C]  }
0x31: {  	[smem:$0x3F85] =	sst s10  }
0x32: {  	s10 =	sld [smem:$0x3F83];
	_ =	sdelay $0x3  }
0x33: {  	p0 =	seq.s32 s10, $0x1;
	s10 =	sld [smem:$0x3F85];
	_ =	sdelay $0x3  }
0x34: {  	[smem:$0x3F85] =	sst s10  }
0x35: {  	s10 =	sld [smem:$0x3F84];
	_ =	sdelay $0x3  }
0x36: {  	p1 =	seq.s32 s10, $0x1;
	s10 =	sld [smem:$0x3F85];
	_ =	sdelay $0x3  }
0x37: {  	[smem:$0x3F85] =	sst s10  }
0x38: {  	s10 =	sld [smem:$0x3F86]  }
0x39: {  	_ = 	snop;
	(pc) =	sbr.ind lr, $3  }
0x3a: {  	_ = 	snop  }
0x3b: {  	_ = 	snop  }
0x3c: {  	p2 =	seq.s32 s10, $0x1;
	s10 =	sld [smem:$0x3F85]  }
0x3d: {  	_ =	shalt  }
0x3e: {  	_ =	shalt  }
0x3f: {  	_ =	shalt  }
0x40: {  	_ =	shalt  }
0x41: {  	_ =	shalt  }
0x42: {  	_ =	shalt  }
0x43: {  	_ =	shalt  }
0x44: {  	_ =	shalt  }
0x45: {  	_ =	shalt  }
0x46: {  	_ =	shalt  }
0x47: {  	_ =	shalt  }
0x48: {  	_ =	shalt  }
0x49: {  	_ =	shalt  }
0x4a: {  	_ =	shalt  }
0x4b: {  	_ =	shalt  }
0x4c: {  	_ =	shalt  }
0x4d: {  	_ =	shalt  }
0x4e: {  	_ =	shalt  }
0x4f: {  	_ =	shalt  }
0x50: {  	_ =	shalt  }
0x51: {  	_ =	shalt  }
0x52: {  	_ =	shalt  }
0x53: {  	_ =	shalt  }
0x54: {  	_ =	shalt  }
0x55: {  	_ =	shalt  }
0x56: {  	_ =	shalt  }
0x57: {  	_ =	shalt  }
0x58: {  	_ =	shalt  }
0x59: {  	_ =	shalt  }
0x5a: {  	_ =	shalt  }
0x5b: {  	_ =	shalt  }
0x5c: {  	_ =	shalt  }
0x5d: {  	_ =	shalt  }
0x5e: {  	_ =	shalt  }
0x5f: {  	_ =	shalt  }
0x60: {  	_ =	shalt  }
0x61: {  	_ =	shalt  }
0x62: {  	_ =	shalt  }
0x63: {  	_ =	shalt  }
0x64: {  	_ =	shalt  }
0x65: {  	_ =	shalt  }
0x66: {  	_ =	shalt  }
0x67: {  	_ =	shalt  }
0x68: {  	_ =	shalt  }
0x69: {  	_ =	shalt  }
0x6a: {  	_ =	shalt  }
0x6b: {  	_ =	shalt  }
0x6c: {  	_ =	shalt  }
0x6d: {  	_ =	shalt  }
0x6e: {  	_ =	shalt  }
0x6f: {  	_ =	shalt  }
0x70: {  	_ =	shalt  }
0x71: {  	_ =	shalt  }
0x72: {  	_ =	shalt  }
0x73: {  	_ =	shalt  }
0x74: {  	_ =	shalt  }
0x75: {  	_ =	shalt  }
0x76: {  	_ =	shalt  }
0x77: {  	_ =	shalt  }
0x78: {  	_ =	shalt  }
0x79: {  	_ =	shalt  }
0x7a: {  	_ =	shalt  }
0x7b: {  	_ =	shalt  }
0x7c: {  	_ =	shalt  }
0x7d: {  	_ =	shalt  }
0x7e: {  	_ =	shalt  }
0x7f: {  	_ =	shalt  }
0x80: {  	_ =	shalt  }
0x81: {  	_ =	shalt  }
0x82: {  	_ =	shalt  }
0x83: {  	_ =	shalt  }
0x84: {  	_ =	shalt  }
0x85: {  	_ =	shalt  }
0x86: {  	_ =	shalt  }
0x87: {  	_ =	shalt  }
.Lfunc_end0:
.L_simem_size_0:
called_computation.1_lowered:
.L_overlay_start_0:
0x88: {  	s2 =	sld [smem:$0x3FD9]  }
0x89: {  	s3 =	sld [smem:$0x3FFE];
	_ =	sdelay $0x1  }
0x8a: {  	s1 =	srdreg.scid  }
0x8b: {  	s0 =	sand.u32 $0x1, s1  }
0x8c: {  	s17 =	sshll.u32 s0, $0xA;
	s2 =	sadd.s32 s3, s2  }
0x8d: {  	s2 =	sadd.s32 s2, s17  }
0x8e: {  	[smem:$0x3F91] =	sst s2  }
0x8f: {  	_ = 	snop  }
0x90: {  	(tm) =	ssettm $0x1  }
0x91: {  	s18 =	sld [smem:$0x3FFB];
	_ =	sdelay $0x3  }
0x92: {  	_ =	strace s18  }
0x93: {  	s2 =	sld [smem:$0x3FFC];
	_ =	sdelay $0x3  }
0x94: {  	_ =	strace s2  }
0x95: {  	s2 =	sld [smem:$0x3FFD];
	_ =	sdelay $0x3  }
0x96: {  	_ =	strace s2  }
0x97: {  	_ =	strace $0x8FFFFFFF  }
0x98: {  	s19 =	sld [smem:$0x3FDB];
	_ =	sdelay $0x1  }
0x99: {  	s20 =	simm.s32 $_scs_section_size  }
0x9a: {  	s4 =	simm.s32 $_size__tile_overlayer_lowered;
	s5 =	simm.s32 $_tile_overlayer_lowered  }
0x9b: {  	s6 =	simm.s32 $0x1BFF;
	s21 =	sshll.u32 s5, $0x1;
	s3 =	sadd.s32 s20, s19  }
0x9c: {  	s22 =	simm.s32 $0x0;
	s4 =	sshll.u32 s4, $0x1;
	s5 =	sadd.s32 s21, s3  }
0x9d: {  	[timem:s22], [sflag:s6] =	dma.local [hbm:s5], s4  }
0x9e: {  	_ =	swait.ge [sflag:s6], s4  }
0x9f: {  	s4 =	ssub.s32 $0x0, s4;
	[sflag:s6] =	ssyncset.done $0x0  }
0xa0: {  	[sflag:s6] =	ssyncadd.s32 s4;
	_ =	sdelay $0x1  }
0xa1: {  	s23 =	simm.s32 $0x1B8B  }
0xa2: {  	_ =	swait.ge [sflag:s23], $0x1  }
0xa3: {  	[sflag:s23] =	ssyncset.done $0x0  }
0xa4: {  	[sflag:s23] =	ssyncadd.s32 $0xFFFFFFFF  }
0xa5: {  	s4 =	sld [smem:$0x0]  }
0xa6: {  	s5 =	sand.u32 $0xFFFFFFFE, s1  }
0xa7: {  	p0 =	sne.s32 s1, s5  }
0xa8: {  	s5 =	sshll.u32 @p0 s5, $0xE  }
0xa9: {  	s5 =	sadd.s32 @p0 $0x11B8D, s5;
	s6 =	sshll.u32 @p0 s4, $0x11  }
0xaa: {  	s5 =	sor.u32 @p0 s6, s5  }
0xab: {  	[sflag:s5] =	ssyncadd.remote.s32 @p0 $0x1;
	_ =	sdelay $0x1  }
0xac: {  	s5 =	simm.s32 @p0 $0x1B8D  }
0xad: {  	_ =	swait.eq @p0 [sflag:s5], $0x1  }
0xae: {  	[sflag:s5] =	ssyncadd.s32 @p0 $0xFFFFFFFF  }
0xaf: {  	s6 =	sshll.u32 @!p0 s1, $0xE  }
0xb0: {  	s6 =	sor.u32 @!p0 $0x4000, s6;
	s5 =	simm.s32 @!p0 $0x1B8D  }
0xb1: {  	s4 =	sshll.u32 @!p0 s4, $0x11;
	s6 =	sadd.s32 @!p0 $0x11B8D, s6;
	_ =	swait.eq @!p0 [sflag:s5], $0x1  }
0xb2: {  	s4 =	sor.u32 @!p0 s4, s6;
	[sflag:s5] =	ssyncadd.s32 @!p0 $0xFFFFFFFF  }
0xb3: {  	s25 =	simm.s32 $0x1B8E;
	s24 =	sld [smem:$0x3FFE];
	[sflag:s4] =	ssyncadd.remote.s32 @!p0 $0x1  }
0xb4: {  	s26 =	simm.s32 $execute0_lowered;
	[smem:$0x3FD2] =	sst s25  }
0xb5: {  	s5 =	sshll.u32 s26, $0x1;
	_ =	strace $0x80000049;
	[dreg:$0x1] =	wrdreg $0xFFFFFFFF  }
0xb6: {  	s28 =	simm.s32 $_size_execute0_lowered;
	s3 =	sadd.s32 s3, s5;
	[dreg:$0x0] =	wrdreg $0x0  }
0xb7: {  	s5 =	sshll.u32 s28, $0x1;
	[dreg:$0x2] =	wrdreg s3  }
0xb8: {  	[dreg:$0x3] =	wrdreg s5  }
0xb9: {  	[dreg:$0x4] =	wrdreg $0xC0  }
0xba: {  	_ =	task [dreg:s22], $0x5FFFF  }
0xbb: {  	[dreg:$0x1] =	wrdreg $0xFFFFFFFF  }
0xbc: {  	[dreg:$0x0] =	wrdreg $0x60  }
0xbd: {  	[dreg:$0x2] =	wrdreg s24  }
0xbe: {  	[dreg:$0x3] =	wrdreg $0xA  }
0xbf: {  	_ =	task.clear_ibuf [dreg:s22], $0x4FFFF;
	_ =	strace $0x90000049  }
0xc0: {  	s29 =	simm.s32 $0xA;
	_ =	strace $0x8000004B  }
0xc1: {  	_ =	swait.ge [sflag:s29], $0x1  }
0xc2: {  	[sflag:s29] =	ssyncadd.s32 $0xFFFFFFFF  }
0xc3: {  	_ =	strace $0x9000004B  }
0xc4: {  	_ =	sfence  }
0xc5: {  	s30 =	sld [smem:$0x0];
	_ =	sdelay $0x2  }
0xc6: {  	s31 =	sshll.u32 s1, $0xD;
	s1 =	sshrl.u32 s1, $0x2  }
0xc7: {  	s4 =	sand.u32 $0x4000, s31;
	s1 =	sadd.s32 s1, s30  }
0xc8: {  	s0 =	sor.u32 s4, s0;
	s1 =	sshll.u32 s1, $0x11  }
0xc9: {  	s0 =	sor.u32 s1, s0  }
0xca: {  	s0 =	sadd.s32 $0x8F2B, s0  }
0xcb: {  	[sflag:s0] =	ssyncadd.remote.s32 $0x1  }
0xcc: {  	_ =	sfence.sel $0xFFFF  }
0xcd: {  	[dreg:$0x0] =	wrdreg $0xFFFFFFFF;
	(pc) =	sbr.abs _section_cstart, $3  }
0xce: {  	[dreg:$0x1] =	wrdreg $0xFFFFFFFF  }
0xcf: {  	_ =	task.clear_ibuf [dreg:s22], $0x2FFFF;
	_ =	strace $0x9FFFFFFF  }
0xd0: {  	(tm) =	ssettm $0x7FFFFFFF  }
0xd1: {  	_ =	shalt  }
tec
execute0_lowered:
.L_overlay_start_1:
0x0: {  	(tag) =	ssettag $0x1  }
0x1: {  	s1 =	srdreg.scid  }
0x2: {  	s0 =	stileid.u32;
	s10 =	sand.u32 $0x1, s1  }
0x3: {  	s8 =	rddreg [dreg:$0x0];
	s3 =	sshll.u32 s0, $0xB;
	s4 =	sshll.u32 s10, $0xA  }
0x4: {  	s2 =	simm.s32 $0x0;
	s1 =	rddreg [dreg:$0x1];
	s9 =	sor.u32 s4, s3  }
0x5: {  	[smem:$0x7FF] =	sst s2;
	s11 =	sadd.s32 $0x28800, s8;
	s3 =	sshrl.u32 s9, $0x3  }
0x6: {  	_ =	strace $0x8000004A;
	s4 =	sadd.s32 s11, s3;
	s3 =	simm.s32 $0x2  }
0x7: {  	[tilespmem:s2], [sflag:$0x2] =	stream.linear.gather [hbm4b:s4+s2], $0x200, $0x38;
	[tilespmem:$0x10200] =	vst v63  }
0x8: {  	_ =	swait.ge [sflag:s3], $0x200  }
0x9: {  	s6 =	simm.s32 $0x200;
	[sflag:s3] =	ssyncset.done $0x0  }
0xa: {  	s7 =	simm.s32 $0x1;
	s5 =	sadd.s32 $0x17800, s8;
	[sflag:s3] =	ssyncadd.s32 $0xFFFFFE00  }
0xb: {  	[tilespmem:s6], [sflag:$0x1] =	stream.indirect.gather [hbm4b:s5+s6], $0x80, s2, s6, $0xb8;
	[tilespmem:$0x10200] =	vst v63  }
0xc: {  	_ =	swait.ge [sflag:s7], $0x10000  }
0xd: {  	s12 =	sadd.s32 $0x108200, s8;
	s29 =	sshll.u32 s9, $0x4;
	[sflag:s7] =	ssyncset.done $0x0  }
0xe: {  	s8 =	sadd.s32 s12, s29;
	[sflag:s7] =	ssyncadd.s32 $0xFFFF0000  }
0xf: {  	[hbm4b:s8+s2] =	stream.linear.scatter [tilespmem:s6], [sflag:$0x2], $0x10000, $0x38;
	[tilespmem:$0x10200] =	vst v63  }
0x10: {  	s13 =	sor.u32 $0x200, s9;
	_ =	swait.ge [sflag:s3], $0x10000  }
0x11: {  	s9 =	sshrl.u32 s13, $0x3;
	[sflag:s3] =	ssyncset.done $0x0  }
0x12: {  	s10 =	ssub.s32 $0x2, s10;
	s9 =	sadd.s32 s11, s9;
	[sflag:s3] =	ssyncadd.s32 $0xFFFF0000  }
0x13: {  	[tilespmem:s2], [sflag:$0x2] =	stream.linear.gather [hbm4b:s9+s2], $0x200, $0x38;
	[tilespmem:$0x10200] =	vst v63  }
0x14: {  	s30 =	sshrl.u32 s10, $0x1;
	_ =	swait.ge [sflag:s3], $0x200  }
0x15: {  	s11 =	ssub.s32 s10, s30;
	[sflag:s3] =	ssyncset.done $0x0  }
0x16: {  	s11 =	smax.u32 s11, $0x1;
	[sflag:s3] =	ssyncadd.s32 $0xFFFFFE00  }
0x17: {  	[tilespmem:s6], [sflag:$0x1] =	stream.indirect.gather [hbm4b:s5+s6], $0x80, s2, s6, $0xb8;
	[tilespmem:$0x10200] =	vst v63  }
0x18: {  	p0 =	sne.s32 s11, $0x1;
	_ =	swait.ge [sflag:s7], $0x10000  }
.Ltmp0:
0x19: {  	s31 =	sshll.u32 s13, $0x4;
	[sflag:s7] =	ssyncset.done $0x0;
	(pc) =	sbr.rel @!p0 .LBB2_2-.Ltmp0, $4  }
0x1a: {  	s10 =	sadd.s32 s12, s31;
	[sflag:s7] =	ssyncadd.s32 $0xFFFF0000  }
0x1b: {  	[hbm4b:s10+s2] =	stream.linear.scatter [tilespmem:s6], [sflag:$0x2], $0x10000, $0x38;
	[tilespmem:$0x10200] =	vst v63  }
0x1c: {  	_ =	swait.ge [sflag:s3], $0x10000  }
0x1d: {  	s11 =	sadd.s32 $0xFFFFFFFF, s11;
	[sflag:s3] =	ssyncset.done $0x0  }
.LBB2_1:
0x1e: {  	p0 =	sne.s32 s11, $0x1;
	s11 =	sadd.s32 $0xFFFFFFFF, s11;
	[sflag:s3] =	ssyncadd.s32 $0xFFFF0000  }
0x1f: {  	[tilespmem:s2], [sflag:$0x2] =	stream.linear.gather [hbm4b:s4+s2], $0x200, $0x38;
	[tilespmem:$0x10200] =	vst v63  }
0x20: {  	_ =	swait.ge [sflag:s3], $0x200  }
0x21: {  	[sflag:s3] =	ssyncset.done $0x0  }
0x22: {  	[sflag:s3] =	ssyncadd.s32 $0xFFFFFE00  }
0x23: {  	[tilespmem:s6], [sflag:$0x1] =	stream.indirect.gather [hbm4b:s5+s6], $0x80, s2, s6, $0xb8;
	[tilespmem:$0x10200] =	vst v63  }
0x24: {  	_ =	swait.ge [sflag:s7], $0x10000  }
0x25: {  	[sflag:s7] =	ssyncset.done $0x0  }
0x26: {  	[sflag:s7] =	ssyncadd.s32 $0xFFFF0000  }
0x27: {  	[hbm4b:s8+s2] =	stream.linear.scatter [tilespmem:s6], [sflag:$0x2], $0x10000, $0x38;
	[tilespmem:$0x10200] =	vst v63  }
0x28: {  	_ =	swait.ge [sflag:s3], $0x10000  }
0x29: {  	[sflag:s3] =	ssyncset.done $0x0  }
0x2a: {  	[sflag:s3] =	ssyncadd.s32 $0xFFFF0000  }
0x2b: {  	[tilespmem:s2], [sflag:$0x2] =	stream.linear.gather [hbm4b:s9+s2], $0x200, $0x38;
	[tilespmem:$0x10200] =	vst v63  }
0x2c: {  	_ =	swait.ge [sflag:s3], $0x200  }
0x2d: {  	[sflag:s3] =	ssyncset.done $0x0  }
0x2e: {  	[sflag:s3] =	ssyncadd.s32 $0xFFFFFE00  }
0x2f: {  	[tilespmem:s6], [sflag:$0x1] =	stream.indirect.gather [hbm4b:s5+s6], $0x80, s2, s6, $0xb8;
	[tilespmem:$0x10200] =	vst v63  }
0x30: {  	_ =	swait.ge [sflag:s7], $0x10000  }
.Ltmp1:
0x31: {  	[sflag:s7] =	ssyncset.done $0x0;
	(pc) =	sbr.rel @p0 .LBB2_1-.Ltmp1, $4  }
0x32: {  	[sflag:s7] =	ssyncadd.s32 $0xFFFF0000  }
0x33: {  	[hbm4b:s10+s2] =	stream.linear.scatter [tilespmem:s6], [sflag:$0x2], $0x10000, $0x38;
	[tilespmem:$0x10200] =	vst v63  }
0x34: {  	_ =	swait.ge [sflag:s3], $0x10000  }
0x35: {  	[sflag:s3] =	ssyncset.done $0x0  }
.LBB2_2:
0x36: {  	[sflag:s3] =	ssyncadd.s32 $0xFFFF0000  }
0x37: {  	_ =	sfence.sel $0x180000  }
0x38: {  	[bflag:$0x0] =	sbarrier.arrive $0xFFFF  }
0x39: {  	p0 =	sne.s32 s0, $0x0;
	_ =	strace $0x9000004A  }
0x3a: {  	s0 =	sadd.s32 @!p0 $0x100000, s1;
	[bflag:$0x2] =	sbarrier.arrive $0xFFFF  }
0x3b: {  	[sflag:s0] =	ssyncadd.tile.s32 @!p0 $0x1;
	_ =	shalt  }
.Lfunc_end2:
_tile_overlayer_lowered:
.L_overlay_start_2:
0x3c: {  	(tag) =	ssettag $0x2  }
0x3d: {  	s0 =	rddreg [dreg:$0x0];
	s2 =	stileid.u32  }
0x3e: {  	s1 =	rddreg [dreg:$0x1];
	p0 =	sne.s32 s2, $0x0  }
0x3f: {  	s3 =	rddreg [dreg:$0x2];
	[bflag:$0x3] =	sbarrier.arrive $0xFFFF;
	s2 =	simm.s32 @!p0 $0x1C02  }
0x40: {  	[timem:s3], [sflag:s2] =	dma.local @!p0 [hbm:s0], s1  }
0x41: {  	s0 =	simm.s32 @!p0 $0x2  }
0x42: {  	_ =	swait.ge @!p0 [sflag:s0], s1  }
0x43: {  	s1 =	ssub.s32 @!p0 $0x0, s1;
	[sflag:s0] =	ssyncset.done @!p0 $0x0  }
0x44: {  	[sflag:s0] =	ssyncadd.s32 @!p0 s1  }
0x45: {  	[bflag:$0x3] =	sbarrier.arrive $0xFFFF  }
0x46: {  	_ =	shalt  }

// kernel: kernel.36.cloned.1.call-start
scs
__scs_entry_jumppad:
0x0: {  	(pc) =	sbr.rel $0x88, $3  }
0x1: {  	(tag) =	ssettag $0x0;
	lr =	simm.s32 $0x1  }
0x2: {  	[smem:$0x3F6A] =	sst lr;
	_ =	strace $0xD0000000  }
0x3: {  	_ = 	snop  }
0x4: {  	_ = 	snop  }
0x5: {  	_ = 	snop  }
0x6: {  	_ = 	snop  }
0x7: {  	_ = 	snop  }
__scs_overlays_trampoline_lowered:
0x8: {  	[smem:$0x3F79] =	sst s0  }
0x9: {  	[smem:$0x3F7A] =	sst s1  }
0xa: {  	[smem:$0x3F7B] =	sst s2  }
0xb: {  	[smem:$0x3F7C] =	sst s3  }
0xc: {  	[smem:$0x3F7D] =	sst s4  }
0xd: {  	[smem:$0x3F7E] =	sst s5  }
0xe: {  	[smem:$0x3F7F] =	sst s6  }
0xf: {  	[smem:$0x3F80] =	sst s7  }
0x10: {  	[smem:$0x3F81] =	sst s8  }
0x11: {  	[smem:$0x3F82] =	sst s9;
	s0 =	simm.s32 @!p0 $0x0  }
0x12: {  	s1 =	sld [smem:$0x3F68];
	s0 =	simm.s32 @p0 $0x1  }
0x13: {  	[smem:$0x3F83] =	sst s0;
	s0 =	simm.s32 @!p1 $0x0  }
0x14: {  	s2 =	sld [smem:$0x3F67];
	s0 =	simm.s32 @p1 $0x1  }
0x15: {  	[smem:$0x3F84] =	sst s0;
	s0 =	simm.s32 @!p2 $0x0  }
0x16: {  	s3 =	sld [smem:$0x3FDB];
	s0 =	simm.s32 @p2 $0x1  }
0x17: {  	s4 =	simm.s32 $0x1BF5;
	[smem:$0x3F86] =	sst s0  }
0x18: {  	s0 =	sld [smem:$0x3F69];
	_ =	swait.ge [sflag:s4], $0x0  }
0x19: {  	s7 =	sld [smem:$0x3F6A]  }
0x1a: {  	s8 =	sadd.s32 $0xFFFFE003, lr  }
0x1b: {  	s9 =	sadd.s32 $0xFFFFFEF7, lr;
	s5 =	simm.s32 $0xFFFFFFFF;
	p2 =	slt.u32 s8, $0xFFFFF086  }
0x1c: {  	p1 =	slt.u32 s9, $0xF7A;
	s5 =	simm.s32 @!p2 $0x0  }
0x1d: {  	s5 =	simm.s32 @p1 $0x1;
	p0 =	seq.s32 s7, s2  }
0x1e: {  	s7 =	smul.u32 @!p0 $0xF7A, s2;
	p2 =	seq.s32 @!p0 s5, $0x0  }
0x1f: {  	s9 =	smul.u32 $0xF7A, s1;
	s8 =	simm.s32 @!p0 $0x1BF5;
	p2 =	por !p2, p0  }
0x20: {  	[sflag:s8] =	ssyncset.s32 @!p0 $0xFFFFF086;
	s6 =	sadd.s32 @!p0 s3, s7;
	s7 =	simm.s32 @!p0 $0x108  }
0x21: {  	s3 =	sadd.s32 s3, s9;
	s6 =	sadd.s32 @!p0 $0x88, s6;
	s7 =	simm.s32 @p2 $0x1082  }
0x22: {  	[simem:s7], [sflag:s8] =	dma.local @!p0 [hbm:s6], $0xF7A  }
0x23: {  	s9 =	sor.u32 $0xD0000000, s2;
	s6 =	simm.s32 $0x108;
	_ =	swait.ge @!p0 [sflag:s8], $0x0  }
0x24: {  	s3 =	sadd.s32 $0x88, s3;
	s6 =	simm.s32 @!p1 $0x1082;
	[sflag:s4] =	ssyncset.s32 $0xFFFFF086  }
0x25: {  	[simem:s6], [sflag:s4] =	dma.local [hbm:s3], $0xF7A  }
0x26: {  	[smem:$0x3F6A] =	sst s1;
	(tag) =	ssettag s2;
	_ =	strace s9  }
0x27: {  	s1 =	sld [smem:$0x3F7A]  }
0x28: {  	s2 =	sld [smem:$0x3F7B]  }
0x29: {  	s4 =	sld [smem:$0x3F7D]  }
0x2a: {  	p0 =	seq.s32 s5, $0x0;
	s5 =	sld [smem:$0x3F7E]  }
0x2b: {  	s6 =	sld [smem:$0x3F7F]  }
0x2c: {  	s7 =	sld [smem:$0x3F80]  }
0x2d: {  	s3 =	simm.s32 $0x108;
	s8 =	sld [smem:$0x3F81]  }
0x2e: {  	s3 =	simm.s32 @!p0 $0x1082;
	s9 =	sld [smem:$0x3F82]  }
0x2f: {  	lr =	sadd.s32 s0, s3;
	s0 =	sld [smem:$0x3F79]  }
0x30: {  	s3 =	sld [smem:$0x3F7C]  }
0x31: {  	[smem:$0x3F85] =	sst s10  }
0x32: {  	s10 =	sld [smem:$0x3F83];
	_ =	sdelay $0x3  }
0x33: {  	p0 =	seq.s32 s10, $0x1;
	s10 =	sld [smem:$0x3F85];
	_ =	sdelay $0x3  }
0x34: {  	[smem:$0x3F85] =	sst s10  }
0x35: {  	s10 =	sld [smem:$0x3F84];
	_ =	sdelay $0x3  }
0x36: {  	p1 =	seq.s32 s10, $0x1;
	s10 =	sld [smem:$0x3F85];
	_ =	sdelay $0x3  }
0x37: {  	[smem:$0x3F85] =	sst s10  }
0x38: {  	s10 =	sld [smem:$0x3F86]  }
0x39: {  	_ = 	snop;
	(pc) =	sbr.ind lr, $3  }
0x3a: {  	_ = 	snop  }
0x3b: {  	_ = 	snop  }
0x3c: {  	p2 =	seq.s32 s10, $0x1;
	s10 =	sld [smem:$0x3F85]  }
0x3d: {  	_ =	shalt  }
0x3e: {  	_ =	shalt  }
0x3f: {  	_ =	shalt  }
0x40: {  	_ =	shalt  }
0x41: {  	_ =	shalt  }
0x42: {  	_ =	shalt  }
0x43: {  	_ =	shalt  }
0x44: {  	_ =	shalt  }
0x45: {  	_ =	shalt  }
0x46: {  	_ =	shalt  }
0x47: {  	_ =	shalt  }
0x48: {  	_ =	shalt  }
0x49: {  	_ =	shalt  }
0x4a: {  	_ =	shalt  }
0x4b: {  	_ =	shalt  }
0x4c: {  	_ =	shalt  }
0x4d: {  	_ =	shalt  }
0x4e: {  	_ =	shalt  }
0x4f: {  	_ =	shalt  }
0x50: {  	_ =	shalt  }
0x51: {  	_ =	shalt  }
0x52: {  	_ =	shalt  }
0x53: {  	_ =	shalt  }
0x54: {  	_ =	shalt  }
0x55: {  	_ =	shalt  }
0x56: {  	_ =	shalt  }
0x57: {  	_ =	shalt  }
0x58: {  	_ =	shalt  }
0x59: {  	_ =	shalt  }
0x5a: {  	_ =	shalt  }
0x5b: {  	_ =	shalt  }
0x5c: {  	_ =	shalt  }
0x5d: {  	_ =	shalt  }
0x5e: {  	_ =	shalt  }
0x5f: {  	_ =	shalt  }
0x60: {  	_ =	shalt  }
0x61: {  	_ =	shalt  }
0x62: {  	_ =	shalt  }
0x63: {  	_ =	shalt  }
0x64: {  	_ =	shalt  }
0x65: {  	_ =	shalt  }
0x66: {  	_ =	shalt  }
0x67: {  	_ =	shalt  }
0x68: {  	_ =	shalt  }
0x69: {  	_ =	shalt  }
0x6a: {  	_ =	shalt  }
0x6b: {  	_ =	shalt  }
0x6c: {  	_ =	shalt  }
0x6d: {  	_ =	shalt  }
0x6e: {  	_ =	shalt  }
0x6f: {  	_ =	shalt  }
0x70: {  	_ =	shalt  }
0x71: {  	_ =	shalt  }
0x72: {  	_ =	shalt  }
0x73: {  	_ =	shalt  }
0x74: {  	_ =	shalt  }
0x75: {  	_ =	shalt  }
0x76: {  	_ =	shalt  }
0x77: {  	_ =	shalt  }
0x78: {  	_ =	shalt  }
0x79: {  	_ =	shalt  }
0x7a: {  	_ =	shalt  }
0x7b: {  	_ =	shalt  }
0x7c: {  	_ =	shalt  }
0x7d: {  	_ =	shalt  }
0x7e: {  	_ =	shalt  }
0x7f: {  	_ =	shalt  }
0x80: {  	_ =	shalt  }
0x81: {  	_ =	shalt  }
0x82: {  	_ =	shalt  }
0x83: {  	_ =	shalt  }
0x84: {  	_ =	shalt  }
0x85: {  	_ =	shalt  }
0x86: {  	_ =	shalt  }
0x87: {  	_ =	shalt  }
.Lfunc_end0:
.L_simem_size_0:
called_computation.2_lowered:
.L_overlay_start_0:
0x88: {  	s2 =	sld [smem:$0x3FD9]  }
0x89: {  	s3 =	sld [smem:$0x3FFE];
	_ =	sdelay $0x1  }
0x8a: {  	s1 =	srdreg.scid  }
0x8b: {  	s0 =	sand.u32 $0x1, s1  }
0x8c: {  	s17 =	sshll.u32 s0, $0xA;
	s2 =	sadd.s32 s3, s2  }
0x8d: {  	s2 =	sadd.s32 s2, s17  }
0x8e: {  	[smem:$0x3F91] =	sst s2  }
0x8f: {  	_ = 	snop  }
0x90: {  	(tm) =	ssettm $0x1  }
0x91: {  	s18 =	sld [smem:$0x3FFB];
	_ =	sdelay $0x3  }
0x92: {  	_ =	strace s18  }
0x93: {  	s2 =	sld [smem:$0x3FFC];
	_ =	sdelay $0x3  }
0x94: {  	_ =	strace s2  }
0x95: {  	s2 =	sld [smem:$0x3FFD];
	_ =	sdelay $0x3  }
0x96: {  	_ =	strace s2  }
0x97: {  	_ =	strace $0x8FFFFFFF  }
0x98: {  	s19 =	sld [smem:$0x3FDB];
	_ =	sdelay $0x1  }
0x99: {  	s20 =	simm.s32 $_scs_section_size  }
0x9a: {  	s4 =	simm.s32 $_size__tile_overlayer_lowered;
	s5 =	simm.s32 $_tile_overlayer_lowered  }
0x9b: {  	s6 =	simm.s32 $0x1BFF;
	s21 =	sshll.u32 s5, $0x1;
	s3 =	sadd.s32 s20, s19  }
0x9c: {  	s22 =	simm.s32 $0x0;
	s4 =	sshll.u32 s4, $0x1;
	s5 =	sadd.s32 s21, s3  }
0x9d: {  	[timem:s22], [sflag:s6] =	dma.local [hbm:s5], s4  }
0x9e: {  	_ =	swait.ge [sflag:s6], s4  }
0x9f: {  	s4 =	ssub.s32 $0x0, s4;
	[sflag:s6] =	ssyncset.done $0x0  }
0xa0: {  	[sflag:s6] =	ssyncadd.s32 s4;
	_ =	sdelay $0x1  }
0xa1: {  	s23 =	simm.s32 $0x1B8B  }
0xa2: {  	_ =	swait.ge [sflag:s23], $0x1  }
0xa3: {  	[sflag:s23] =	ssyncset.done $0x0  }
0xa4: {  	[sflag:s23] =	ssyncadd.s32 $0xFFFFFFFF  }
0xa5: {  	s4 =	sld [smem:$0x0]  }
0xa6: {  	s5 =	sand.u32 $0xFFFFFFFE, s1  }
0xa7: {  	p0 =	sne.s32 s1, s5  }
0xa8: {  	s5 =	sshll.u32 @p0 s5, $0xE  }
0xa9: {  	s5 =	sadd.s32 @p0 $0x11B8D, s5;
	s6 =	sshll.u32 @p0 s4, $0x11  }
0xaa: {  	s5 =	sor.u32 @p0 s6, s5  }
0xab: {  	[sflag:s5] =	ssyncadd.remote.s32 @p0 $0x1;
	_ =	sdelay $0x1  }
0xac: {  	s5 =	simm.s32 @p0 $0x1B8D  }
0xad: {  	_ =	swait.eq @p0 [sflag:s5], $0x1  }
0xae: {  	[sflag:s5] =	ssyncadd.s32 @p0 $0xFFFFFFFF  }
0xaf: {  	s6 =	sshll.u32 @!p0 s1, $0xE  }
0xb0: {  	s6 =	sor.u32 @!p0 $0x4000, s6;
	s5 =	simm.s32 @!p0 $0x1B8D  }
0xb1: {  	s4 =	sshll.u32 @!p0 s4, $0x11;
	s6 =	sadd.s32 @!p0 $0x11B8D, s6;
	_ =	swait.eq @!p0 [sflag:s5], $0x1  }
0xb2: {  	s4 =	sor.u32 @!p0 s4, s6;
	[sflag:s5] =	ssyncadd.s32 @!p0 $0xFFFFFFFF  }
0xb3: {  	s25 =	simm.s32 $0x1B8E;
	s24 =	sld [smem:$0x3FFE];
	[sflag:s4] =	ssyncadd.remote.s32 @!p0 $0x1  }
0xb4: {  	s26 =	simm.s32 $execute0_lowered;
	[smem:$0x3FD2] =	sst s25  }
0xb5: {  	s5 =	sshll.u32 s26, $0x1;
	_ =	strace $0x8000004C;
	[dreg:$0x1] =	wrdreg $0xFFFFFFFF  }
0xb6: {  	s28 =	simm.s32 $_size_execute0_lowered;
	s3 =	sadd.s32 s3, s5;
	[dreg:$0x0] =	wrdreg $0x0  }
0xb7: {  	s5 =	sshll.u32 s28, $0x1;
	[dreg:$0x2] =	wrdreg s3  }
0xb8: {  	[dreg:$0x3] =	wrdreg s5  }
0xb9: {  	[dreg:$0x4] =	wrdreg $0xC0  }
0xba: {  	_ =	task [dreg:s22], $0x5FFFF  }
0xbb: {  	[dreg:$0x1] =	wrdreg $0xFFFFFFFF  }
0xbc: {  	[dreg:$0x0] =	wrdreg $0x60  }
0xbd: {  	[dreg:$0x2] =	wrdreg s24  }
0xbe: {  	[dreg:$0x3] =	wrdreg $0xB  }
0xbf: {  	_ =	task.clear_ibuf [dreg:s22], $0x4FFFF;
	_ =	strace $0x9000004C  }
0xc0: {  	s29 =	simm.s32 $0xB;
	_ =	strace $0x8000004E  }
0xc1: {  	_ =	swait.ge [sflag:s29], $0x1  }
0xc2: {  	[sflag:s29] =	ssyncadd.s32 $0xFFFFFFFF  }
0xc3: {  	_ =	strace $0x9000004E  }
0xc4: {  	_ =	sfence  }
0xc5: {  	s30 =	sld [smem:$0x0];
	_ =	sdelay $0x2  }
0xc6: {  	s31 =	sshll.u32 s1, $0xD;
	s1 =	sshrl.u32 s1, $0x2  }
0xc7: {  	s4 =	sand.u32 $0x4000, s31;
	s1 =	sadd.s32 s1, s30  }
0xc8: {  	s0 =	sor.u32 s4, s0;
	s1 =	sshll.u32 s1, $0x11  }
0xc9: {  	s0 =	sor.u32 s1, s0  }
0xca: {  	s0 =	sadd.s32 $0x8F2B, s0  }
0xcb: {  	[sflag:s0] =	ssyncadd.remote.s32 $0x1  }
0xcc: {  	_ =	sfence.sel $0xFFFF  }
0xcd: {  	[dreg:$0x0] =	wrdreg $0xFFFFFFFF;
	(pc) =	sbr.abs _section_cstart, $3  }
0xce: {  	[dreg:$0x1] =	wrdreg $0xFFFFFFFF  }
0xcf: {  	_ =	task.clear_ibuf [dreg:s22], $0x2FFFF;
	_ =	strace $0x9FFFFFFF  }
0xd0: {  	(tm) =	ssettm $0x7FFFFFFF  }
0xd1: {  	_ =	shalt  }
tec
execute0_lowered:
.L_overlay_start_1:
0x0: {  	(tag) =	ssettag $0x1  }
0x1: {  	s1 =	srdreg.scid  }
0x2: {  	s0 =	stileid.u32;
	s10 =	sand.u32 $0x1, s1  }
0x3: {  	s8 =	rddreg [dreg:$0x0];
	s3 =	sshll.u32 s0, $0xB;
	s4 =	sshll.u32 s10, $0xA  }
0x4: {  	s2 =	simm.s32 $0x0;
	s1 =	rddreg [dreg:$0x1];
	s9 =	sor.u32 s4, s3  }
0x5: {  	[smem:$0x7FF] =	sst s2;
	s11 =	sadd.s32 $0x29800, s8;
	s3 =	sshrl.u32 s9, $0x3  }
0x6: {  	_ =	strace $0x8000004D;
	s4 =	sadd.s32 s11, s3;
	s3 =	simm.s32 $0x2  }
0x7: {  	[tilespmem:s2], [sflag:$0x2] =	stream.linear.gather [hbm4b:s4+s2], $0x200, $0x38;
	[tilespmem:$0x10200] =	vst v63  }
0x8: {  	_ =	swait.ge [sflag:s3], $0x200  }
0x9: {  	s6 =	simm.s32 $0x200;
	[sflag:s3] =	ssyncset.done $0x0  }
0xa: {  	s7 =	simm.s32 $0x1;
	s5 =	sadd.s32 $0x68200, s8;
	[sflag:s3] =	ssyncadd.s32 $0xFFFFFE00  }
0xb: {  	[tilespmem:s6], [sflag:$0x1] =	stream.indirect.gather [hbm4b:s5+s6], $0x80, s2, s6, $0xb8;
	[tilespmem:$0x10200] =	vst v63  }
0xc: {  	_ =	swait.ge [sflag:s7], $0x10000  }
0xd: {  	s12 =	sadd.s32 $0x188200, s8;
	s29 =	sshll.u32 s9, $0x4;
	[sflag:s7] =	ssyncset.done $0x0  }
0xe: {  	s8 =	sadd.s32 s12, s29;
	[sflag:s7] =	ssyncadd.s32 $0xFFFF0000  }
0xf: {  	[hbm4b:s8+s2] =	stream.linear.scatter [tilespmem:s6], [sflag:$0x2], $0x10000, $0x38;
	[tilespmem:$0x10200] =	vst v63  }
0x10: {  	s13 =	sor.u32 $0x200, s9;
	_ =	swait.ge [sflag:s3], $0x10000  }
0x11: {  	s9 =	sshrl.u32 s13, $0x3;
	[sflag:s3] =	ssyncset.done $0x0  }
0x12: {  	s10 =	ssub.s32 $0x2, s10;
	s9 =	sadd.s32 s11, s9;
	[sflag:s3] =	ssyncadd.s32 $0xFFFF0000  }
0x13: {  	[tilespmem:s2], [sflag:$0x2] =	stream.linear.gather [hbm4b:s9+s2], $0x200, $0x38;
	[tilespmem:$0x10200] =	vst v63  }
0x14: {  	s30 =	sshrl.u32 s10, $0x1;
	_ =	swait.ge [sflag:s3], $0x200  }
0x15: {  	s11 =	ssub.s32 s10, s30;
	[sflag:s3] =	ssyncset.done $0x0  }
0x16: {  	s11 =	smax.u32 s11, $0x1;
	[sflag:s3] =	ssyncadd.s32 $0xFFFFFE00  }
0x17: {  	[tilespmem:s6], [sflag:$0x1] =	stream.indirect.gather [hbm4b:s5+s6], $0x80, s2, s6, $0xb8;
	[tilespmem:$0x10200] =	vst v63  }
0x18: {  	p0 =	sne.s32 s11, $0x1;
	_ =	swait.ge [sflag:s7], $0x10000  }
.Ltmp0:
0x19: {  	s31 =	sshll.u32 s13, $0x4;
	[sflag:s7] =	ssyncset.done $0x0;
	(pc) =	sbr.rel @!p0 .LBB2_2-.Ltmp0, $4  }
0x1a: {  	s10 =	sadd.s32 s12, s31;
	[sflag:s7] =	ssyncadd.s32 $0xFFFF0000  }
0x1b: {  	[hbm4b:s10+s2] =	stream.linear.scatter [tilespmem:s6], [sflag:$0x2], $0x10000, $0x38;
	[tilespmem:$0x10200] =	vst v63  }
0x1c: {  	_ =	swait.ge [sflag:s3], $0x10000  }
0x1d: {  	s11 =	sadd.s32 $0xFFFFFFFF, s11;
	[sflag:s3] =	ssyncset.done $0x0  }
.LBB2_1:
0x1e: {  	p0 =	sne.s32 s11, $0x1;
	s11 =	sadd.s32 $0xFFFFFFFF, s11;
	[sflag:s3] =	ssyncadd.s32 $0xFFFF0000  }
0x1f: {  	[tilespmem:s2], [sflag:$0x2] =	stream.linear.gather [hbm4b:s4+s2], $0x200, $0x38;
	[tilespmem:$0x10200] =	vst v63  }
0x20: {  	_ =	swait.ge [sflag:s3], $0x200  }
0x21: {  	[sflag:s3] =	ssyncset.done $0x0  }
0x22: {  	[sflag:s3] =	ssyncadd.s32 $0xFFFFFE00  }
0x23: {  	[tilespmem:s6], [sflag:$0x1] =	stream.indirect.gather [hbm4b:s5+s6], $0x80, s2, s6, $0xb8;
	[tilespmem:$0x10200] =	vst v63  }
0x24: {  	_ =	swait.ge [sflag:s7], $0x10000  }
0x25: {  	[sflag:s7] =	ssyncset.done $0x0  }
0x26: {  	[sflag:s7] =	ssyncadd.s32 $0xFFFF0000  }
0x27: {  	[hbm4b:s8+s2] =	stream.linear.scatter [tilespmem:s6], [sflag:$0x2], $0x10000, $0x38;
	[tilespmem:$0x10200] =	vst v63  }
0x28: {  	_ =	swait.ge [sflag:s3], $0x10000  }
0x29: {  	[sflag:s3] =	ssyncset.done $0x0  }
0x2a: {  	[sflag:s3] =	ssyncadd.s32 $0xFFFF0000  }
0x2b: {  	[tilespmem:s2], [sflag:$0x2] =	stream.linear.gather [hbm4b:s9+s2], $0x200, $0x38;
	[tilespmem:$0x10200] =	vst v63  }
0x2c: {  	_ =	swait.ge [sflag:s3], $0x200  }
0x2d: {  	[sflag:s3] =	ssyncset.done $0x0  }
0x2e: {  	[sflag:s3] =	ssyncadd.s32 $0xFFFFFE00  }
0x2f: {  	[tilespmem:s6], [sflag:$0x1] =	stream.indirect.gather [hbm4b:s5+s6], $0x80, s2, s6, $0xb8;
	[tilespmem:$0x10200] =	vst v63  }
0x30: {  	_ =	swait.ge [sflag:s7], $0x10000  }
.Ltmp1:
0x31: {  	[sflag:s7] =	ssyncset.done $0x0;
	(pc) =	sbr.rel @p0 .LBB2_1-.Ltmp1, $4  }
0x32: {  	[sflag:s7] =	ssyncadd.s32 $0xFFFF0000  }
0x33: {  	[hbm4b:s10+s2] =	stream.linear.scatter [tilespmem:s6], [sflag:$0x2], $0x10000, $0x38;
	[tilespmem:$0x10200] =	vst v63  }
0x34: {  	_ =	swait.ge [sflag:s3], $0x10000  }
0x35: {  	[sflag:s3] =	ssyncset.done $0x0  }
.LBB2_2:
0x36: {  	[sflag:s3] =	ssyncadd.s32 $0xFFFF0000  }
0x37: {  	_ =	sfence.sel $0x180000  }
0x38: {  	[bflag:$0x0] =	sbarrier.arrive $0xFFFF  }
0x39: {  	p0 =	sne.s32 s0, $0x0;
	_ =	strace $0x9000004D  }
0x3a: {  	s0 =	sadd.s32 @!p0 $0x100000, s1;
	[bflag:$0x2] =	sbarrier.arrive $0xFFFF  }
0x3b: {  	[sflag:s0] =	ssyncadd.tile.s32 @!p0 $0x1;
	_ =	shalt  }
.Lfunc_end2:
_tile_overlayer_lowered:
.L_overlay_start_2:
0x3c: {  	(tag) =	ssettag $0x2  }
0x3d: {  	s0 =	rddreg [dreg:$0x0];
	s2 =	stileid.u32  }
0x3e: {  	s1 =	rddreg [dreg:$0x1];
	p0 =	sne.s32 s2, $0x0  }
0x3f: {  	s3 =	rddreg [dreg:$0x2];
	[bflag:$0x3] =	sbarrier.arrive $0xFFFF;
	s2 =	simm.s32 @!p0 $0x1C02  }
0x40: {  	[timem:s3], [sflag:s2] =	dma.local @!p0 [hbm:s0], s1  }
0x41: {  	s0 =	simm.s32 @!p0 $0x2  }
0x42: {  	_ =	swait.ge @!p0 [sflag:s0], s1  }
0x43: {  	s1 =	ssub.s32 @!p0 $0x0, s1;
	[sflag:s0] =	ssyncset.done @!p0 $0x0  }
0x44: {  	[sflag:s0] =	ssyncadd.s32 @!p0 s1  }
0x45: {  	[bflag:$0x3] =	sbarrier.arrive $0xFFFF  }
0x46: {  	_ =	shalt  }

// kernel: kernel.39.cloned.1.call-start
scs
__scs_entry_jumppad:
0x0: {  	(pc) =	sbr.rel $0x88, $3  }
0x1: {  	(tag) =	ssettag $0x0;
	lr =	simm.s32 $0x1  }
0x2: {  	[smem:$0x3F6A] =	sst lr;
	_ =	strace $0xD0000000  }
0x3: {  	_ = 	snop  }
0x4: {  	_ = 	snop  }
0x5: {  	_ = 	snop  }
0x6: {  	_ = 	snop  }
0x7: {  	_ = 	snop  }
__scs_overlays_trampoline_lowered:
0x8: {  	[smem:$0x3F79] =	sst s0  }
0x9: {  	[smem:$0x3F7A] =	sst s1  }
0xa: {  	[smem:$0x3F7B] =	sst s2  }
0xb: {  	[smem:$0x3F7C] =	sst s3  }
0xc: {  	[smem:$0x3F7D] =	sst s4  }
0xd: {  	[smem:$0x3F7E] =	sst s5  }
0xe: {  	[smem:$0x3F7F] =	sst s6  }
0xf: {  	[smem:$0x3F80] =	sst s7  }
0x10: {  	[smem:$0x3F81] =	sst s8  }
0x11: {  	[smem:$0x3F82] =	sst s9;
	s0 =	simm.s32 @!p0 $0x0  }
0x12: {  	s1 =	sld [smem:$0x3F68];
	s0 =	simm.s32 @p0 $0x1  }
0x13: {  	[smem:$0x3F83] =	sst s0;
	s0 =	simm.s32 @!p1 $0x0  }
0x14: {  	s2 =	sld [smem:$0x3F67];
	s0 =	simm.s32 @p1 $0x1  }
0x15: {  	[smem:$0x3F84] =	sst s0;
	s0 =	simm.s32 @!p2 $0x0  }
0x16: {  	s3 =	sld [smem:$0x3FDB];
	s0 =	simm.s32 @p2 $0x1  }
0x17: {  	s4 =	simm.s32 $0x1BF5;
	[smem:$0x3F86] =	sst s0  }
0x18: {  	s0 =	sld [smem:$0x3F69];
	_ =	swait.ge [sflag:s4], $0x0  }
0x19: {  	s7 =	sld [smem:$0x3F6A]  }
0x1a: {  	s8 =	sadd.s32 $0xFFFFE003, lr  }
0x1b: {  	s9 =	sadd.s32 $0xFFFFFEF7, lr;
	s5 =	simm.s32 $0xFFFFFFFF;
	p2 =	slt.u32 s8, $0xFFFFF086  }
0x1c: {  	p1 =	slt.u32 s9, $0xF7A;
	s5 =	simm.s32 @!p2 $0x0  }
0x1d: {  	s5 =	simm.s32 @p1 $0x1;
	p0 =	seq.s32 s7, s2  }
0x1e: {  	s7 =	smul.u32 @!p0 $0xF7A, s2;
	p2 =	seq.s32 @!p0 s5, $0x0  }
0x1f: {  	s9 =	smul.u32 $0xF7A, s1;
	s8 =	simm.s32 @!p0 $0x1BF5;
	p2 =	por !p2, p0  }
0x20: {  	[sflag:s8] =	ssyncset.s32 @!p0 $0xFFFFF086;
	s6 =	sadd.s32 @!p0 s3, s7;
	s7 =	simm.s32 @!p0 $0x108  }
0x21: {  	s3 =	sadd.s32 s3, s9;
	s6 =	sadd.s32 @!p0 $0x88, s6;
	s7 =	simm.s32 @p2 $0x1082  }
0x22: {  	[simem:s7], [sflag:s8] =	dma.local @!p0 [hbm:s6], $0xF7A  }
0x23: {  	s9 =	sor.u32 $0xD0000000, s2;
	s6 =	simm.s32 $0x108;
	_ =	swait.ge @!p0 [sflag:s8], $0x0  }
0x24: {  	s3 =	sadd.s32 $0x88, s3;
	s6 =	simm.s32 @!p1 $0x1082;
	[sflag:s4] =	ssyncset.s32 $0xFFFFF086  }
0x25: {  	[simem:s6], [sflag:s4] =	dma.local [hbm:s3], $0xF7A  }
0x26: {  	[smem:$0x3F6A] =	sst s1;
	(tag) =	ssettag s2;
	_ =	strace s9  }
0x27: {  	s1 =	sld [smem:$0x3F7A]  }
0x28: {  	s2 =	sld [smem:$0x3F7B]  }
0x29: {  	s4 =	sld [smem:$0x3F7D]  }
0x2a: {  	p0 =	seq.s32 s5, $0x0;
	s5 =	sld [smem:$0x3F7E]  }
0x2b: {  	s6 =	sld [smem:$0x3F7F]  }
0x2c: {  	s7 =	sld [smem:$0x3F80]  }
0x2d: {  	s3 =	simm.s32 $0x108;
	s8 =	sld [smem:$0x3F81]  }
0x2e: {  	s3 =	simm.s32 @!p0 $0x1082;
	s9 =	sld [smem:$0x3F82]  }
0x2f: {  	lr =	sadd.s32 s0, s3;
	s0 =	sld [smem:$0x3F79]  }
0x30: {  	s3 =	sld [smem:$0x3F7C]  }
0x31: {  	[smem:$0x3F85] =	sst s10  }
0x32: {  	s10 =	sld [smem:$0x3F83];
	_ =	sdelay $0x3  }
0x33: {  	p0 =	seq.s32 s10, $0x1;
	s10 =	sld [smem:$0x3F85];
	_ =	sdelay $0x3  }
0x34: {  	[smem:$0x3F85] =	sst s10  }
0x35: {  	s10 =	sld [smem:$0x3F84];
	_ =	sdelay $0x3  }
0x36: {  	p1 =	seq.s32 s10, $0x1;
	s10 =	sld [smem:$0x3F85];
	_ =	sdelay $0x3  }
0x37: {  	[smem:$0x3F85] =	sst s10  }
0x38: {  	s10 =	sld [smem:$0x3F86]  }
0x39: {  	_ = 	snop;
	(pc) =	sbr.ind lr, $3  }
0x3a: {  	_ = 	snop  }
0x3b: {  	_ = 	snop  }
0x3c: {  	p2 =	seq.s32 s10, $0x1;
	s10 =	sld [smem:$0x3F85]  }
0x3d: {  	_ =	shalt  }
0x3e: {  	_ =	shalt  }
0x3f: {  	_ =	shalt  }
0x40: {  	_ =	shalt  }
0x41: {  	_ =	shalt  }
0x42: {  	_ =	shalt  }
0x43: {  	_ =	shalt  }
0x44: {  	_ =	shalt  }
0x45: {  	_ =	shalt  }
0x46: {  	_ =	shalt  }
0x47: {  	_ =	shalt  }
0x48: {  	_ =	shalt  }
0x49: {  	_ =	shalt  }
0x4a: {  	_ =	shalt  }
0x4b: {  	_ =	shalt  }
0x4c: {  	_ =	shalt  }
0x4d: {  	_ =	shalt  }
0x4e: {  	_ =	shalt  }
0x4f: {  	_ =	shalt  }
0x50: {  	_ =	shalt  }
0x51: {  	_ =	shalt  }
0x52: {  	_ =	shalt  }
0x53: {  	_ =	shalt  }
0x54: {  	_ =	shalt  }
0x55: {  	_ =	shalt  }
0x56: {  	_ =	shalt  }
0x57: {  	_ =	shalt  }
0x58: {  	_ =	shalt  }
0x59: {  	_ =	shalt  }
0x5a: {  	_ =	shalt  }
0x5b: {  	_ =	shalt  }
0x5c: {  	_ =	shalt  }
0x5d: {  	_ =	shalt  }
0x5e: {  	_ =	shalt  }
0x5f: {  	_ =	shalt  }
0x60: {  	_ =	shalt  }
0x61: {  	_ =	shalt  }
0x62: {  	_ =	shalt  }
0x63: {  	_ =	shalt  }
0x64: {  	_ =	shalt  }
0x65: {  	_ =	shalt  }
0x66: {  	_ =	shalt  }
0x67: {  	_ =	shalt  }
0x68: {  	_ =	shalt  }
0x69: {  	_ =	shalt  }
0x6a: {  	_ =	shalt  }
0x6b: {  	_ =	shalt  }
0x6c: {  	_ =	shalt  }
0x6d: {  	_ =	shalt  }
0x6e: {  	_ =	shalt  }
0x6f: {  	_ =	shalt  }
0x70: {  	_ =	shalt  }
0x71: {  	_ =	shalt  }
0x72: {  	_ =	shalt  }
0x73: {  	_ =	shalt  }
0x74: {  	_ =	shalt  }
0x75: {  	_ =	shalt  }
0x76: {  	_ =	shalt  }
0x77: {  	_ =	shalt  }
0x78: {  	_ =	shalt  }
0x79: {  	_ =	shalt  }
0x7a: {  	_ =	shalt  }
0x7b: {  	_ =	shalt  }
0x7c: {  	_ =	shalt  }
0x7d: {  	_ =	shalt  }
0x7e: {  	_ =	shalt  }
0x7f: {  	_ =	shalt  }
0x80: {  	_ =	shalt  }
0x81: {  	_ =	shalt  }
0x82: {  	_ =	shalt  }
0x83: {  	_ =	shalt  }
0x84: {  	_ =	shalt  }
0x85: {  	_ =	shalt  }
0x86: {  	_ =	shalt  }
0x87: {  	_ =	shalt  }
.Lfunc_end0:
.L_simem_size_0:
called_computation.3_lowered:
.L_overlay_start_0:
0x88: {  	s2 =	sld [smem:$0x3FD9]  }
0x89: {  	s3 =	sld [smem:$0x3FFE];
	_ =	sdelay $0x1  }
0x8a: {  	s1 =	srdreg.scid  }
0x8b: {  	s0 =	sand.u32 $0x1, s1  }
0x8c: {  	s17 =	sshll.u32 s0, $0xA;
	s2 =	sadd.s32 s3, s2  }
0x8d: {  	s2 =	sadd.s32 s2, s17  }
0x8e: {  	[smem:$0x3F91] =	sst s2  }
0x8f: {  	_ = 	snop  }
0x90: {  	s18 =	sld [smem:$0x3FD0];
	(tm) =	ssettm $0x1  }
0x91: {  	s19 =	sld [smem:$0x3FFB];
	_ =	sdelay $0x3  }
0x92: {  	_ =	strace s19  }
0x93: {  	s2 =	sld [smem:$0x3FFC];
	_ =	sdelay $0x3  }
0x94: {  	_ =	strace s2  }
0x95: {  	s2 =	sld [smem:$0x3FFD];
	_ =	sdelay $0x3  }
0x96: {  	_ =	strace s2  }
0x97: {  	_ =	strace $0x8FFFFFFF  }
0x98: {  	s20 =	sld [smem:$0x3FDB];
	_ =	sdelay $0x1  }
0x99: {  	s4 =	simm.s32 $_scs_section_size  }
0x9a: {  	s5 =	simm.s32 $_size__tile_overlayer_lowered;
	s6 =	simm.s32 $_tile_overlayer_lowered  }
0x9b: {  	s7 =	simm.s32 $0x1BFF;
	s21 =	sshll.u32 s6, $0x1;
	s4 =	sadd.s32 s4, s20  }
0x9c: {  	s22 =	simm.s32 $0x0;
	s5 =	sshll.u32 s5, $0x1;
	s6 =	sadd.s32 s21, s4  }
0x9d: {  	[timem:s22], [sflag:s7] =	dma.local [hbm:s6], s5  }
0x9e: {  	_ =	swait.ge [sflag:s7], s5  }
0x9f: {  	s5 =	ssub.s32 $0x0, s5;
	[sflag:s7] =	ssyncset.done $0x0  }
0xa0: {  	[sflag:s7] =	ssyncadd.s32 s5;
	_ =	sdelay $0x1  }
0xa1: {  	s23 =	simm.s32 $0x1B8B  }
0xa2: {  	_ =	swait.ge [sflag:s23], $0x1  }
0xa3: {  	[sflag:s23] =	ssyncset.done $0x0  }
0xa4: {  	[sflag:s23] =	ssyncadd.s32 $0xFFFFFFFF  }
0xa5: {  	s5 =	sld [smem:$0x0]  }
0xa6: {  	s6 =	sand.u32 $0xFFFFFFFE, s1  }
0xa7: {  	p0 =	sne.s32 s1, s6  }
0xa8: {  	s6 =	sshll.u32 @p0 s6, $0xE  }
0xa9: {  	s6 =	sadd.s32 @p0 $0x11B8D, s6;
	s7 =	sshll.u32 @p0 s5, $0x11  }
0xaa: {  	s6 =	sor.u32 @p0 s7, s6  }
0xab: {  	[sflag:s6] =	ssyncadd.remote.s32 @p0 $0x1;
	_ =	sdelay $0x1  }
0xac: {  	s6 =	simm.s32 @p0 $0x1B8D  }
0xad: {  	_ =	swait.eq @p0 [sflag:s6], $0x1  }
0xae: {  	[sflag:s6] =	ssyncadd.s32 @p0 $0xFFFFFFFF  }
0xaf: {  	s7 =	sshll.u32 @!p0 s1, $0xE  }
0xb0: {  	s7 =	sor.u32 @!p0 $0x4000, s7;
	s6 =	simm.s32 @!p0 $0x1B8D  }
0xb1: {  	s5 =	sshll.u32 @!p0 s5, $0x11;
	s7 =	sadd.s32 @!p0 $0x11B8D, s7;
	_ =	swait.eq @!p0 [sflag:s6], $0x1  }
0xb2: {  	s5 =	sor.u32 @!p0 s5, s7;
	[sflag:s6] =	ssyncadd.s32 @!p0 $0xFFFFFFFF  }
0xb3: {  	s25 =	simm.s32 $0x1B8E;
	s24 =	sld [smem:$0x3FFE];
	[sflag:s5] =	ssyncadd.remote.s32 @!p0 $0x1  }
0xb4: {  	s26 =	simm.s32 $execute0_lowered;
	[smem:$0x3FD2] =	sst s25  }
0xb5: {  	s6 =	sshll.u32 s26, $0x1;
	_ =	strace $0x8000004F;
	[dreg:$0x1] =	wrdreg $0xFFFFFFFF  }
0xb6: {  	s28 =	simm.s32 $_size_execute0_lowered;
	s4 =	sadd.s32 s4, s6;
	[dreg:$0x0] =	wrdreg $0x0  }
0xb7: {  	s6 =	sshll.u32 s28, $0x1;
	[dreg:$0x2] =	wrdreg s4  }
0xb8: {  	[dreg:$0x3] =	wrdreg s6  }
0xb9: {  	[dreg:$0x4] =	wrdreg $0xC0  }
0xba: {  	_ =	task [dreg:s22], $0x5FFFF  }
0xbb: {  	[dreg:$0x1] =	wrdreg $0xFFFFFFFF  }
0xbc: {  	[dreg:$0x0] =	wrdreg $0x60  }
0xbd: {  	[dreg:$0x2] =	wrdreg s24  }
0xbe: {  	[dreg:$0x3] =	wrdreg s18  }
0xbf: {  	[dreg:$0x4] =	wrdreg $0xC  }
0xc0: {  	_ =	task.clear_ibuf [dreg:s22], $0x5FFFF;
	_ =	strace $0x9000004F  }
0xc1: {  	s29 =	simm.s32 $0xC;
	_ =	strace $0x80000051  }
0xc2: {  	_ =	swait.ge [sflag:s29], $0x1  }
0xc3: {  	[sflag:s29] =	ssyncadd.s32 $0xFFFFFFFF  }
0xc4: {  	_ =	strace $0x90000051  }
0xc5: {  	_ =	sfence  }
0xc6: {  	s30 =	sld [smem:$0x0];
	_ =	sdelay $0x2  }
0xc7: {  	s31 =	sshll.u32 s1, $0xD;
	s1 =	sshrl.u32 s1, $0x2  }
0xc8: {  	s4 =	sand.u32 $0x4000, s31;
	s1 =	sadd.s32 s1, s30  }
0xc9: {  	s0 =	sor.u32 s4, s0;
	s1 =	sshll.u32 s1, $0x11  }
0xca: {  	s0 =	sor.u32 s1, s0  }
0xcb: {  	s0 =	sadd.s32 $0x8F2B, s0  }
0xcc: {  	[sflag:s0] =	ssyncadd.remote.s32 $0x1  }
0xcd: {  	_ =	sfence.sel $0xFFFF  }
0xce: {  	[dreg:$0x0] =	wrdreg $0xFFFFFFFF;
	(pc) =	sbr.abs _section_cstart, $3  }
0xcf: {  	[dreg:$0x1] =	wrdreg $0xFFFFFFFF  }
0xd0: {  	_ =	task.clear_ibuf [dreg:s22], $0x2FFFF;
	_ =	strace $0x9FFFFFFF  }
0xd1: {  	(tm) =	ssettm $0x7FFFFFFF  }
tec
execute0_lowered:
.L_overlay_start_1:
0x0: {  	(tag) =	ssettag $0x1  }
0x1: {  	s1 =	srdreg.scid  }
0x2: {  	s8 =	rddreg [dreg:$0x0];
	s0 =	stileid.u32;
	s10 =	sand.u32 $0x1, s1  }
0x3: {  	s9 =	rddreg [dreg:$0x1];
	s3 =	sshll.u32 s0, $0xB;
	s4 =	sshll.u32 s10, $0xA  }
0x4: {  	s2 =	simm.s32 $0x0;
	s1 =	rddreg [dreg:$0x2];
	s11 =	sor.u32 s4, s3  }
0x5: {  	[smem:$0x7FF] =	sst s2;
	s3 =	sshrl.u32 s11, $0x3  }
0x6: {  	_ =	strace $0x80000050;
	s4 =	sadd.s32 s9, s3;
	s3 =	simm.s32 $0x2  }
0x7: {  	[tilespmem:s2], [sflag:$0x2] =	stream.linear.gather [hbm4b:s4+s2], $0x200, $0x38;
	[tilespmem:$0x10200] =	vst v63  }
0x8: {  	_ =	swait.ge [sflag:s3], $0x200  }
0x9: {  	s6 =	simm.s32 $0x200;
	[sflag:s3] =	ssyncset.done $0x0  }
0xa: {  	s7 =	simm.s32 $0x1;
	s5 =	sadd.s32 $0x78200, s8;
	[sflag:s3] =	ssyncadd.s32 $0xFFFFFE00  }
0xb: {  	[tilespmem:s6], [sflag:$0x1] =	stream.indirect.gather [hbm4b:s5+s6], $0x80, s2, s6, $0xb8;
	[tilespmem:$0x10200] =	vst v63  }
0xc: {  	_ =	swait.ge [sflag:s7], $0x10000  }
0xd: {  	s12 =	sadd.s32 $0x208200, s8;
	s28 =	sshll.u32 s11, $0x4;
	[sflag:s7] =	ssyncset.done $0x0  }
0xe: {  	s8 =	sadd.s32 s12, s28;
	[sflag:s7] =	ssyncadd.s32 $0xFFFF0000  }
0xf: {  	[hbm4b:s8+s2] =	stream.linear.scatter [tilespmem:s6], [sflag:$0x2], $0x10000, $0x38;
	[tilespmem:$0x10200] =	vst v63  }
0x10: {  	s11 =	sor.u32 $0x200, s11;
	_ =	swait.ge [sflag:s3], $0x10000  }
0x11: {  	s13 =	sshrl.u32 s11, $0x3;
	[sflag:s3] =	ssyncset.done $0x0  }
0x12: {  	s10 =	ssub.s32 $0x2, s10;
	s9 =	sadd.s32 s9, s13;
	[sflag:s3] =	ssyncadd.s32 $0xFFFF0000  }
0x13: {  	[tilespmem:s2], [sflag:$0x2] =	stream.linear.gather [hbm4b:s9+s2], $0x200, $0x38;
	[tilespmem:$0x10200] =	vst v63  }
0x14: {  	s29 =	sshrl.u32 s10, $0x1;
	_ =	swait.ge [sflag:s3], $0x200  }
0x15: {  	s13 =	ssub.s32 s10, s29;
	[sflag:s3] =	ssyncset.done $0x0  }
0x16: {  	s31 =	smax.u32 s13, $0x1;
	[sflag:s3] =	ssyncadd.s32 $0xFFFFFE00  }
0x17: {  	[tilespmem:s6], [sflag:$0x1] =	stream.indirect.gather [hbm4b:s5+s6], $0x80, s2, s6, $0xb8;
	[tilespmem:$0x10200] =	vst v63  }
0x18: {  	p0 =	sne.s32 s31, $0x1;
	_ =	swait.ge [sflag:s7], $0x10000  }
.Ltmp0:
0x19: {  	s30 =	sshll.u32 s11, $0x4;
	[sflag:s7] =	ssyncset.done $0x0;
	(pc) =	sbr.rel @!p0 .LBB2_2-.Ltmp0, $4  }
0x1a: {  	s10 =	sadd.s32 s12, s30;
	[sflag:s7] =	ssyncadd.s32 $0xFFFF0000  }
0x1b: {  	[hbm4b:s10+s2] =	stream.linear.scatter [tilespmem:s6], [sflag:$0x2], $0x10000, $0x38;
	[tilespmem:$0x10200] =	vst v63  }
0x1c: {  	_ =	swait.ge [sflag:s3], $0x10000  }
0x1d: {  	s11 =	sadd.s32 $0xFFFFFFFF, s31;
	[sflag:s3] =	ssyncset.done $0x0  }
.LBB2_1:
0x1e: {  	p0 =	sne.s32 s11, $0x1;
	s11 =	sadd.s32 $0xFFFFFFFF, s11;
	[sflag:s3] =	ssyncadd.s32 $0xFFFF0000  }
0x1f: {  	[tilespmem:s2], [sflag:$0x2] =	stream.linear.gather [hbm4b:s4+s2], $0x200, $0x38;
	[tilespmem:$0x10200] =	vst v63  }
0x20: {  	_ =	swait.ge [sflag:s3], $0x200  }
0x21: {  	[sflag:s3] =	ssyncset.done $0x0  }
0x22: {  	[sflag:s3] =	ssyncadd.s32 $0xFFFFFE00  }
0x23: {  	[tilespmem:s6], [sflag:$0x1] =	stream.indirect.gather [hbm4b:s5+s6], $0x80, s2, s6, $0xb8;
	[tilespmem:$0x10200] =	vst v63  }
0x24: {  	_ =	swait.ge [sflag:s7], $0x10000  }
0x25: {  	[sflag:s7] =	ssyncset.done $0x0  }
0x26: {  	[sflag:s7] =	ssyncadd.s32 $0xFFFF0000  }
0x27: {  	[hbm4b:s8+s2] =	stream.linear.scatter [tilespmem:s6], [sflag:$0x2], $0x10000, $0x38;
	[tilespmem:$0x10200] =	vst v63  }
0x28: {  	_ =	swait.ge [sflag:s3], $0x10000  }
0x29: {  	[sflag:s3] =	ssyncset.done $0x0  }
0x2a: {  	[sflag:s3] =	ssyncadd.s32 $0xFFFF0000  }
0x2b: {  	[tilespmem:s2], [sflag:$0x2] =	stream.linear.gather [hbm4b:s9+s2], $0x200, $0x38;
	[tilespmem:$0x10200] =	vst v63  }
0x2c: {  	_ =	swait.ge [sflag:s3], $0x200  }
0x2d: {  	[sflag:s3] =	ssyncset.done $0x0  }
0x2e: {  	[sflag:s3] =	ssyncadd.s32 $0xFFFFFE00  }
0x2f: {  	[tilespmem:s6], [sflag:$0x1] =	stream.indirect.gather [hbm4b:s5+s6], $0x80, s2, s6, $0xb8;
	[tilespmem:$0x10200] =	vst v63  }
0x30: {  	_ =	swait.ge [sflag:s7], $0x10000  }
.Ltmp1:
0x31: {  	[sflag:s7] =	ssyncset.done $0x0;
	(pc) =	sbr.rel @p0 .LBB2_1-.Ltmp1, $4  }
0x32: {  	[sflag:s7] =	ssyncadd.s32 $0xFFFF0000  }
0x33: {  	[hbm4b:s10+s2] =	stream.linear.scatter [tilespmem:s6], [sflag:$0x2], $0x10000, $0x38;
	[tilespmem:$0x10200] =	vst v63  }
0x34: {  	_ =	swait.ge [sflag:s3], $0x10000  }
0x35: {  	[sflag:s3] =	ssyncset.done $0x0  }
.LBB2_2:
0x36: {  	[sflag:s3] =	ssyncadd.s32 $0xFFFF0000  }
0x37: {  	_ =	sfence.sel $0x180000  }
0x38: {  	[bflag:$0x0] =	sbarrier.arrive $0xFFFF  }
0x39: {  	p0 =	sne.s32 s0, $0x0;
	_ =	strace $0x90000050  }
0x3a: {  	s0 =	sadd.s32 @!p0 $0x100000, s1;
	[bflag:$0x2] =	sbarrier.arrive $0xFFFF  }
0x3b: {  	[sflag:s0] =	ssyncadd.tile.s32 @!p0 $0x1;
	_ =	shalt  }
.Lfunc_end2:
_tile_overlayer_lowered:
.L_overlay_start_2:
0x3c: {  	(tag) =	ssettag $0x2  }
0x3d: {  	s0 =	rddreg [dreg:$0x0];
	s2 =	stileid.u32  }
0x3e: {  	s1 =	rddreg [dreg:$0x1];
	p0 =	sne.s32 s2, $0x0  }
0x3f: {  	s3 =	rddreg [dreg:$0x2];
	[bflag:$0x3] =	sbarrier.arrive $0xFFFF;
	s2 =	simm.s32 @!p0 $0x1C02  }
0x40: {  	[timem:s3], [sflag:s2] =	dma.local @!p0 [hbm:s0], s1  }
0x41: {  	s0 =	simm.s32 @!p0 $0x2  }
0x42: {  	_ =	swait.ge @!p0 [sflag:s0], s1  }
0x43: {  	s1 =	ssub.s32 @!p0 $0x0, s1;
	[sflag:s0] =	ssyncset.done @!p0 $0x0  }
0x44: {  	[sflag:s0] =	ssyncadd.s32 @!p0 s1  }
0x45: {  	[bflag:$0x3] =	sbarrier.arrive $0xFFFF  }
0x46: {  	_ =	shalt  }

// kernel: kernel.42.cloned.1.call-start
scs
__scs_entry_jumppad:
0x0: {  	(pc) =	sbr.rel $0x88, $3  }
0x1: {  	(tag) =	ssettag $0x0;
	lr =	simm.s32 $0x1  }
0x2: {  	[smem:$0x3F6A] =	sst lr;
	_ =	strace $0xD0000000  }
0x3: {  	_ = 	snop  }
0x4: {  	_ = 	snop  }
0x5: {  	_ = 	snop  }
0x6: {  	_ = 	snop  }
0x7: {  	_ = 	snop  }
__scs_overlays_trampoline_lowered:
0x8: {  	[smem:$0x3F79] =	sst s0  }
0x9: {  	[smem:$0x3F7A] =	sst s1  }
0xa: {  	[smem:$0x3F7B] =	sst s2  }
0xb: {  	[smem:$0x3F7C] =	sst s3  }
0xc: {  	[smem:$0x3F7D] =	sst s4  }
0xd: {  	[smem:$0x3F7E] =	sst s5  }
0xe: {  	[smem:$0x3F7F] =	sst s6  }
0xf: {  	[smem:$0x3F80] =	sst s7  }
0x10: {  	[smem:$0x3F81] =	sst s8  }
0x11: {  	[smem:$0x3F82] =	sst s9;
	s0 =	simm.s32 @!p0 $0x0  }
0x12: {  	s1 =	sld [smem:$0x3F68];
	s0 =	simm.s32 @p0 $0x1  }
0x13: {  	[smem:$0x3F83] =	sst s0;
	s0 =	simm.s32 @!p1 $0x0  }
0x14: {  	s2 =	sld [smem:$0x3F67];
	s0 =	simm.s32 @p1 $0x1  }
0x15: {  	[smem:$0x3F84] =	sst s0;
	s0 =	simm.s32 @!p2 $0x0  }
0x16: {  	s3 =	sld [smem:$0x3FDB];
	s0 =	simm.s32 @p2 $0x1  }
0x17: {  	s4 =	simm.s32 $0x1BF5;
	[smem:$0x3F86] =	sst s0  }
0x18: {  	s0 =	sld [smem:$0x3F69];
	_ =	swait.ge [sflag:s4], $0x0  }
0x19: {  	s7 =	sld [smem:$0x3F6A]  }
0x1a: {  	s8 =	sadd.s32 $0xFFFFE003, lr  }
0x1b: {  	s9 =	sadd.s32 $0xFFFFFEF7, lr;
	s5 =	simm.s32 $0xFFFFFFFF;
	p2 =	slt.u32 s8, $0xFFFFF086  }
0x1c: {  	p1 =	slt.u32 s9, $0xF7A;
	s5 =	simm.s32 @!p2 $0x0  }
0x1d: {  	s5 =	simm.s32 @p1 $0x1;
	p0 =	seq.s32 s7, s2  }
0x1e: {  	s7 =	smul.u32 @!p0 $0xF7A, s2;
	p2 =	seq.s32 @!p0 s5, $0x0  }
0x1f: {  	s9 =	smul.u32 $0xF7A, s1;
	s8 =	simm.s32 @!p0 $0x1BF5;
	p2 =	por !p2, p0  }
0x20: {  	[sflag:s8] =	ssyncset.s32 @!p0 $0xFFFFF086;
	s6 =	sadd.s32 @!p0 s3, s7;
	s7 =	simm.s32 @!p0 $0x108  }
0x21: {  	s3 =	sadd.s32 s3, s9;
	s6 =	sadd.s32 @!p0 $0x88, s6;
	s7 =	simm.s32 @p2 $0x1082  }
0x22: {  	[simem:s7], [sflag:s8] =	dma.local @!p0 [hbm:s6], $0xF7A  }
0x23: {  	s9 =	sor.u32 $0xD0000000, s2;
	s6 =	simm.s32 $0x108;
	_ =	swait.ge @!p0 [sflag:s8], $0x0  }
0x24: {  	s3 =	sadd.s32 $0x88, s3;
	s6 =	simm.s32 @!p1 $0x1082;
	[sflag:s4] =	ssyncset.s32 $0xFFFFF086  }
0x25: {  	[simem:s6], [sflag:s4] =	dma.local [hbm:s3], $0xF7A  }
0x26: {  	[smem:$0x3F6A] =	sst s1;
	(tag) =	ssettag s2;
	_ =	strace s9  }
0x27: {  	s1 =	sld [smem:$0x3F7A]  }
0x28: {  	s2 =	sld [smem:$0x3F7B]  }
0x29: {  	s4 =	sld [smem:$0x3F7D]  }
0x2a: {  	p0 =	seq.s32 s5, $0x0;
	s5 =	sld [smem:$0x3F7E]  }
0x2b: {  	s6 =	sld [smem:$0x3F7F]  }
0x2c: {  	s7 =	sld [smem:$0x3F80]  }
0x2d: {  	s3 =	simm.s32 $0x108;
	s8 =	sld [smem:$0x3F81]  }
0x2e: {  	s3 =	simm.s32 @!p0 $0x1082;
	s9 =	sld [smem:$0x3F82]  }
0x2f: {  	lr =	sadd.s32 s0, s3;
	s0 =	sld [smem:$0x3F79]  }
0x30: {  	s3 =	sld [smem:$0x3F7C]  }
0x31: {  	[smem:$0x3F85] =	sst s10  }
0x32: {  	s10 =	sld [smem:$0x3F83];
	_ =	sdelay $0x3  }
0x33: {  	p0 =	seq.s32 s10, $0x1;
	s10 =	sld [smem:$0x3F85];
	_ =	sdelay $0x3  }
0x34: {  	[smem:$0x3F85] =	sst s10  }
0x35: {  	s10 =	sld [smem:$0x3F84];
	_ =	sdelay $0x3  }
0x36: {  	p1 =	seq.s32 s10, $0x1;
	s10 =	sld [smem:$0x3F85];
	_ =	sdelay $0x3  }
0x37: {  	[smem:$0x3F85] =	sst s10  }
0x38: {  	s10 =	sld [smem:$0x3F86]  }
0x39: {  	_ = 	snop;
	(pc) =	sbr.ind lr, $3  }
0x3a: {  	_ = 	snop  }
0x3b: {  	_ = 	snop  }
0x3c: {  	p2 =	seq.s32 s10, $0x1;
	s10 =	sld [smem:$0x3F85]  }
0x3d: {  	_ =	shalt  }
0x3e: {  	_ =	shalt  }
0x3f: {  	_ =	shalt  }
0x40: {  	_ =	shalt  }
0x41: {  	_ =	shalt  }
0x42: {  	_ =	shalt  }
0x43: {  	_ =	shalt  }
0x44: {  	_ =	shalt  }
0x45: {  	_ =	shalt  }
0x46: {  	_ =	shalt  }
0x47: {  	_ =	shalt  }
0x48: {  	_ =	shalt  }
0x49: {  	_ =	shalt  }
0x4a: {  	_ =	shalt  }
0x4b: {  	_ =	shalt  }
0x4c: {  	_ =	shalt  }
0x4d: {  	_ =	shalt  }
0x4e: {  	_ =	shalt  }
0x4f: {  	_ =	shalt  }
0x50: {  	_ =	shalt  }
0x51: {  	_ =	shalt  }
0x52: {  	_ =	shalt  }
0x53: {  	_ =	shalt  }
0x54: {  	_ =	shalt  }
0x55: {  	_ =	shalt  }
0x56: {  	_ =	shalt  }
0x57: {  	_ =	shalt  }
0x58: {  	_ =	shalt  }
0x59: {  	_ =	shalt  }
0x5a: {  	_ =	shalt  }
0x5b: {  	_ =	shalt  }
0x5c: {  	_ =	shalt  }
0x5d: {  	_ =	shalt  }
0x5e: {  	_ =	shalt  }
0x5f: {  	_ =	shalt  }
0x60: {  	_ =	shalt  }
0x61: {  	_ =	shalt  }
0x62: {  	_ =	shalt  }
0x63: {  	_ =	shalt  }
0x64: {  	_ =	shalt  }
0x65: {  	_ =	shalt  }
0x66: {  	_ =	shalt  }
0x67: {  	_ =	shalt  }
0x68: {  	_ =	shalt  }
0x69: {  	_ =	shalt  }
0x6a: {  	_ =	shalt  }
0x6b: {  	_ =	shalt  }
0x6c: {  	_ =	shalt  }
0x6d: {  	_ =	shalt  }
0x6e: {  	_ =	shalt  }
0x6f: {  	_ =	shalt  }
0x70: {  	_ =	shalt  }
0x71: {  	_ =	shalt  }
0x72: {  	_ =	shalt  }
0x73: {  	_ =	shalt  }
0x74: {  	_ =	shalt  }
0x75: {  	_ =	shalt  }
0x76: {  	_ =	shalt  }
0x77: {  	_ =	shalt  }
0x78: {  	_ =	shalt  }
0x79: {  	_ =	shalt  }
0x7a: {  	_ =	shalt  }
0x7b: {  	_ =	shalt  }
0x7c: {  	_ =	shalt  }
0x7d: {  	_ =	shalt  }
0x7e: {  	_ =	shalt  }
0x7f: {  	_ =	shalt  }
0x80: {  	_ =	shalt  }
0x81: {  	_ =	shalt  }
0x82: {  	_ =	shalt  }
0x83: {  	_ =	shalt  }
0x84: {  	_ =	shalt  }
0x85: {  	_ =	shalt  }
0x86: {  	_ =	shalt  }
0x87: {  	_ =	shalt  }
.Lfunc_end0:
.L_simem_size_0:
called_computation.4_lowered:
.L_overlay_start_0:
0x88: {  	s2 =	sld [smem:$0x3FD9]  }
0x89: {  	s3 =	sld [smem:$0x3FFE];
	_ =	sdelay $0x1  }
0x8a: {  	s1 =	srdreg.scid  }
0x8b: {  	s0 =	sand.u32 $0x1, s1  }
0x8c: {  	s16 =	sshll.u32 s0, $0xA;
	s2 =	sadd.s32 s3, s2  }
0x8d: {  	s2 =	sadd.s32 s2, s16  }
0x8e: {  	[smem:$0x3F91] =	sst s2  }
0x8f: {  	_ = 	snop  }
0x90: {  	(tm) =	ssettm $0x1  }
0x91: {  	s17 =	sld [smem:$0x3FFB];
	_ =	sdelay $0x3  }
0x92: {  	_ =	strace s17  }
0x93: {  	s2 =	sld [smem:$0x3FFC];
	_ =	sdelay $0x3  }
0x94: {  	_ =	strace s2  }
0x95: {  	s2 =	sld [smem:$0x3FFD];
	_ =	sdelay $0x3  }
0x96: {  	_ =	strace s2  }
0x97: {  	_ =	strace $0x8FFFFFFF  }
0x98: {  	s18 =	sld [smem:$0x3FDB];
	_ =	sdelay $0x1  }
0x99: {  	s19 =	simm.s32 $_scs_section_size  }
0x9a: {  	s4 =	simm.s32 $_size__tile_overlayer_lowered;
	s5 =	simm.s32 $_tile_overlayer_lowered  }
0x9b: {  	s22 =	simm.s32 $0x1BFF;
	s21 =	sshll.u32 s5, $0x1;
	s2 =	sadd.s32 s19, s18  }
0x9c: {  	s6 =	simm.s32 $0x0;
	s20 =	sshll.u32 s4, $0x1;
	s4 =	sadd.s32 s21, s2  }
0x9d: {  	[timem:s6], [sflag:s22] =	dma.local [hbm:s4], s20  }
0x9e: {  	_ =	swait.ge [sflag:s22], s20  }
0x9f: {  	s3 =	ssub.s32 $0x0, s20;
	[sflag:s22] =	ssyncset.done $0x0  }
0xa0: {  	[sflag:s22] =	ssyncadd.s32 s3;
	_ =	sdelay $0x1  }
0xa1: {  	s23 =	simm.s32 $0x1B8B  }
0xa2: {  	_ =	swait.ge [sflag:s23], $0x1  }
0xa3: {  	[sflag:s23] =	ssyncset.done $0x0  }
0xa4: {  	s25 =	simm.s32 $0x1B8E;
	s24 =	sld [smem:$0x3FFE];
	[sflag:s23] =	ssyncadd.s32 $0xFFFFFFFF  }
0xa5: {  	s26 =	simm.s32 $execute0_lowered;
	[smem:$0x3FD2] =	sst s25  }
0xa6: {  	s4 =	sshll.u32 s26, $0x1;
	_ =	strace $0x80000052;
	[dreg:$0x1] =	wrdreg $0xFFFFFFFF  }
0xa7: {  	s28 =	simm.s32 $_size_execute0_lowered;
	s2 =	sadd.s32 s2, s4;
	[dreg:$0x0] =	wrdreg $0x0  }
0xa8: {  	s4 =	sshll.u32 s28, $0x1;
	[dreg:$0x2] =	wrdreg s2  }
0xa9: {  	[dreg:$0x3] =	wrdreg s4  }
0xaa: {  	[dreg:$0x4] =	wrdreg $0xC0  }
0xab: {  	_ =	task [dreg:s6], $0x5FFFF  }
0xac: {  	[dreg:$0x1] =	wrdreg $0xFFFFFFFF  }
0xad: {  	[dreg:$0x0] =	wrdreg $0x60  }
0xae: {  	[dreg:$0x2] =	wrdreg s24  }
0xaf: {  	[dreg:$0x3] =	wrdreg $0x9  }
0xb0: {  	_ =	task.clear_ibuf [dreg:s6], $0x4FFFF;
	_ =	strace $0x90000052  }
0xb1: {  	s29 =	simm.s32 $0x9;
	_ =	strace $0x80000054  }
0xb2: {  	_ =	swait.ge [sflag:s29], $0x1  }
0xb3: {  	[sflag:s29] =	ssyncadd.s32 $0xFFFFFFFF  }
0xb4: {  	_ =	strace $0x90000054  }
0xb5: {  	_ =	sfence  }
0xb6: {  	s30 =	sld [smem:$0x0];
	_ =	sdelay $0x2  }
0xb7: {  	s31 =	sshll.u32 s1, $0xD;
	s1 =	sshrl.u32 s1, $0x2  }
0xb8: {  	s3 =	sand.u32 $0x4000, s31;
	s1 =	sadd.s32 s1, s30  }
0xb9: {  	s0 =	sor.u32 s3, s0;
	s1 =	sshll.u32 s1, $0x11  }
0xba: {  	s0 =	sor.u32 s1, s0  }
0xbb: {  	s0 =	sadd.s32 $0x8F2B, s0  }
0xbc: {  	[sflag:s0] =	ssyncadd.remote.s32 $0x1  }
0xbd: {  	_ =	sfence.sel $0xFFFF  }
0xbe: {  	[dreg:$0x0] =	wrdreg $0xFFFFFFFF;
	(pc) =	sbr.abs _section_cstart, $3  }
0xbf: {  	[dreg:$0x1] =	wrdreg $0xFFFFFFFF  }
0xc0: {  	_ =	task.clear_ibuf [dreg:s6], $0x2FFFF;
	_ =	strace $0x9FFFFFFF  }
0xc1: {  	(tm) =	ssettm $0x7FFFFFFF  }
tec
execute0_lowered:
.L_overlay_start_1:
0x0: {  	(tag) =	ssettag $0x1  }
0x1: {  	s1 =	srdreg.scid  }
0x2: {  	s0 =	stileid.u32;
	s10 =	sand.u32 $0x1, s1  }
0x3: {  	s8 =	rddreg [dreg:$0x0];
	s3 =	sshll.u32 s0, $0xB;
	s4 =	sshll.u32 s10, $0xA  }
0x4: {  	s2 =	simm.s32 $0x0;
	s1 =	rddreg [dreg:$0x1];
	s9 =	sor.u32 s4, s3  }
0x5: {  	[smem:$0x7FF] =	sst s2;
	s11 =	sadd.s32 $0x7800, s8;
	s3 =	sshrl.u32 s9, $0x3  }
0x6: {  	_ =	strace $0x80000053;
	s4 =	sadd.s32 s11, s3;
	s3 =	simm.s32 $0x2  }
0x7: {  	[tilespmem:s2], [sflag:$0x2] =	stream.linear.gather [hbm4b:s4+s2], $0x200, $0x38;
	[tilespmem:$0x10200] =	vst v63  }
0x8: {  	_ =	swait.ge [sflag:s3], $0x200  }
0x9: {  	s6 =	simm.s32 $0x200;
	[sflag:s3] =	ssyncset.done $0x0  }
0xa: {  	s7 =	simm.s32 $0x1;
	s5 =	sadd.s32 $0x27800, s8;
	[sflag:s3] =	ssyncadd.s32 $0xFFFFFE00  }
0xb: {  	[tilespmem:s6], [sflag:$0x1] =	stream.indirect.gather [hbm4b:s5+s6], $0x80, s2, s6, $0xb8;
	[tilespmem:$0x10200] =	vst v63  }
0xc: {  	_ =	swait.ge [sflag:s7], $0x10000  }
0xd: {  	s12 =	sadd.s32 $0x88200, s8;
	s29 =	sshll.u32 s9, $0x4;
	[sflag:s7] =	ssyncset.done $0x0  }
0xe: {  	s8 =	sadd.s32 s12, s29;
	[sflag:s7] =	ssyncadd.s32 $0xFFFF0000  }
0xf: {  	[hbm4b:s8+s2] =	stream.linear.scatter [tilespmem:s6], [sflag:$0x2], $0x10000, $0x38;
	[tilespmem:$0x10200] =	vst v63  }
0x10: {  	s13 =	sor.u32 $0x200, s9;
	_ =	swait.ge [sflag:s3], $0x10000  }
0x11: {  	s9 =	sshrl.u32 s13, $0x3;
	[sflag:s3] =	ssyncset.done $0x0  }
0x12: {  	s10 =	ssub.s32 $0x2, s10;
	s9 =	sadd.s32 s11, s9;
	[sflag:s3] =	ssyncadd.s32 $0xFFFF0000  }
0x13: {  	[tilespmem:s2], [sflag:$0x2] =	stream.linear.gather [hbm4b:s9+s2], $0x200, $0x38;
	[tilespmem:$0x10200] =	vst v63  }
0x14: {  	s30 =	sshrl.u32 s10, $0x1;
	_ =	swait.ge [sflag:s3], $0x200  }
0x15: {  	s11 =	ssub.s32 s10, s30;
	[sflag:s3] =	ssyncset.done $0x0  }
0x16: {  	s11 =	smax.u32 s11, $0x1;
	[sflag:s3] =	ssyncadd.s32 $0xFFFFFE00  }
0x17: {  	[tilespmem:s6], [sflag:$0x1] =	stream.indirect.gather [hbm4b:s5+s6], $0x80, s2, s6, $0xb8;
	[tilespmem:$0x10200] =	vst v63  }
0x18: {  	p0 =	sne.s32 s11, $0x1;
	_ =	swait.ge [sflag:s7], $0x10000  }
.Ltmp0:
0x19: {  	s31 =	sshll.u32 s13, $0x4;
	[sflag:s7] =	ssyncset.done $0x0;
	(pc) =	sbr.rel @!p0 .LBB2_2-.Ltmp0, $4  }
0x1a: {  	s10 =	sadd.s32 s12, s31;
	[sflag:s7] =	ssyncadd.s32 $0xFFFF0000  }
0x1b: {  	[hbm4b:s10+s2] =	stream.linear.scatter [tilespmem:s6], [sflag:$0x2], $0x10000, $0x38;
	[tilespmem:$0x10200] =	vst v63  }
0x1c: {  	_ =	swait.ge [sflag:s3], $0x10000  }
0x1d: {  	s11 =	sadd.s32 $0xFFFFFFFF, s11;
	[sflag:s3] =	ssyncset.done $0x0  }
.LBB2_1:
0x1e: {  	p0 =	sne.s32 s11, $0x1;
	s11 =	sadd.s32 $0xFFFFFFFF, s11;
	[sflag:s3] =	ssyncadd.s32 $0xFFFF0000  }
0x1f: {  	[tilespmem:s2], [sflag:$0x2] =	stream.linear.gather [hbm4b:s4+s2], $0x200, $0x38;
	[tilespmem:$0x10200] =	vst v63  }
0x20: {  	_ =	swait.ge [sflag:s3], $0x200  }
0x21: {  	[sflag:s3] =	ssyncset.done $0x0  }
0x22: {  	[sflag:s3] =	ssyncadd.s32 $0xFFFFFE00  }
0x23: {  	[tilespmem:s6], [sflag:$0x1] =	stream.indirect.gather [hbm4b:s5+s6], $0x80, s2, s6, $0xb8;
	[tilespmem:$0x10200] =	vst v63  }
0x24: {  	_ =	swait.ge [sflag:s7], $0x10000  }
0x25: {  	[sflag:s7] =	ssyncset.done $0x0  }
0x26: {  	[sflag:s7] =	ssyncadd.s32 $0xFFFF0000  }
0x27: {  	[hbm4b:s8+s2] =	stream.linear.scatter [tilespmem:s6], [sflag:$0x2], $0x10000, $0x38;
	[tilespmem:$0x10200] =	vst v63  }
0x28: {  	_ =	swait.ge [sflag:s3], $0x10000  }
0x29: {  	[sflag:s3] =	ssyncset.done $0x0  }
0x2a: {  	[sflag:s3] =	ssyncadd.s32 $0xFFFF0000  }
0x2b: {  	[tilespmem:s2], [sflag:$0x2] =	stream.linear.gather [hbm4b:s9+s2], $0x200, $0x38;
	[tilespmem:$0x10200] =	vst v63  }
0x2c: {  	_ =	swait.ge [sflag:s3], $0x200  }
0x2d: {  	[sflag:s3] =	ssyncset.done $0x0  }
0x2e: {  	[sflag:s3] =	ssyncadd.s32 $0xFFFFFE00  }
0x2f: {  	[tilespmem:s6], [sflag:$0x1] =	stream.indirect.gather [hbm4b:s5+s6], $0x80, s2, s6, $0xb8;
	[tilespmem:$0x10200] =	vst v63  }
0x30: {  	_ =	swait.ge [sflag:s7], $0x10000  }
.Ltmp1:
0x31: {  	[sflag:s7] =	ssyncset.done $0x0;
	(pc) =	sbr.rel @p0 .LBB2_1-.Ltmp1, $4  }
0x32: {  	[sflag:s7] =	ssyncadd.s32 $0xFFFF0000  }
0x33: {  	[hbm4b:s10+s2] =	stream.linear.scatter [tilespmem:s6], [sflag:$0x2], $0x10000, $0x38;
	[tilespmem:$0x10200] =	vst v63  }
0x34: {  	_ =	swait.ge [sflag:s3], $0x10000  }
0x35: {  	[sflag:s3] =	ssyncset.done $0x0  }
.LBB2_2:
0x36: {  	[sflag:s3] =	ssyncadd.s32 $0xFFFF0000  }
0x37: {  	_ =	sfence.sel $0x180000  }
0x38: {  	[bflag:$0x0] =	sbarrier.arrive $0xFFFF  }
0x39: {  	p0 =	sne.s32 s0, $0x0;
	_ =	strace $0x90000053  }
0x3a: {  	s0 =	sadd.s32 @!p0 $0x100000, s1;
	[bflag:$0x2] =	sbarrier.arrive $0xFFFF  }
0x3b: {  	[sflag:s0] =	ssyncadd.tile.s32 @!p0 $0x1;
	_ =	shalt  }
.Lfunc_end2:
_tile_overlayer_lowered:
.L_overlay_start_2:
0x3c: {  	(tag) =	ssettag $0x2  }
0x3d: {  	s0 =	rddreg [dreg:$0x0];
	s2 =	stileid.u32  }
0x3e: {  	s1 =	rddreg [dreg:$0x1];
	p0 =	sne.s32 s2, $0x0  }
0x3f: {  	s3 =	rddreg [dreg:$0x2];
	[bflag:$0x3] =	sbarrier.arrive $0xFFFF;
	s2 =	simm.s32 @!p0 $0x1C02  }
0x40: {  	[timem:s3], [sflag:s2] =	dma.local @!p0 [hbm:s0], s1  }
0x41: {  	s0 =	simm.s32 @!p0 $0x2  }
0x42: {  	_ =	swait.ge @!p0 [sflag:s0], s1  }
0x43: {  	s1 =	ssub.s32 @!p0 $0x0, s1;
	[sflag:s0] =	ssyncset.done @!p0 $0x0  }
0x44: {  	[sflag:s0] =	ssyncadd.s32 @!p0 s1  }
0x45: {  	[bflag:$0x3] =	sbarrier.arrive $0xFFFF  }
0x46: {  	_ =	shalt  }

// kernel: kernel.45.cloned.1.call-start
scs
__scs_entry_jumppad:
0x0: {  	(pc) =	sbr.rel $0x88, $3  }
0x1: {  	(tag) =	ssettag $0x0;
	lr =	simm.s32 $0x1  }
0x2: {  	[smem:$0x3F6A] =	sst lr;
	_ =	strace $0xD0000000  }
0x3: {  	_ = 	snop  }
0x4: {  	_ = 	snop  }
0x5: {  	_ = 	snop  }
0x6: {  	_ = 	snop  }
0x7: {  	_ = 	snop  }
__scs_overlays_trampoline_lowered:
0x8: {  	[smem:$0x3F79] =	sst s0  }
0x9: {  	[smem:$0x3F7A] =	sst s1  }
0xa: {  	[smem:$0x3F7B] =	sst s2  }
0xb: {  	[smem:$0x3F7C] =	sst s3  }
0xc: {  	[smem:$0x3F7D] =	sst s4  }
0xd: {  	[smem:$0x3F7E] =	sst s5  }
0xe: {  	[smem:$0x3F7F] =	sst s6  }
0xf: {  	[smem:$0x3F80] =	sst s7  }
0x10: {  	[smem:$0x3F81] =	sst s8  }
0x11: {  	[smem:$0x3F82] =	sst s9;
	s0 =	simm.s32 @!p0 $0x0  }
0x12: {  	s1 =	sld [smem:$0x3F68];
	s0 =	simm.s32 @p0 $0x1  }
0x13: {  	[smem:$0x3F83] =	sst s0;
	s0 =	simm.s32 @!p1 $0x0  }
0x14: {  	s2 =	sld [smem:$0x3F67];
	s0 =	simm.s32 @p1 $0x1  }
0x15: {  	[smem:$0x3F84] =	sst s0;
	s0 =	simm.s32 @!p2 $0x0  }
0x16: {  	s3 =	sld [smem:$0x3FDB];
	s0 =	simm.s32 @p2 $0x1  }
0x17: {  	s4 =	simm.s32 $0x1BF5;
	[smem:$0x3F86] =	sst s0  }
0x18: {  	s0 =	sld [smem:$0x3F69];
	_ =	swait.ge [sflag:s4], $0x0  }
0x19: {  	s7 =	sld [smem:$0x3F6A]  }
0x1a: {  	s8 =	sadd.s32 $0xFFFFE003, lr  }
0x1b: {  	s9 =	sadd.s32 $0xFFFFFEF7, lr;
	s5 =	simm.s32 $0xFFFFFFFF;
	p2 =	slt.u32 s8, $0xFFFFF086  }
0x1c: {  	p1 =	slt.u32 s9, $0xF7A;
	s5 =	simm.s32 @!p2 $0x0  }
0x1d: {  	s5 =	simm.s32 @p1 $0x1;
	p0 =	seq.s32 s7, s2  }
0x1e: {  	s7 =	smul.u32 @!p0 $0xF7A, s2;
	p2 =	seq.s32 @!p0 s5, $0x0  }
0x1f: {  	s9 =	smul.u32 $0xF7A, s1;
	s8 =	simm.s32 @!p0 $0x1BF5;
	p2 =	por !p2, p0  }
0x20: {  	[sflag:s8] =	ssyncset.s32 @!p0 $0xFFFFF086;
	s6 =	sadd.s32 @!p0 s3, s7;
	s7 =	simm.s32 @!p0 $0x108  }
0x21: {  	s3 =	sadd.s32 s3, s9;
	s6 =	sadd.s32 @!p0 $0x88, s6;
	s7 =	simm.s32 @p2 $0x1082  }
0x22: {  	[simem:s7], [sflag:s8] =	dma.local @!p0 [hbm:s6], $0xF7A  }
0x23: {  	s9 =	sor.u32 $0xD0000000, s2;
	s6 =	simm.s32 $0x108;
	_ =	swait.ge @!p0 [sflag:s8], $0x0  }
0x24: {  	s3 =	sadd.s32 $0x88, s3;
	s6 =	simm.s32 @!p1 $0x1082;
	[sflag:s4] =	ssyncset.s32 $0xFFFFF086  }
0x25: {  	[simem:s6], [sflag:s4] =	dma.local [hbm:s3], $0xF7A  }
0x26: {  	[smem:$0x3F6A] =	sst s1;
	(tag) =	ssettag s2;
	_ =	strace s9  }
0x27: {  	s1 =	sld [smem:$0x3F7A]  }
0x28: {  	s2 =	sld [smem:$0x3F7B]  }
0x29: {  	s4 =	sld [smem:$0x3F7D]  }
0x2a: {  	p0 =	seq.s32 s5, $0x0;
	s5 =	sld [smem:$0x3F7E]  }
0x2b: {  	s6 =	sld [smem:$0x3F7F]  }
0x2c: {  	s7 =	sld [smem:$0x3F80]  }
0x2d: {  	s3 =	simm.s32 $0x108;
	s8 =	sld [smem:$0x3F81]  }
0x2e: {  	s3 =	simm.s32 @!p0 $0x1082;
	s9 =	sld [smem:$0x3F82]  }
0x2f: {  	lr =	sadd.s32 s0, s3;
	s0 =	sld [smem:$0x3F79]  }
0x30: {  	s3 =	sld [smem:$0x3F7C]  }
0x31: {  	[smem:$0x3F85] =	sst s10  }
0x32: {  	s10 =	sld [smem:$0x3F83];
	_ =	sdelay $0x3  }
0x33: {  	p0 =	seq.s32 s10, $0x1;
	s10 =	sld [smem:$0x3F85];
	_ =	sdelay $0x3  }
0x34: {  	[smem:$0x3F85] =	sst s10  }
0x35: {  	s10 =	sld [smem:$0x3F84];
	_ =	sdelay $0x3  }
0x36: {  	p1 =	seq.s32 s10, $0x1;
	s10 =	sld [smem:$0x3F85];
	_ =	sdelay $0x3  }
0x37: {  	[smem:$0x3F85] =	sst s10  }
0x38: {  	s10 =	sld [smem:$0x3F86]  }
0x39: {  	_ = 	snop;
	(pc) =	sbr.ind lr, $3  }
0x3a: {  	_ = 	snop  }
0x3b: {  	_ = 	snop  }
0x3c: {  	p2 =	seq.s32 s10, $0x1;
	s10 =	sld [smem:$0x3F85]  }
0x3d: {  	_ =	shalt  }
0x3e: {  	_ =	shalt  }
0x3f: {  	_ =	shalt  }
0x40: {  	_ =	shalt  }
0x41: {  	_ =	shalt  }
0x42: {  	_ =	shalt  }
0x43: {  	_ =	shalt  }
0x44: {  	_ =	shalt  }
0x45: {  	_ =	shalt  }
0x46: {  	_ =	shalt  }
0x47: {  	_ =	shalt  }
0x48: {  	_ =	shalt  }
0x49: {  	_ =	shalt  }
0x4a: {  	_ =	shalt  }
0x4b: {  	_ =	shalt  }
0x4c: {  	_ =	shalt  }
0x4d: {  	_ =	shalt  }
0x4e: {  	_ =	shalt  }
0x4f: {  	_ =	shalt  }
0x50: {  	_ =	shalt  }
0x51: {  	_ =	shalt  }
0x52: {  	_ =	shalt  }
0x53: {  	_ =	shalt  }
0x54: {  	_ =	shalt  }
0x55: {  	_ =	shalt  }
0x56: {  	_ =	shalt  }
0x57: {  	_ =	shalt  }
0x58: {  	_ =	shalt  }
0x59: {  	_ =	shalt  }
0x5a: {  	_ =	shalt  }
0x5b: {  	_ =	shalt  }
0x5c: {  	_ =	shalt  }
0x5d: {  	_ =	shalt  }
0x5e: {  	_ =	shalt  }
0x5f: {  	_ =	shalt  }
0x60: {  	_ =	shalt  }
0x61: {  	_ =	shalt  }
0x62: {  	_ =	shalt  }
0x63: {  	_ =	shalt  }
0x64: {  	_ =	shalt  }
0x65: {  	_ =	shalt  }
0x66: {  	_ =	shalt  }
0x67: {  	_ =	shalt  }
0x68: {  	_ =	shalt  }
0x69: {  	_ =	shalt  }
0x6a: {  	_ =	shalt  }
0x6b: {  	_ =	shalt  }
0x6c: {  	_ =	shalt  }
0x6d: {  	_ =	shalt  }
0x6e: {  	_ =	shalt  }
0x6f: {  	_ =	shalt  }
0x70: {  	_ =	shalt  }
0x71: {  	_ =	shalt  }
0x72: {  	_ =	shalt  }
0x73: {  	_ =	shalt  }
0x74: {  	_ =	shalt  }
0x75: {  	_ =	shalt  }
0x76: {  	_ =	shalt  }
0x77: {  	_ =	shalt  }
0x78: {  	_ =	shalt  }
0x79: {  	_ =	shalt  }
0x7a: {  	_ =	shalt  }
0x7b: {  	_ =	shalt  }
0x7c: {  	_ =	shalt  }
0x7d: {  	_ =	shalt  }
0x7e: {  	_ =	shalt  }
0x7f: {  	_ =	shalt  }
0x80: {  	_ =	shalt  }
0x81: {  	_ =	shalt  }
0x82: {  	_ =	shalt  }
0x83: {  	_ =	shalt  }
0x84: {  	_ =	shalt  }
0x85: {  	_ =	shalt  }
0x86: {  	_ =	shalt  }
0x87: {  	_ =	shalt  }
.Lfunc_end0:
.L_simem_size_0:
called_computation.5_lowered:
.L_overlay_start_0:
0x88: {  	s2 =	sld [smem:$0x3FD9]  }
0x89: {  	s3 =	sld [smem:$0x3FFE];
	_ =	sdelay $0x1  }
0x8a: {  	s1 =	srdreg.scid  }
0x8b: {  	s0 =	sand.u32 $0x1, s1  }
0x8c: {  	s17 =	sshll.u32 s0, $0xA;
	s2 =	sadd.s32 s3, s2  }
0x8d: {  	s2 =	sadd.s32 s2, s17  }
0x8e: {  	[smem:$0x3F91] =	sst s2  }
0x8f: {  	_ = 	snop  }
0x90: {  	(tm) =	ssettm $0x1  }
0x91: {  	s18 =	sld [smem:$0x3FFB];
	_ =	sdelay $0x3  }
0x92: {  	_ =	strace s18  }
0x93: {  	s2 =	sld [smem:$0x3FFC];
	_ =	sdelay $0x3  }
0x94: {  	_ =	strace s2  }
0x95: {  	s2 =	sld [smem:$0x3FFD];
	_ =	sdelay $0x3  }
0x96: {  	_ =	strace s2  }
0x97: {  	_ =	strace $0x8FFFFFFF  }
0x98: {  	s19 =	sld [smem:$0x3FDB];
	_ =	sdelay $0x1  }
0x99: {  	s20 =	simm.s32 $_scs_section_size  }
0x9a: {  	s4 =	simm.s32 $_size__tile_overlayer_lowered;
	s5 =	simm.s32 $_tile_overlayer_lowered  }
0x9b: {  	s6 =	simm.s32 $0x1BFF;
	s21 =	sshll.u32 s5, $0x1;
	s3 =	sadd.s32 s20, s19  }
0x9c: {  	s22 =	simm.s32 $0x0;
	s4 =	sshll.u32 s4, $0x1;
	s5 =	sadd.s32 s21, s3  }
0x9d: {  	[timem:s22], [sflag:s6] =	dma.local [hbm:s5], s4  }
0x9e: {  	_ =	swait.ge [sflag:s6], s4  }
0x9f: {  	s4 =	ssub.s32 $0x0, s4;
	[sflag:s6] =	ssyncset.done $0x0  }
0xa0: {  	[sflag:s6] =	ssyncadd.s32 s4;
	_ =	sdelay $0x1  }
0xa1: {  	s23 =	simm.s32 $0x1B8B  }
0xa2: {  	_ =	swait.ge [sflag:s23], $0x1  }
0xa3: {  	[sflag:s23] =	ssyncset.done $0x0  }
0xa4: {  	[sflag:s23] =	ssyncadd.s32 $0xFFFFFFFF  }
0xa5: {  	s4 =	sld [smem:$0x0]  }
0xa6: {  	s5 =	sand.u32 $0xFFFFFFFE, s1  }
0xa7: {  	p0 =	sne.s32 s1, s5  }
0xa8: {  	s5 =	sshll.u32 @p0 s5, $0xE  }
0xa9: {  	s5 =	sadd.s32 @p0 $0x11B8D, s5;
	s6 =	sshll.u32 @p0 s4, $0x11  }
0xaa: {  	s5 =	sor.u32 @p0 s6, s5  }
0xab: {  	[sflag:s5] =	ssyncadd.remote.s32 @p0 $0x1;
	_ =	sdelay $0x1  }
0xac: {  	s5 =	simm.s32 @p0 $0x1B8D  }
0xad: {  	_ =	swait.eq @p0 [sflag:s5], $0x1  }
0xae: {  	[sflag:s5] =	ssyncadd.s32 @p0 $0xFFFFFFFF  }
0xaf: {  	s6 =	sshll.u32 @!p0 s1, $0xE  }
0xb0: {  	s6 =	sor.u32 @!p0 $0x4000, s6;
	s5 =	simm.s32 @!p0 $0x1B8D  }
0xb1: {  	s4 =	sshll.u32 @!p0 s4, $0x11;
	s6 =	sadd.s32 @!p0 $0x11B8D, s6;
	_ =	swait.eq @!p0 [sflag:s5], $0x1  }
0xb2: {  	s4 =	sor.u32 @!p0 s4, s6;
	[sflag:s5] =	ssyncadd.s32 @!p0 $0xFFFFFFFF  }
0xb3: {  	s25 =	simm.s32 $0x1B8E;
	s24 =	sld [smem:$0x3FFE];
	[sflag:s4] =	ssyncadd.remote.s32 @!p0 $0x1  }
0xb4: {  	s26 =	simm.s32 $execute0_lowered;
	[smem:$0x3FD2] =	sst s25  }
0xb5: {  	s5 =	sshll.u32 s26, $0x1;
	_ =	strace $0x80000055;
	[dreg:$0x1] =	wrdreg $0xFFFFFFFF  }
0xb6: {  	s28 =	simm.s32 $_size_execute0_lowered;
	s3 =	sadd.s32 s3, s5;
	[dreg:$0x0] =	wrdreg $0x0  }
0xb7: {  	s5 =	sshll.u32 s28, $0x1;
	[dreg:$0x2] =	wrdreg s3  }
0xb8: {  	[dreg:$0x3] =	wrdreg s5  }
0xb9: {  	[dreg:$0x4] =	wrdreg $0xC0  }
0xba: {  	_ =	task [dreg:s22], $0x5FFFF  }
0xbb: {  	[dreg:$0x1] =	wrdreg $0xFFFFFFFF  }
0xbc: {  	[dreg:$0x0] =	wrdreg $0x60  }
0xbd: {  	[dreg:$0x2] =	wrdreg s24  }
0xbe: {  	[dreg:$0x3] =	wrdreg $0xA  }
0xbf: {  	_ =	task.clear_ibuf [dreg:s22], $0x4FFFF;
	_ =	strace $0x90000055  }
0xc0: {  	s29 =	simm.s32 $0xA;
	_ =	strace $0x80000057  }
0xc1: {  	_ =	swait.ge [sflag:s29], $0x1  }
0xc2: {  	[sflag:s29] =	ssyncadd.s32 $0xFFFFFFFF  }
0xc3: {  	_ =	strace $0x90000057  }
0xc4: {  	_ =	sfence  }
0xc5: {  	s30 =	sld [smem:$0x0];
	_ =	sdelay $0x2  }
0xc6: {  	s31 =	sshll.u32 s1, $0xD;
	s1 =	sshrl.u32 s1, $0x2  }
0xc7: {  	s4 =	sand.u32 $0x4000, s31;
	s1 =	sadd.s32 s1, s30  }
0xc8: {  	s0 =	sor.u32 s4, s0;
	s1 =	sshll.u32 s1, $0x11  }
0xc9: {  	s0 =	sor.u32 s1, s0  }
0xca: {  	s0 =	sadd.s32 $0x8F2B, s0  }
0xcb: {  	[sflag:s0] =	ssyncadd.remote.s32 $0x1  }
0xcc: {  	_ =	sfence.sel $0xFFFF  }
0xcd: {  	[dreg:$0x0] =	wrdreg $0xFFFFFFFF;
	(pc) =	sbr.abs _section_cstart, $3  }
0xce: {  	[dreg:$0x1] =	wrdreg $0xFFFFFFFF  }
0xcf: {  	_ =	task.clear_ibuf [dreg:s22], $0x2FFFF;
	_ =	strace $0x9FFFFFFF  }
0xd0: {  	(tm) =	ssettm $0x7FFFFFFF  }
0xd1: {  	_ =	shalt  }
tec
execute0_lowered:
.L_overlay_start_1:
0x0: {  	(tag) =	ssettag $0x1  }
0x1: {  	s1 =	srdreg.scid  }
0x2: {  	s0 =	stileid.u32;
	s10 =	sand.u32 $0x1, s1  }
0x3: {  	s8 =	rddreg [dreg:$0x0];
	s3 =	sshll.u32 s0, $0xB;
	s4 =	sshll.u32 s10, $0xA  }
0x4: {  	s2 =	simm.s32 $0x0;
	s1 =	rddreg [dreg:$0x1];
	s9 =	sor.u32 s4, s3  }
0x5: {  	[smem:$0x7FF] =	sst s2;
	s11 =	sadd.s32 $0x8800, s8;
	s3 =	sshrl.u32 s9, $0x3  }
0x6: {  	_ =	strace $0x80000056;
	s4 =	sadd.s32 s11, s3;
	s3 =	simm.s32 $0x2  }
0x7: {  	[tilespmem:s2], [sflag:$0x2] =	stream.linear.gather [hbm4b:s4+s2], $0x200, $0x38;
	[tilespmem:$0x10200] =	vst v63  }
0x8: {  	_ =	swait.ge [sflag:s3], $0x200  }
0x9: {  	s6 =	simm.s32 $0x200;
	[sflag:s3] =	ssyncset.done $0x0  }
0xa: {  	s7 =	simm.s32 $0x1;
	s5 =	sadd.s32 $0x37800, s8;
	[sflag:s3] =	ssyncadd.s32 $0xFFFFFE00  }
0xb: {  	[tilespmem:s6], [sflag:$0x1] =	stream.indirect.gather [hbm4b:s5+s6], $0x80, s2, s6, $0xb8;
	[tilespmem:$0x10200] =	vst v63  }
0xc: {  	_ =	swait.ge [sflag:s7], $0x10000  }
0xd: {  	s12 =	sadd.s32 $0x108200, s8;
	s29 =	sshll.u32 s9, $0x4;
	[sflag:s7] =	ssyncset.done $0x0  }
0xe: {  	s8 =	sadd.s32 s12, s29;
	[sflag:s7] =	ssyncadd.s32 $0xFFFF0000  }
0xf: {  	[hbm4b:s8+s2] =	stream.linear.scatter [tilespmem:s6], [sflag:$0x2], $0x10000, $0x38;
	[tilespmem:$0x10200] =	vst v63  }
0x10: {  	s13 =	sor.u32 $0x200, s9;
	_ =	swait.ge [sflag:s3], $0x10000  }
0x11: {  	s9 =	sshrl.u32 s13, $0x3;
	[sflag:s3] =	ssyncset.done $0x0  }
0x12: {  	s10 =	ssub.s32 $0x2, s10;
	s9 =	sadd.s32 s11, s9;
	[sflag:s3] =	ssyncadd.s32 $0xFFFF0000  }
0x13: {  	[tilespmem:s2], [sflag:$0x2] =	stream.linear.gather [hbm4b:s9+s2], $0x200, $0x38;
	[tilespmem:$0x10200] =	vst v63  }
0x14: {  	s30 =	sshrl.u32 s10, $0x1;
	_ =	swait.ge [sflag:s3], $0x200  }
0x15: {  	s11 =	ssub.s32 s10, s30;
	[sflag:s3] =	ssyncset.done $0x0  }
0x16: {  	s11 =	smax.u32 s11, $0x1;
	[sflag:s3] =	ssyncadd.s32 $0xFFFFFE00  }
0x17: {  	[tilespmem:s6], [sflag:$0x1] =	stream.indirect.gather [hbm4b:s5+s6], $0x80, s2, s6, $0xb8;
	[tilespmem:$0x10200] =	vst v63  }
0x18: {  	p0 =	sne.s32 s11, $0x1;
	_ =	swait.ge [sflag:s7], $0x10000  }
.Ltmp0:
0x19: {  	s31 =	sshll.u32 s13, $0x4;
	[sflag:s7] =	ssyncset.done $0x0;
	(pc) =	sbr.rel @!p0 .LBB2_2-.Ltmp0, $4  }
0x1a: {  	s10 =	sadd.s32 s12, s31;
	[sflag:s7] =	ssyncadd.s32 $0xFFFF0000  }
0x1b: {  	[hbm4b:s10+s2] =	stream.linear.scatter [tilespmem:s6], [sflag:$0x2], $0x10000, $0x38;
	[tilespmem:$0x10200] =	vst v63  }
0x1c: {  	_ =	swait.ge [sflag:s3], $0x10000  }
0x1d: {  	s11 =	sadd.s32 $0xFFFFFFFF, s11;
	[sflag:s3] =	ssyncset.done $0x0  }
.LBB2_1:
0x1e: {  	p0 =	sne.s32 s11, $0x1;
	s11 =	sadd.s32 $0xFFFFFFFF, s11;
	[sflag:s3] =	ssyncadd.s32 $0xFFFF0000  }
0x1f: {  	[tilespmem:s2], [sflag:$0x2] =	stream.linear.gather [hbm4b:s4+s2], $0x200, $0x38;
	[tilespmem:$0x10200] =	vst v63  }
0x20: {  	_ =	swait.ge [sflag:s3], $0x200  }
0x21: {  	[sflag:s3] =	ssyncset.done $0x0  }
0x22: {  	[sflag:s3] =	ssyncadd.s32 $0xFFFFFE00  }
0x23: {  	[tilespmem:s6], [sflag:$0x1] =	stream.indirect.gather [hbm4b:s5+s6], $0x80, s2, s6, $0xb8;
	[tilespmem:$0x10200] =	vst v63  }
0x24: {  	_ =	swait.ge [sflag:s7], $0x10000  }
0x25: {  	[sflag:s7] =	ssyncset.done $0x0  }
0x26: {  	[sflag:s7] =	ssyncadd.s32 $0xFFFF0000  }
0x27: {  	[hbm4b:s8+s2] =	stream.linear.scatter [tilespmem:s6], [sflag:$0x2], $0x10000, $0x38;
	[tilespmem:$0x10200] =	vst v63  }
0x28: {  	_ =	swait.ge [sflag:s3], $0x10000  }
0x29: {  	[sflag:s3] =	ssyncset.done $0x0  }
0x2a: {  	[sflag:s3] =	ssyncadd.s32 $0xFFFF0000  }
0x2b: {  	[tilespmem:s2], [sflag:$0x2] =	stream.linear.gather [hbm4b:s9+s2], $0x200, $0x38;
	[tilespmem:$0x10200] =	vst v63  }
0x2c: {  	_ =	swait.ge [sflag:s3], $0x200  }
0x2d: {  	[sflag:s3] =	ssyncset.done $0x0  }
0x2e: {  	[sflag:s3] =	ssyncadd.s32 $0xFFFFFE00  }
0x2f: {  	[tilespmem:s6], [sflag:$0x1] =	stream.indirect.gather [hbm4b:s5+s6], $0x80, s2, s6, $0xb8;
	[tilespmem:$0x10200] =	vst v63  }
0x30: {  	_ =	swait.ge [sflag:s7], $0x10000  }
.Ltmp1:
0x31: {  	[sflag:s7] =	ssyncset.done $0x0;
	(pc) =	sbr.rel @p0 .LBB2_1-.Ltmp1, $4  }
0x32: {  	[sflag:s7] =	ssyncadd.s32 $0xFFFF0000  }
0x33: {  	[hbm4b:s10+s2] =	stream.linear.scatter [tilespmem:s6], [sflag:$0x2], $0x10000, $0x38;
	[tilespmem:$0x10200] =	vst v63  }
0x34: {  	_ =	swait.ge [sflag:s3], $0x10000  }
0x35: {  	[sflag:s3] =	ssyncset.done $0x0  }
.LBB2_2:
0x36: {  	[sflag:s3] =	ssyncadd.s32 $0xFFFF0000  }
0x37: {  	_ =	sfence.sel $0x180000  }
0x38: {  	[bflag:$0x0] =	sbarrier.arrive $0xFFFF  }
0x39: {  	p0 =	sne.s32 s0, $0x0;
	_ =	strace $0x90000056  }
0x3a: {  	s0 =	sadd.s32 @!p0 $0x100000, s1;
	[bflag:$0x2] =	sbarrier.arrive $0xFFFF  }
0x3b: {  	[sflag:s0] =	ssyncadd.tile.s32 @!p0 $0x1;
	_ =	shalt  }
.Lfunc_end2:
_tile_overlayer_lowered:
.L_overlay_start_2:
0x3c: {  	(tag) =	ssettag $0x2  }
0x3d: {  	s0 =	rddreg [dreg:$0x0];
	s2 =	stileid.u32  }
0x3e: {  	s1 =	rddreg [dreg:$0x1];
	p0 =	sne.s32 s2, $0x0  }
0x3f: {  	s3 =	rddreg [dreg:$0x2];
	[bflag:$0x3] =	sbarrier.arrive $0xFFFF;
	s2 =	simm.s32 @!p0 $0x1C02  }
0x40: {  	[timem:s3], [sflag:s2] =	dma.local @!p0 [hbm:s0], s1  }
0x41: {  	s0 =	simm.s32 @!p0 $0x2  }
0x42: {  	_ =	swait.ge @!p0 [sflag:s0], s1  }
0x43: {  	s1 =	ssub.s32 @!p0 $0x0, s1;
	[sflag:s0] =	ssyncset.done @!p0 $0x0  }
0x44: {  	[sflag:s0] =	ssyncadd.s32 @!p0 s1  }
0x45: {  	[bflag:$0x3] =	sbarrier.arrive $0xFFFF  }
0x46: {  	_ =	shalt  }

// kernel: kernel.48.cloned.1.call-start
scs
__scs_entry_jumppad:
0x0: {  	(pc) =	sbr.rel $0x88, $3  }
0x1: {  	(tag) =	ssettag $0x0;
	lr =	simm.s32 $0x1  }
0x2: {  	[smem:$0x3F6A] =	sst lr;
	_ =	strace $0xD0000000  }
0x3: {  	_ = 	snop  }
0x4: {  	_ = 	snop  }
0x5: {  	_ = 	snop  }
0x6: {  	_ = 	snop  }
0x7: {  	_ = 	snop  }
__scs_overlays_trampoline_lowered:
0x8: {  	[smem:$0x3F79] =	sst s0  }
0x9: {  	[smem:$0x3F7A] =	sst s1  }
0xa: {  	[smem:$0x3F7B] =	sst s2  }
0xb: {  	[smem:$0x3F7C] =	sst s3  }
0xc: {  	[smem:$0x3F7D] =	sst s4  }
0xd: {  	[smem:$0x3F7E] =	sst s5  }
0xe: {  	[smem:$0x3F7F] =	sst s6  }
0xf: {  	[smem:$0x3F80] =	sst s7  }
0x10: {  	[smem:$0x3F81] =	sst s8  }
0x11: {  	[smem:$0x3F82] =	sst s9;
	s0 =	simm.s32 @!p0 $0x0  }
0x12: {  	s1 =	sld [smem:$0x3F68];
	s0 =	simm.s32 @p0 $0x1  }
0x13: {  	[smem:$0x3F83] =	sst s0;
	s0 =	simm.s32 @!p1 $0x0  }
0x14: {  	s2 =	sld [smem:$0x3F67];
	s0 =	simm.s32 @p1 $0x1  }
0x15: {  	[smem:$0x3F84] =	sst s0;
	s0 =	simm.s32 @!p2 $0x0  }
0x16: {  	s3 =	sld [smem:$0x3FDB];
	s0 =	simm.s32 @p2 $0x1  }
0x17: {  	s4 =	simm.s32 $0x1BF5;
	[smem:$0x3F86] =	sst s0  }
0x18: {  	s0 =	sld [smem:$0x3F69];
	_ =	swait.ge [sflag:s4], $0x0  }
0x19: {  	s7 =	sld [smem:$0x3F6A]  }
0x1a: {  	s8 =	sadd.s32 $0xFFFFE003, lr  }
0x1b: {  	s9 =	sadd.s32 $0xFFFFFEF7, lr;
	s5 =	simm.s32 $0xFFFFFFFF;
	p2 =	slt.u32 s8, $0xFFFFF086  }
0x1c: {  	p1 =	slt.u32 s9, $0xF7A;
	s5 =	simm.s32 @!p2 $0x0  }
0x1d: {  	s5 =	simm.s32 @p1 $0x1;
	p0 =	seq.s32 s7, s2  }
0x1e: {  	s7 =	smul.u32 @!p0 $0xF7A, s2;
	p2 =	seq.s32 @!p0 s5, $0x0  }
0x1f: {  	s9 =	smul.u32 $0xF7A, s1;
	s8 =	simm.s32 @!p0 $0x1BF5;
	p2 =	por !p2, p0  }
0x20: {  	[sflag:s8] =	ssyncset.s32 @!p0 $0xFFFFF086;
	s6 =	sadd.s32 @!p0 s3, s7;
	s7 =	simm.s32 @!p0 $0x108  }
0x21: {  	s3 =	sadd.s32 s3, s9;
	s6 =	sadd.s32 @!p0 $0x88, s6;
	s7 =	simm.s32 @p2 $0x1082  }
0x22: {  	[simem:s7], [sflag:s8] =	dma.local @!p0 [hbm:s6], $0xF7A  }
0x23: {  	s9 =	sor.u32 $0xD0000000, s2;
	s6 =	simm.s32 $0x108;
	_ =	swait.ge @!p0 [sflag:s8], $0x0  }
0x24: {  	s3 =	sadd.s32 $0x88, s3;
	s6 =	simm.s32 @!p1 $0x1082;
	[sflag:s4] =	ssyncset.s32 $0xFFFFF086  }
0x25: {  	[simem:s6], [sflag:s4] =	dma.local [hbm:s3], $0xF7A  }
0x26: {  	[smem:$0x3F6A] =	sst s1;
	(tag) =	ssettag s2;
	_ =	strace s9  }
0x27: {  	s1 =	sld [smem:$0x3F7A]  }
0x28: {  	s2 =	sld [smem:$0x3F7B]  }
0x29: {  	s4 =	sld [smem:$0x3F7D]  }
0x2a: {  	p0 =	seq.s32 s5, $0x0;
	s5 =	sld [smem:$0x3F7E]  }
0x2b: {  	s6 =	sld [smem:$0x3F7F]  }
0x2c: {  	s7 =	sld [smem:$0x3F80]  }
0x2d: {  	s3 =	simm.s32 $0x108;
	s8 =	sld [smem:$0x3F81]  }
0x2e: {  	s3 =	simm.s32 @!p0 $0x1082;
	s9 =	sld [smem:$0x3F82]  }
0x2f: {  	lr =	sadd.s32 s0, s3;
	s0 =	sld [smem:$0x3F79]  }
0x30: {  	s3 =	sld [smem:$0x3F7C]  }
0x31: {  	[smem:$0x3F85] =	sst s10  }
0x32: {  	s10 =	sld [smem:$0x3F83];
	_ =	sdelay $0x3  }
0x33: {  	p0 =	seq.s32 s10, $0x1;
	s10 =	sld [smem:$0x3F85];
	_ =	sdelay $0x3  }
0x34: {  	[smem:$0x3F85] =	sst s10  }
0x35: {  	s10 =	sld [smem:$0x3F84];
	_ =	sdelay $0x3  }
0x36: {  	p1 =	seq.s32 s10, $0x1;
	s10 =	sld [smem:$0x3F85];
	_ =	sdelay $0x3  }
0x37: {  	[smem:$0x3F85] =	sst s10  }
0x38: {  	s10 =	sld [smem:$0x3F86]  }
0x39: {  	_ = 	snop;
	(pc) =	sbr.ind lr, $3  }
0x3a: {  	_ = 	snop  }
0x3b: {  	_ = 	snop  }
0x3c: {  	p2 =	seq.s32 s10, $0x1;
	s10 =	sld [smem:$0x3F85]  }
0x3d: {  	_ =	shalt  }
0x3e: {  	_ =	shalt  }
0x3f: {  	_ =	shalt  }
0x40: {  	_ =	shalt  }
0x41: {  	_ =	shalt  }
0x42: {  	_ =	shalt  }
0x43: {  	_ =	shalt  }
0x44: {  	_ =	shalt  }
0x45: {  	_ =	shalt  }
0x46: {  	_ =	shalt  }
0x47: {  	_ =	shalt  }
0x48: {  	_ =	shalt  }
0x49: {  	_ =	shalt  }
0x4a: {  	_ =	shalt  }
0x4b: {  	_ =	shalt  }
0x4c: {  	_ =	shalt  }
0x4d: {  	_ =	shalt  }
0x4e: {  	_ =	shalt  }
0x4f: {  	_ =	shalt  }
0x50: {  	_ =	shalt  }
0x51: {  	_ =	shalt  }
0x52: {  	_ =	shalt  }
0x53: {  	_ =	shalt  }
0x54: {  	_ =	shalt  }
0x55: {  	_ =	shalt  }
0x56: {  	_ =	shalt  }
0x57: {  	_ =	shalt  }
0x58: {  	_ =	shalt  }
0x59: {  	_ =	shalt  }
0x5a: {  	_ =	shalt  }
0x5b: {  	_ =	shalt  }
0x5c: {  	_ =	shalt  }
0x5d: {  	_ =	shalt  }
0x5e: {  	_ =	shalt  }
0x5f: {  	_ =	shalt  }
0x60: {  	_ =	shalt  }
0x61: {  	_ =	shalt  }
0x62: {  	_ =	shalt  }
0x63: {  	_ =	shalt  }
0x64: {  	_ =	shalt  }
0x65: {  	_ =	shalt  }
0x66: {  	_ =	shalt  }
0x67: {  	_ =	shalt  }
0x68: {  	_ =	shalt  }
0x69: {  	_ =	shalt  }
0x6a: {  	_ =	shalt  }
0x6b: {  	_ =	shalt  }
0x6c: {  	_ =	shalt  }
0x6d: {  	_ =	shalt  }
0x6e: {  	_ =	shalt  }
0x6f: {  	_ =	shalt  }
0x70: {  	_ =	shalt  }
0x71: {  	_ =	shalt  }
0x72: {  	_ =	shalt  }
0x73: {  	_ =	shalt  }
0x74: {  	_ =	shalt  }
0x75: {  	_ =	shalt  }
0x76: {  	_ =	shalt  }
0x77: {  	_ =	shalt  }
0x78: {  	_ =	shalt  }
0x79: {  	_ =	shalt  }
0x7a: {  	_ =	shalt  }
0x7b: {  	_ =	shalt  }
0x7c: {  	_ =	shalt  }
0x7d: {  	_ =	shalt  }
0x7e: {  	_ =	shalt  }
0x7f: {  	_ =	shalt  }
0x80: {  	_ =	shalt  }
0x81: {  	_ =	shalt  }
0x82: {  	_ =	shalt  }
0x83: {  	_ =	shalt  }
0x84: {  	_ =	shalt  }
0x85: {  	_ =	shalt  }
0x86: {  	_ =	shalt  }
0x87: {  	_ =	shalt  }
.Lfunc_end0:
.L_simem_size_0:
called_computation.6_lowered:
.L_overlay_start_0:
0x88: {  	s2 =	sld [smem:$0x3FD9]  }
0x89: {  	s3 =	sld [smem:$0x3FFE];
	_ =	sdelay $0x1  }
0x8a: {  	s1 =	srdreg.scid  }
0x8b: {  	s0 =	sand.u32 $0x1, s1  }
0x8c: {  	s17 =	sshll.u32 s0, $0xA;
	s2 =	sadd.s32 s3, s2  }
0x8d: {  	s2 =	sadd.s32 s2, s17  }
0x8e: {  	[smem:$0x3F91] =	sst s2  }
0x8f: {  	_ = 	snop  }
0x90: {  	(tm) =	ssettm $0x1  }
0x91: {  	s18 =	sld [smem:$0x3FFB];
	_ =	sdelay $0x3  }
0x92: {  	_ =	strace s18  }
0x93: {  	s2 =	sld [smem:$0x3FFC];
	_ =	sdelay $0x3  }
0x94: {  	_ =	strace s2  }
0x95: {  	s2 =	sld [smem:$0x3FFD];
	_ =	sdelay $0x3  }
0x96: {  	_ =	strace s2  }
0x97: {  	_ =	strace $0x8FFFFFFF  }
0x98: {  	s19 =	sld [smem:$0x3FDB];
	_ =	sdelay $0x1  }
0x99: {  	s20 =	simm.s32 $_scs_section_size  }
0x9a: {  	s4 =	simm.s32 $_size__tile_overlayer_lowered;
	s5 =	simm.s32 $_tile_overlayer_lowered  }
0x9b: {  	s6 =	simm.s32 $0x1BFF;
	s21 =	sshll.u32 s5, $0x1;
	s3 =	sadd.s32 s20, s19  }
0x9c: {  	s22 =	simm.s32 $0x0;
	s4 =	sshll.u32 s4, $0x1;
	s5 =	sadd.s32 s21, s3  }
0x9d: {  	[timem:s22], [sflag:s6] =	dma.local [hbm:s5], s4  }
0x9e: {  	_ =	swait.ge [sflag:s6], s4  }
0x9f: {  	s4 =	ssub.s32 $0x0, s4;
	[sflag:s6] =	ssyncset.done $0x0  }
0xa0: {  	[sflag:s6] =	ssyncadd.s32 s4;
	_ =	sdelay $0x1  }
0xa1: {  	s23 =	simm.s32 $0x1B8B  }
0xa2: {  	_ =	swait.ge [sflag:s23], $0x1  }
0xa3: {  	[sflag:s23] =	ssyncset.done $0x0  }
0xa4: {  	[sflag:s23] =	ssyncadd.s32 $0xFFFFFFFF  }
0xa5: {  	s4 =	sld [smem:$0x0]  }
0xa6: {  	s5 =	sand.u32 $0xFFFFFFFE, s1  }
0xa7: {  	p0 =	sne.s32 s1, s5  }
0xa8: {  	s5 =	sshll.u32 @p0 s5, $0xE  }
0xa9: {  	s5 =	sadd.s32 @p0 $0x11B8D, s5;
	s6 =	sshll.u32 @p0 s4, $0x11  }
0xaa: {  	s5 =	sor.u32 @p0 s6, s5  }
0xab: {  	[sflag:s5] =	ssyncadd.remote.s32 @p0 $0x1;
	_ =	sdelay $0x1  }
0xac: {  	s5 =	simm.s32 @p0 $0x1B8D  }
0xad: {  	_ =	swait.eq @p0 [sflag:s5], $0x1  }
0xae: {  	[sflag:s5] =	ssyncadd.s32 @p0 $0xFFFFFFFF  }
0xaf: {  	s6 =	sshll.u32 @!p0 s1, $0xE  }
0xb0: {  	s6 =	sor.u32 @!p0 $0x4000, s6;
	s5 =	simm.s32 @!p0 $0x1B8D  }
0xb1: {  	s4 =	sshll.u32 @!p0 s4, $0x11;
	s6 =	sadd.s32 @!p0 $0x11B8D, s6;
	_ =	swait.eq @!p0 [sflag:s5], $0x1  }
0xb2: {  	s4 =	sor.u32 @!p0 s4, s6;
	[sflag:s5] =	ssyncadd.s32 @!p0 $0xFFFFFFFF  }
0xb3: {  	s25 =	simm.s32 $0x1B8E;
	s24 =	sld [smem:$0x3FFE];
	[sflag:s4] =	ssyncadd.remote.s32 @!p0 $0x1  }
0xb4: {  	s26 =	simm.s32 $execute0_lowered;
	[smem:$0x3FD2] =	sst s25  }
0xb5: {  	s5 =	sshll.u32 s26, $0x1;
	_ =	strace $0x80000058;
	[dreg:$0x1] =	wrdreg $0xFFFFFFFF  }
0xb6: {  	s28 =	simm.s32 $_size_execute0_lowered;
	s3 =	sadd.s32 s3, s5;
	[dreg:$0x0] =	wrdreg $0x0  }
0xb7: {  	s5 =	sshll.u32 s28, $0x1;
	[dreg:$0x2] =	wrdreg s3  }
0xb8: {  	[dreg:$0x3] =	wrdreg s5  }
0xb9: {  	[dreg:$0x4] =	wrdreg $0xC0  }
0xba: {  	_ =	task [dreg:s22], $0x5FFFF  }
0xbb: {  	[dreg:$0x1] =	wrdreg $0xFFFFFFFF  }
0xbc: {  	[dreg:$0x0] =	wrdreg $0x60  }
0xbd: {  	[dreg:$0x2] =	wrdreg s24  }
0xbe: {  	[dreg:$0x3] =	wrdreg $0xB  }
0xbf: {  	_ =	task.clear_ibuf [dreg:s22], $0x4FFFF;
	_ =	strace $0x90000058  }
0xc0: {  	s29 =	simm.s32 $0xB;
	_ =	strace $0x8000005A  }
0xc1: {  	_ =	swait.ge [sflag:s29], $0x1  }
0xc2: {  	[sflag:s29] =	ssyncadd.s32 $0xFFFFFFFF  }
0xc3: {  	_ =	strace $0x9000005A  }
0xc4: {  	_ =	sfence  }
0xc5: {  	s30 =	sld [smem:$0x0];
	_ =	sdelay $0x2  }
0xc6: {  	s31 =	sshll.u32 s1, $0xD;
	s1 =	sshrl.u32 s1, $0x2  }
0xc7: {  	s4 =	sand.u32 $0x4000, s31;
	s1 =	sadd.s32 s1, s30  }
0xc8: {  	s0 =	sor.u32 s4, s0;
	s1 =	sshll.u32 s1, $0x11  }
0xc9: {  	s0 =	sor.u32 s1, s0  }
0xca: {  	s0 =	sadd.s32 $0x8F2B, s0  }
0xcb: {  	[sflag:s0] =	ssyncadd.remote.s32 $0x1  }
0xcc: {  	_ =	sfence.sel $0xFFFF  }
0xcd: {  	[dreg:$0x0] =	wrdreg $0xFFFFFFFF;
	(pc) =	sbr.abs _section_cstart, $3  }
0xce: {  	[dreg:$0x1] =	wrdreg $0xFFFFFFFF  }
0xcf: {  	_ =	task.clear_ibuf [dreg:s22], $0x2FFFF;
	_ =	strace $0x9FFFFFFF  }
0xd0: {  	(tm) =	ssettm $0x7FFFFFFF  }
0xd1: {  	_ =	shalt  }
tec
execute0_lowered:
.L_overlay_start_1:
0x0: {  	(tag) =	ssettag $0x1  }
0x1: {  	s1 =	srdreg.scid  }
0x2: {  	s0 =	stileid.u32;
	s10 =	sand.u32 $0x1, s1  }
0x3: {  	s8 =	rddreg [dreg:$0x0];
	s3 =	sshll.u32 s0, $0xB;
	s4 =	sshll.u32 s10, $0xA  }
0x4: {  	s2 =	simm.s32 $0x0;
	s1 =	rddreg [dreg:$0x1];
	s9 =	sor.u32 s4, s3  }
0x5: {  	[smem:$0x7FF] =	sst s2;
	s11 =	sadd.s32 $0x9800, s8;
	s3 =	sshrl.u32 s9, $0x3  }
0x6: {  	_ =	strace $0x80000059;
	s4 =	sadd.s32 s11, s3;
	s3 =	simm.s32 $0x2  }
0x7: {  	[tilespmem:s2], [sflag:$0x2] =	stream.linear.gather [hbm4b:s4+s2], $0x200, $0x38;
	[tilespmem:$0x10200] =	vst v63  }
0x8: {  	_ =	swait.ge [sflag:s3], $0x200  }
0x9: {  	s6 =	simm.s32 $0x200;
	[sflag:s3] =	ssyncset.done $0x0  }
0xa: {  	s7 =	simm.s32 $0x1;
	s5 =	sadd.s32 $0x68200, s8;
	[sflag:s3] =	ssyncadd.s32 $0xFFFFFE00  }
0xb: {  	[tilespmem:s6], [sflag:$0x1] =	stream.indirect.gather [hbm4b:s5+s6], $0x80, s2, s6, $0xb8;
	[tilespmem:$0x10200] =	vst v63  }
0xc: {  	_ =	swait.ge [sflag:s7], $0x10000  }
0xd: {  	s12 =	sadd.s32 $0x188200, s8;
	s29 =	sshll.u32 s9, $0x4;
	[sflag:s7] =	ssyncset.done $0x0  }
0xe: {  	s8 =	sadd.s32 s12, s29;
	[sflag:s7] =	ssyncadd.s32 $0xFFFF0000  }
0xf: {  	[hbm4b:s8+s2] =	stream.linear.scatter [tilespmem:s6], [sflag:$0x2], $0x10000, $0x38;
	[tilespmem:$0x10200] =	vst v63  }
0x10: {  	s13 =	sor.u32 $0x200, s9;
	_ =	swait.ge [sflag:s3], $0x10000  }
0x11: {  	s9 =	sshrl.u32 s13, $0x3;
	[sflag:s3] =	ssyncset.done $0x0  }
0x12: {  	s10 =	ssub.s32 $0x2, s10;
	s9 =	sadd.s32 s11, s9;
	[sflag:s3] =	ssyncadd.s32 $0xFFFF0000  }
0x13: {  	[tilespmem:s2], [sflag:$0x2] =	stream.linear.gather [hbm4b:s9+s2], $0x200, $0x38;
	[tilespmem:$0x10200] =	vst v63  }
0x14: {  	s30 =	sshrl.u32 s10, $0x1;
	_ =	swait.ge [sflag:s3], $0x200  }
0x15: {  	s11 =	ssub.s32 s10, s30;
	[sflag:s3] =	ssyncset.done $0x0  }
0x16: {  	s11 =	smax.u32 s11, $0x1;
	[sflag:s3] =	ssyncadd.s32 $0xFFFFFE00  }
0x17: {  	[tilespmem:s6], [sflag:$0x1] =	stream.indirect.gather [hbm4b:s5+s6], $0x80, s2, s6, $0xb8;
	[tilespmem:$0x10200] =	vst v63  }
0x18: {  	p0 =	sne.s32 s11, $0x1;
	_ =	swait.ge [sflag:s7], $0x10000  }
.Ltmp0:
0x19: {  	s31 =	sshll.u32 s13, $0x4;
	[sflag:s7] =	ssyncset.done $0x0;
	(pc) =	sbr.rel @!p0 .LBB2_2-.Ltmp0, $4  }
0x1a: {  	s10 =	sadd.s32 s12, s31;
	[sflag:s7] =	ssyncadd.s32 $0xFFFF0000  }
0x1b: {  	[hbm4b:s10+s2] =	stream.linear.scatter [tilespmem:s6], [sflag:$0x2], $0x10000, $0x38;
	[tilespmem:$0x10200] =	vst v63  }
0x1c: {  	_ =	swait.ge [sflag:s3], $0x10000  }
0x1d: {  	s11 =	sadd.s32 $0xFFFFFFFF, s11;
	[sflag:s3] =	ssyncset.done $0x0  }
.LBB2_1:
0x1e: {  	p0 =	sne.s32 s11, $0x1;
	s11 =	sadd.s32 $0xFFFFFFFF, s11;
	[sflag:s3] =	ssyncadd.s32 $0xFFFF0000  }
0x1f: {  	[tilespmem:s2], [sflag:$0x2] =	stream.linear.gather [hbm4b:s4+s2], $0x200, $0x38;
	[tilespmem:$0x10200] =	vst v63  }
0x20: {  	_ =	swait.ge [sflag:s3], $0x200  }
0x21: {  	[sflag:s3] =	ssyncset.done $0x0  }
0x22: {  	[sflag:s3] =	ssyncadd.s32 $0xFFFFFE00  }
0x23: {  	[tilespmem:s6], [sflag:$0x1] =	stream.indirect.gather [hbm4b:s5+s6], $0x80, s2, s6, $0xb8;
	[tilespmem:$0x10200] =	vst v63  }
0x24: {  	_ =	swait.ge [sflag:s7], $0x10000  }
0x25: {  	[sflag:s7] =	ssyncset.done $0x0  }
0x26: {  	[sflag:s7] =	ssyncadd.s32 $0xFFFF0000  }
0x27: {  	[hbm4b:s8+s2] =	stream.linear.scatter [tilespmem:s6], [sflag:$0x2], $0x10000, $0x38;
	[tilespmem:$0x10200] =	vst v63  }
0x28: {  	_ =	swait.ge [sflag:s3], $0x10000  }
0x29: {  	[sflag:s3] =	ssyncset.done $0x0  }
0x2a: {  	[sflag:s3] =	ssyncadd.s32 $0xFFFF0000  }
0x2b: {  	[tilespmem:s2], [sflag:$0x2] =	stream.linear.gather [hbm4b:s9+s2], $0x200, $0x38;
	[tilespmem:$0x10200] =	vst v63  }
0x2c: {  	_ =	swait.ge [sflag:s3], $0x200  }
0x2d: {  	[sflag:s3] =	ssyncset.done $0x0  }
0x2e: {  	[sflag:s3] =	ssyncadd.s32 $0xFFFFFE00  }
0x2f: {  	[tilespmem:s6], [sflag:$0x1] =	stream.indirect.gather [hbm4b:s5+s6], $0x80, s2, s6, $0xb8;
	[tilespmem:$0x10200] =	vst v63  }
0x30: {  	_ =	swait.ge [sflag:s7], $0x10000  }
.Ltmp1:
0x31: {  	[sflag:s7] =	ssyncset.done $0x0;
	(pc) =	sbr.rel @p0 .LBB2_1-.Ltmp1, $4  }
0x32: {  	[sflag:s7] =	ssyncadd.s32 $0xFFFF0000  }
0x33: {  	[hbm4b:s10+s2] =	stream.linear.scatter [tilespmem:s6], [sflag:$0x2], $0x10000, $0x38;
	[tilespmem:$0x10200] =	vst v63  }
0x34: {  	_ =	swait.ge [sflag:s3], $0x10000  }
0x35: {  	[sflag:s3] =	ssyncset.done $0x0  }
.LBB2_2:
0x36: {  	[sflag:s3] =	ssyncadd.s32 $0xFFFF0000  }
0x37: {  	_ =	sfence.sel $0x180000  }
0x38: {  	[bflag:$0x0] =	sbarrier.arrive $0xFFFF  }
0x39: {  	p0 =	sne.s32 s0, $0x0;
	_ =	strace $0x90000059  }
0x3a: {  	s0 =	sadd.s32 @!p0 $0x100000, s1;
	[bflag:$0x2] =	sbarrier.arrive $0xFFFF  }
0x3b: {  	[sflag:s0] =	ssyncadd.tile.s32 @!p0 $0x1;
	_ =	shalt  }
.Lfunc_end2:
_tile_overlayer_lowered:
.L_overlay_start_2:
0x3c: {  	(tag) =	ssettag $0x2  }
0x3d: {  	s0 =	rddreg [dreg:$0x0];
	s2 =	stileid.u32  }
0x3e: {  	s1 =	rddreg [dreg:$0x1];
	p0 =	sne.s32 s2, $0x0  }
0x3f: {  	s3 =	rddreg [dreg:$0x2];
	[bflag:$0x3] =	sbarrier.arrive $0xFFFF;
	s2 =	simm.s32 @!p0 $0x1C02  }
0x40: {  	[timem:s3], [sflag:s2] =	dma.local @!p0 [hbm:s0], s1  }
0x41: {  	s0 =	simm.s32 @!p0 $0x2  }
0x42: {  	_ =	swait.ge @!p0 [sflag:s0], s1  }
0x43: {  	s1 =	ssub.s32 @!p0 $0x0, s1;
	[sflag:s0] =	ssyncset.done @!p0 $0x0  }
0x44: {  	[sflag:s0] =	ssyncadd.s32 @!p0 s1  }
0x45: {  	[bflag:$0x3] =	sbarrier.arrive $0xFFFF  }
0x46: {  	_ =	shalt  }

// kernel: kernel.51.cloned.1.call-start
scs
__scs_entry_jumppad:
0x0: {  	(pc) =	sbr.rel $0x88, $3  }
0x1: {  	(tag) =	ssettag $0x0;
	lr =	simm.s32 $0x1  }
0x2: {  	[smem:$0x3F6A] =	sst lr;
	_ =	strace $0xD0000000  }
0x3: {  	_ = 	snop  }
0x4: {  	_ = 	snop  }
0x5: {  	_ = 	snop  }
0x6: {  	_ = 	snop  }
0x7: {  	_ = 	snop  }
__scs_overlays_trampoline_lowered:
0x8: {  	[smem:$0x3F79] =	sst s0  }
0x9: {  	[smem:$0x3F7A] =	sst s1  }
0xa: {  	[smem:$0x3F7B] =	sst s2  }
0xb: {  	[smem:$0x3F7C] =	sst s3  }
0xc: {  	[smem:$0x3F7D] =	sst s4  }
0xd: {  	[smem:$0x3F7E] =	sst s5  }
0xe: {  	[smem:$0x3F7F] =	sst s6  }
0xf: {  	[smem:$0x3F80] =	sst s7  }
0x10: {  	[smem:$0x3F81] =	sst s8  }
0x11: {  	[smem:$0x3F82] =	sst s9;
	s0 =	simm.s32 @!p0 $0x0  }
0x12: {  	s1 =	sld [smem:$0x3F68];
	s0 =	simm.s32 @p0 $0x1  }
0x13: {  	[smem:$0x3F83] =	sst s0;
	s0 =	simm.s32 @!p1 $0x0  }
0x14: {  	s2 =	sld [smem:$0x3F67];
	s0 =	simm.s32 @p1 $0x1  }
0x15: {  	[smem:$0x3F84] =	sst s0;
	s0 =	simm.s32 @!p2 $0x0  }
0x16: {  	s3 =	sld [smem:$0x3FDB];
	s0 =	simm.s32 @p2 $0x1  }
0x17: {  	s4 =	simm.s32 $0x1BF5;
	[smem:$0x3F86] =	sst s0  }
0x18: {  	s0 =	sld [smem:$0x3F69];
	_ =	swait.ge [sflag:s4], $0x0  }
0x19: {  	s7 =	sld [smem:$0x3F6A]  }
0x1a: {  	s8 =	sadd.s32 $0xFFFFE003, lr  }
0x1b: {  	s9 =	sadd.s32 $0xFFFFFEF7, lr;
	s5 =	simm.s32 $0xFFFFFFFF;
	p2 =	slt.u32 s8, $0xFFFFF086  }
0x1c: {  	p1 =	slt.u32 s9, $0xF7A;
	s5 =	simm.s32 @!p2 $0x0  }
0x1d: {  	s5 =	simm.s32 @p1 $0x1;
	p0 =	seq.s32 s7, s2  }
0x1e: {  	s7 =	smul.u32 @!p0 $0xF7A, s2;
	p2 =	seq.s32 @!p0 s5, $0x0  }
0x1f: {  	s9 =	smul.u32 $0xF7A, s1;
	s8 =	simm.s32 @!p0 $0x1BF5;
	p2 =	por !p2, p0  }
0x20: {  	[sflag:s8] =	ssyncset.s32 @!p0 $0xFFFFF086;
	s6 =	sadd.s32 @!p0 s3, s7;
	s7 =	simm.s32 @!p0 $0x108  }
0x21: {  	s3 =	sadd.s32 s3, s9;
	s6 =	sadd.s32 @!p0 $0x88, s6;
	s7 =	simm.s32 @p2 $0x1082  }
0x22: {  	[simem:s7], [sflag:s8] =	dma.local @!p0 [hbm:s6], $0xF7A  }
0x23: {  	s9 =	sor.u32 $0xD0000000, s2;
	s6 =	simm.s32 $0x108;
	_ =	swait.ge @!p0 [sflag:s8], $0x0  }
0x24: {  	s3 =	sadd.s32 $0x88, s3;
	s6 =	simm.s32 @!p1 $0x1082;
	[sflag:s4] =	ssyncset.s32 $0xFFFFF086  }
0x25: {  	[simem:s6], [sflag:s4] =	dma.local [hbm:s3], $0xF7A  }
0x26: {  	[smem:$0x3F6A] =	sst s1;
	(tag) =	ssettag s2;
	_ =	strace s9  }
0x27: {  	s1 =	sld [smem:$0x3F7A]  }
0x28: {  	s2 =	sld [smem:$0x3F7B]  }
0x29: {  	s4 =	sld [smem:$0x3F7D]  }
0x2a: {  	p0 =	seq.s32 s5, $0x0;
	s5 =	sld [smem:$0x3F7E]  }
0x2b: {  	s6 =	sld [smem:$0x3F7F]  }
0x2c: {  	s7 =	sld [smem:$0x3F80]  }
0x2d: {  	s3 =	simm.s32 $0x108;
	s8 =	sld [smem:$0x3F81]  }
0x2e: {  	s3 =	simm.s32 @!p0 $0x1082;
	s9 =	sld [smem:$0x3F82]  }
0x2f: {  	lr =	sadd.s32 s0, s3;
	s0 =	sld [smem:$0x3F79]  }
0x30: {  	s3 =	sld [smem:$0x3F7C]  }
0x31: {  	[smem:$0x3F85] =	sst s10  }
0x32: {  	s10 =	sld [smem:$0x3F83];
	_ =	sdelay $0x3  }
0x33: {  	p0 =	seq.s32 s10, $0x1;
	s10 =	sld [smem:$0x3F85];
	_ =	sdelay $0x3  }
0x34: {  	[smem:$0x3F85] =	sst s10  }
0x35: {  	s10 =	sld [smem:$0x3F84];
	_ =	sdelay $0x3  }
0x36: {  	p1 =	seq.s32 s10, $0x1;
	s10 =	sld [smem:$0x3F85];
	_ =	sdelay $0x3  }
0x37: {  	[smem:$0x3F85] =	sst s10  }
0x38: {  	s10 =	sld [smem:$0x3F86]  }
0x39: {  	_ = 	snop;
	(pc) =	sbr.ind lr, $3  }
0x3a: {  	_ = 	snop  }
0x3b: {  	_ = 	snop  }
0x3c: {  	p2 =	seq.s32 s10, $0x1;
	s10 =	sld [smem:$0x3F85]  }
0x3d: {  	_ =	shalt  }
0x3e: {  	_ =	shalt  }
0x3f: {  	_ =	shalt  }
0x40: {  	_ =	shalt  }
0x41: {  	_ =	shalt  }
0x42: {  	_ =	shalt  }
0x43: {  	_ =	shalt  }
0x44: {  	_ =	shalt  }
0x45: {  	_ =	shalt  }
0x46: {  	_ =	shalt  }
0x47: {  	_ =	shalt  }
0x48: {  	_ =	shalt  }
0x49: {  	_ =	shalt  }
0x4a: {  	_ =	shalt  }
0x4b: {  	_ =	shalt  }
0x4c: {  	_ =	shalt  }
0x4d: {  	_ =	shalt  }
0x4e: {  	_ =	shalt  }
0x4f: {  	_ =	shalt  }
0x50: {  	_ =	shalt  }
0x51: {  	_ =	shalt  }
0x52: {  	_ =	shalt  }
0x53: {  	_ =	shalt  }
0x54: {  	_ =	shalt  }
0x55: {  	_ =	shalt  }
0x56: {  	_ =	shalt  }
0x57: {  	_ =	shalt  }
0x58: {  	_ =	shalt  }
0x59: {  	_ =	shalt  }
0x5a: {  	_ =	shalt  }
0x5b: {  	_ =	shalt  }
0x5c: {  	_ =	shalt  }
0x5d: {  	_ =	shalt  }
0x5e: {  	_ =	shalt  }
0x5f: {  	_ =	shalt  }
0x60: {  	_ =	shalt  }
0x61: {  	_ =	shalt  }
0x62: {  	_ =	shalt  }
0x63: {  	_ =	shalt  }
0x64: {  	_ =	shalt  }
0x65: {  	_ =	shalt  }
0x66: {  	_ =	shalt  }
0x67: {  	_ =	shalt  }
0x68: {  	_ =	shalt  }
0x69: {  	_ =	shalt  }
0x6a: {  	_ =	shalt  }
0x6b: {  	_ =	shalt  }
0x6c: {  	_ =	shalt  }
0x6d: {  	_ =	shalt  }
0x6e: {  	_ =	shalt  }
0x6f: {  	_ =	shalt  }
0x70: {  	_ =	shalt  }
0x71: {  	_ =	shalt  }
0x72: {  	_ =	shalt  }
0x73: {  	_ =	shalt  }
0x74: {  	_ =	shalt  }
0x75: {  	_ =	shalt  }
0x76: {  	_ =	shalt  }
0x77: {  	_ =	shalt  }
0x78: {  	_ =	shalt  }
0x79: {  	_ =	shalt  }
0x7a: {  	_ =	shalt  }
0x7b: {  	_ =	shalt  }
0x7c: {  	_ =	shalt  }
0x7d: {  	_ =	shalt  }
0x7e: {  	_ =	shalt  }
0x7f: {  	_ =	shalt  }
0x80: {  	_ =	shalt  }
0x81: {  	_ =	shalt  }
0x82: {  	_ =	shalt  }
0x83: {  	_ =	shalt  }
0x84: {  	_ =	shalt  }
0x85: {  	_ =	shalt  }
0x86: {  	_ =	shalt  }
0x87: {  	_ =	shalt  }
.Lfunc_end0:
.L_simem_size_0:
called_computation.7_lowered:
.L_overlay_start_0:
0x88: {  	s2 =	sld [smem:$0x3FD9]  }
0x89: {  	s3 =	sld [smem:$0x3FFE];
	_ =	sdelay $0x1  }
0x8a: {  	s1 =	srdreg.scid  }
0x8b: {  	s0 =	sand.u32 $0x1, s1  }
0x8c: {  	s17 =	sshll.u32 s0, $0xA;
	s2 =	sadd.s32 s3, s2  }
0x8d: {  	s2 =	sadd.s32 s2, s17  }
0x8e: {  	[smem:$0x3F91] =	sst s2  }
0x8f: {  	_ = 	snop  }
0x90: {  	(tm) =	ssettm $0x1  }
0x91: {  	s18 =	sld [smem:$0x3FFB];
	_ =	sdelay $0x3  }
0x92: {  	_ =	strace s18  }
0x93: {  	s2 =	sld [smem:$0x3FFC];
	_ =	sdelay $0x3  }
0x94: {  	_ =	strace s2  }
0x95: {  	s2 =	sld [smem:$0x3FFD];
	_ =	sdelay $0x3  }
0x96: {  	_ =	strace s2  }
0x97: {  	_ =	strace $0x8FFFFFFF  }
0x98: {  	s19 =	sld [smem:$0x3FDB];
	_ =	sdelay $0x1  }
0x99: {  	s20 =	simm.s32 $_scs_section_size  }
0x9a: {  	s4 =	simm.s32 $_size__tile_overlayer_lowered;
	s5 =	simm.s32 $_tile_overlayer_lowered  }
0x9b: {  	s6 =	simm.s32 $0x1BFF;
	s21 =	sshll.u32 s5, $0x1;
	s3 =	sadd.s32 s20, s19  }
0x9c: {  	s22 =	simm.s32 $0x0;
	s4 =	sshll.u32 s4, $0x1;
	s5 =	sadd.s32 s21, s3  }
0x9d: {  	[timem:s22], [sflag:s6] =	dma.local [hbm:s5], s4  }
0x9e: {  	_ =	swait.ge [sflag:s6], s4  }
0x9f: {  	s4 =	ssub.s32 $0x0, s4;
	[sflag:s6] =	ssyncset.done $0x0  }
0xa0: {  	[sflag:s6] =	ssyncadd.s32 s4;
	_ =	sdelay $0x1  }
0xa1: {  	s23 =	simm.s32 $0x1B8B  }
0xa2: {  	_ =	swait.ge [sflag:s23], $0x1  }
0xa3: {  	[sflag:s23] =	ssyncset.done $0x0  }
0xa4: {  	[sflag:s23] =	ssyncadd.s32 $0xFFFFFFFF  }
0xa5: {  	s4 =	sld [smem:$0x0]  }
0xa6: {  	s5 =	sand.u32 $0xFFFFFFFE, s1  }
0xa7: {  	p0 =	sne.s32 s1, s5  }
0xa8: {  	s5 =	sshll.u32 @p0 s5, $0xE  }
0xa9: {  	s5 =	sadd.s32 @p0 $0x11B8D, s5;
	s6 =	sshll.u32 @p0 s4, $0x11  }
0xaa: {  	s5 =	sor.u32 @p0 s6, s5  }
0xab: {  	[sflag:s5] =	ssyncadd.remote.s32 @p0 $0x1;
	_ =	sdelay $0x1  }
0xac: {  	s5 =	simm.s32 @p0 $0x1B8D  }
0xad: {  	_ =	swait.eq @p0 [sflag:s5], $0x1  }
0xae: {  	[sflag:s5] =	ssyncadd.s32 @p0 $0xFFFFFFFF  }
0xaf: {  	s6 =	sshll.u32 @!p0 s1, $0xE  }
0xb0: {  	s6 =	sor.u32 @!p0 $0x4000, s6;
	s5 =	simm.s32 @!p0 $0x1B8D  }
0xb1: {  	s4 =	sshll.u32 @!p0 s4, $0x11;
	s6 =	sadd.s32 @!p0 $0x11B8D, s6;
	_ =	swait.eq @!p0 [sflag:s5], $0x1  }
0xb2: {  	s4 =	sor.u32 @!p0 s4, s6;
	[sflag:s5] =	ssyncadd.s32 @!p0 $0xFFFFFFFF  }
0xb3: {  	s25 =	simm.s32 $0x1B8E;
	s24 =	sld [smem:$0x3FFE];
	[sflag:s4] =	ssyncadd.remote.s32 @!p0 $0x1  }
0xb4: {  	s26 =	simm.s32 $execute0_lowered;
	[smem:$0x3FD2] =	sst s25  }
0xb5: {  	s5 =	sshll.u32 s26, $0x1;
	_ =	strace $0x8000005B;
	[dreg:$0x1] =	wrdreg $0xFFFFFFFF  }
0xb6: {  	s28 =	simm.s32 $_size_execute0_lowered;
	s3 =	sadd.s32 s3, s5;
	[dreg:$0x0] =	wrdreg $0x0  }
0xb7: {  	s5 =	sshll.u32 s28, $0x1;
	[dreg:$0x2] =	wrdreg s3  }
0xb8: {  	[dreg:$0x3] =	wrdreg s5  }
0xb9: {  	[dreg:$0x4] =	wrdreg $0xC0  }
0xba: {  	_ =	task [dreg:s22], $0x5FFFF  }
0xbb: {  	[dreg:$0x1] =	wrdreg $0xFFFFFFFF  }
0xbc: {  	[dreg:$0x0] =	wrdreg $0x60  }
0xbd: {  	[dreg:$0x2] =	wrdreg s24  }
0xbe: {  	[dreg:$0x3] =	wrdreg $0xC  }
0xbf: {  	_ =	task.clear_ibuf [dreg:s22], $0x4FFFF;
	_ =	strace $0x9000005B  }
0xc0: {  	s29 =	simm.s32 $0xC;
	_ =	strace $0x8000005D  }
0xc1: {  	_ =	swait.ge [sflag:s29], $0x1  }
0xc2: {  	[sflag:s29] =	ssyncadd.s32 $0xFFFFFFFF  }
0xc3: {  	_ =	strace $0x9000005D  }
0xc4: {  	_ =	sfence  }
0xc5: {  	s30 =	sld [smem:$0x0];
	_ =	sdelay $0x2  }
0xc6: {  	s31 =	sshll.u32 s1, $0xD;
	s1 =	sshrl.u32 s1, $0x2  }
0xc7: {  	s4 =	sand.u32 $0x4000, s31;
	s1 =	sadd.s32 s1, s30  }
0xc8: {  	s0 =	sor.u32 s4, s0;
	s1 =	sshll.u32 s1, $0x11  }
0xc9: {  	s0 =	sor.u32 s1, s0  }
0xca: {  	s0 =	sadd.s32 $0x8F2B, s0  }
0xcb: {  	[sflag:s0] =	ssyncadd.remote.s32 $0x1  }
0xcc: {  	_ =	sfence.sel $0xFFFF  }
0xcd: {  	[dreg:$0x0] =	wrdreg $0xFFFFFFFF;
	(pc) =	sbr.abs _section_cstart, $3  }
0xce: {  	[dreg:$0x1] =	wrdreg $0xFFFFFFFF  }
0xcf: {  	_ =	task.clear_ibuf [dreg:s22], $0x2FFFF;
	_ =	strace $0x9FFFFFFF  }
0xd0: {  	(tm) =	ssettm $0x7FFFFFFF  }
0xd1: {  	_ =	shalt  }
tec
execute0_lowered:
.L_overlay_start_1:
0x0: {  	(tag) =	ssettag $0x1  }
0x1: {  	s1 =	srdreg.scid  }
0x2: {  	s0 =	stileid.u32;
	s10 =	sand.u32 $0x1, s1  }
0x3: {  	s8 =	rddreg [dreg:$0x0];
	s3 =	sshll.u32 s0, $0xB;
	s4 =	sshll.u32 s10, $0xA  }
0x4: {  	s2 =	simm.s32 $0x0;
	s1 =	rddreg [dreg:$0x1];
	s9 =	sor.u32 s4, s3  }
0x5: {  	[smem:$0x7FF] =	sst s2;
	s11 =	sadd.s32 $0xA800, s8;
	s3 =	sshrl.u32 s9, $0x3  }
0x6: {  	_ =	strace $0x8000005C;
	s4 =	sadd.s32 s11, s3;
	s3 =	simm.s32 $0x2  }
0x7: {  	[tilespmem:s2], [sflag:$0x2] =	stream.linear.gather [hbm4b:s4+s2], $0x200, $0x38;
	[tilespmem:$0x10200] =	vst v63  }
0x8: {  	_ =	swait.ge [sflag:s3], $0x200  }
0x9: {  	s6 =	simm.s32 $0x200;
	[sflag:s3] =	ssyncset.done $0x0  }
0xa: {  	s7 =	simm.s32 $0x1;
	s5 =	sadd.s32 $0x78200, s8;
	[sflag:s3] =	ssyncadd.s32 $0xFFFFFE00  }
0xb: {  	[tilespmem:s6], [sflag:$0x1] =	stream.indirect.gather [hbm4b:s5+s6], $0x80, s2, s6, $0xb8;
	[tilespmem:$0x10200] =	vst v63  }
0xc: {  	_ =	swait.ge [sflag:s7], $0x10000  }
0xd: {  	s12 =	sadd.s32 $0x208200, s8;
	s29 =	sshll.u32 s9, $0x4;
	[sflag:s7] =	ssyncset.done $0x0  }
0xe: {  	s8 =	sadd.s32 s12, s29;
	[sflag:s7] =	ssyncadd.s32 $0xFFFF0000  }
0xf: {  	[hbm4b:s8+s2] =	stream.linear.scatter [tilespmem:s6], [sflag:$0x2], $0x10000, $0x38;
	[tilespmem:$0x10200] =	vst v63  }
0x10: {  	s13 =	sor.u32 $0x200, s9;
	_ =	swait.ge [sflag:s3], $0x10000  }
0x11: {  	s9 =	sshrl.u32 s13, $0x3;
	[sflag:s3] =	ssyncset.done $0x0  }
0x12: {  	s10 =	ssub.s32 $0x2, s10;
	s9 =	sadd.s32 s11, s9;
	[sflag:s3] =	ssyncadd.s32 $0xFFFF0000  }
0x13: {  	[tilespmem:s2], [sflag:$0x2] =	stream.linear.gather [hbm4b:s9+s2], $0x200, $0x38;
	[tilespmem:$0x10200] =	vst v63  }
0x14: {  	s30 =	sshrl.u32 s10, $0x1;
	_ =	swait.ge [sflag:s3], $0x200  }
0x15: {  	s11 =	ssub.s32 s10, s30;
	[sflag:s3] =	ssyncset.done $0x0  }
0x16: {  	s11 =	smax.u32 s11, $0x1;
	[sflag:s3] =	ssyncadd.s32 $0xFFFFFE00  }
0x17: {  	[tilespmem:s6], [sflag:$0x1] =	stream.indirect.gather [hbm4b:s5+s6], $0x80, s2, s6, $0xb8;
	[tilespmem:$0x10200] =	vst v63  }
0x18: {  	p0 =	sne.s32 s11, $0x1;
	_ =	swait.ge [sflag:s7], $0x10000  }
.Ltmp0:
0x19: {  	s31 =	sshll.u32 s13, $0x4;
	[sflag:s7] =	ssyncset.done $0x0;
	(pc) =	sbr.rel @!p0 .LBB2_2-.Ltmp0, $4  }
0x1a: {  	s10 =	sadd.s32 s12, s31;
	[sflag:s7] =	ssyncadd.s32 $0xFFFF0000  }
0x1b: {  	[hbm4b:s10+s2] =	stream.linear.scatter [tilespmem:s6], [sflag:$0x2], $0x10000, $0x38;
	[tilespmem:$0x10200] =	vst v63  }
0x1c: {  	_ =	swait.ge [sflag:s3], $0x10000  }
0x1d: {  	s11 =	sadd.s32 $0xFFFFFFFF, s11;
	[sflag:s3] =	ssyncset.done $0x0  }
.LBB2_1:
0x1e: {  	p0 =	sne.s32 s11, $0x1;
	s11 =	sadd.s32 $0xFFFFFFFF, s11;
	[sflag:s3] =	ssyncadd.s32 $0xFFFF0000  }
0x1f: {  	[tilespmem:s2], [sflag:$0x2] =	stream.linear.gather [hbm4b:s4+s2], $0x200, $0x38;
	[tilespmem:$0x10200] =	vst v63  }
0x20: {  	_ =	swait.ge [sflag:s3], $0x200  }
0x21: {  	[sflag:s3] =	ssyncset.done $0x0  }
0x22: {  	[sflag:s3] =	ssyncadd.s32 $0xFFFFFE00  }
0x23: {  	[tilespmem:s6], [sflag:$0x1] =	stream.indirect.gather [hbm4b:s5+s6], $0x80, s2, s6, $0xb8;
	[tilespmem:$0x10200] =	vst v63  }
0x24: {  	_ =	swait.ge [sflag:s7], $0x10000  }
0x25: {  	[sflag:s7] =	ssyncset.done $0x0  }
0x26: {  	[sflag:s7] =	ssyncadd.s32 $0xFFFF0000  }
0x27: {  	[hbm4b:s8+s2] =	stream.linear.scatter [tilespmem:s6], [sflag:$0x2], $0x10000, $0x38;
	[tilespmem:$0x10200] =	vst v63  }
0x28: {  	_ =	swait.ge [sflag:s3], $0x10000  }
0x29: {  	[sflag:s3] =	ssyncset.done $0x0  }
0x2a: {  	[sflag:s3] =	ssyncadd.s32 $0xFFFF0000  }
0x2b: {  	[tilespmem:s2], [sflag:$0x2] =	stream.linear.gather [hbm4b:s9+s2], $0x200, $0x38;
	[tilespmem:$0x10200] =	vst v63  }
0x2c: {  	_ =	swait.ge [sflag:s3], $0x200  }
0x2d: {  	[sflag:s3] =	ssyncset.done $0x0  }
0x2e: {  	[sflag:s3] =	ssyncadd.s32 $0xFFFFFE00  }
0x2f: {  	[tilespmem:s6], [sflag:$0x1] =	stream.indirect.gather [hbm4b:s5+s6], $0x80, s2, s6, $0xb8;
	[tilespmem:$0x10200] =	vst v63  }
0x30: {  	_ =	swait.ge [sflag:s7], $0x10000  }
.Ltmp1:
0x31: {  	[sflag:s7] =	ssyncset.done $0x0;
	(pc) =	sbr.rel @p0 .LBB2_1-.Ltmp1, $4  }
0x32: {  	[sflag:s7] =	ssyncadd.s32 $0xFFFF0000  }
0x33: {  	[hbm4b:s10+s2] =	stream.linear.scatter [tilespmem:s6], [sflag:$0x2], $0x10000, $0x38;
	[tilespmem:$0x10200] =	vst v63  }
0x34: {  	_ =	swait.ge [sflag:s3], $0x10000  }
0x35: {  	[sflag:s3] =	ssyncset.done $0x0  }
.LBB2_2:
0x36: {  	[sflag:s3] =	ssyncadd.s32 $0xFFFF0000  }
0x37: {  	_ =	sfence.sel $0x180000  }
0x38: {  	[bflag:$0x0] =	sbarrier.arrive $0xFFFF  }
0x39: {  	p0 =	sne.s32 s0, $0x0;
	_ =	strace $0x9000005C  }
0x3a: {  	s0 =	sadd.s32 @!p0 $0x100000, s1;
	[bflag:$0x2] =	sbarrier.arrive $0xFFFF  }
0x3b: {  	[sflag:s0] =	ssyncadd.tile.s32 @!p0 $0x1;
	_ =	shalt  }
.Lfunc_end2:
_tile_overlayer_lowered:
.L_overlay_start_2:
0x3c: {  	(tag) =	ssettag $0x2  }
0x3d: {  	s0 =	rddreg [dreg:$0x0];
	s2 =	stileid.u32  }
0x3e: {  	s1 =	rddreg [dreg:$0x1];
	p0 =	sne.s32 s2, $0x0  }
0x3f: {  	s3 =	rddreg [dreg:$0x2];
	[bflag:$0x3] =	sbarrier.arrive $0xFFFF;
	s2 =	simm.s32 @!p0 $0x1C02  }
0x40: {  	[timem:s3], [sflag:s2] =	dma.local @!p0 [hbm:s0], s1  }
0x41: {  	s0 =	simm.s32 @!p0 $0x2  }
0x42: {  	_ =	swait.ge @!p0 [sflag:s0], s1  }
0x43: {  	s1 =	ssub.s32 @!p0 $0x0, s1;
	[sflag:s0] =	ssyncset.done @!p0 $0x0  }
0x44: {  	[sflag:s0] =	ssyncadd.s32 @!p0 s1  }
0x45: {  	[bflag:$0x3] =	sbarrier.arrive $0xFFFF  }
0x46: {  	_ =	shalt  }

</sc_bundles>
